<compile_context>
chip_gen: v7x
topology: tpu7x:2x2x1
jax: 0.10.2.dev20260603
libtpu: 0.0.44.dev20260713+nightly
codegen_flags: <defaults>
</compile_context>

<pallas_src>
import functools

import jax
import jax.numpy as jnp
from jax import lax
from jax.experimental import pallas as pl
from jax.experimental.pallas import tpu as pltpu
from jax.experimental.pallas import tpu_sc as plsc

TASK_NUM = 100000
FEATURE = 128
WORKER = 10000
CLASS = 10
CP = 16
HIDDEN = 256
ANSWERS = 500000

NC, NS = 2, 16
NW = NC * NS
CH = 128
AMIN = -(-ANSWERS // CH) * CH
NCHT = AMIN // CH
PMAX = -(-NCHT // NW)

BN = 2048
GRID = -(-TASK_NUM // BN)


def _enc_body(tf_ref, W1_ref, b1_ref, Wmuls_ref, bmuls_ref, eps_ref,
              rho_ref, z_ref, zn_ref, mu_ref, ls_ref, sp_ref):
    isq = 1.0 / jnp.sqrt(jnp.float32(1.0) + jnp.float32(1e-3))
    tf = tf_ref[...]
    h = jnp.maximum(
        jnp.dot(tf, W1_ref[...], preferred_element_type=jnp.float32) * isq
        + b1_ref[...], 0.0)
    mulsT = lax.dot_general(Wmuls_ref[...], h, (((0,), (1,)), ((), ())),
                            preferred_element_type=jnp.float32) \
        + bmuls_ref[...]
    muT = mulsT[:CP, :]
    lsT = mulsT[CP:, :]
    zT = muT + eps_ref[...] * jnp.exp(lsT)
    z_ref[...] = zT.T
    zn_ref[...] = zT[:CLASS, :]
    mu_ref[...] = muT[:CLASS, :]
    ls_ref[...] = lsT[:CLASS, :]
    @pl.when(pl.program_id(0) == 0)
    def _():
        rho = rho_ref[...]
        sp_ref[...] = jnp.maximum(rho, 0.0) + jnp.log1p(jnp.exp(-jnp.abs(rho)))


def _enc_call(tf, W1, b1, Wmuls, bmuls, eps_p, rho_p):
    f32 = jnp.float32
    const2 = lambda shape: pl.BlockSpec(shape, lambda i: (0, 0))
    return pl.pallas_call(
        _enc_body,
        grid=(GRID,),
        in_specs=[
            pl.BlockSpec((BN, FEATURE), lambda i: (i, 0)),
            const2((FEATURE, HIDDEN)),
            const2((1, HIDDEN)),
            const2((HIDDEN, 2 * CP)),
            const2((2 * CP, 1)),
            pl.BlockSpec((CP, BN), lambda i: (0, i)),
            const2((WORKER, CP)),
        ],
        out_specs=[
            pl.BlockSpec((BN, CP), lambda i: (i, 0)),
            pl.BlockSpec((CLASS, BN), lambda i: (0, i)),
            pl.BlockSpec((CLASS, BN), lambda i: (0, i)),
            pl.BlockSpec((CLASS, BN), lambda i: (0, i)),
            const2((WORKER, CP)),
        ],
        out_shape=[
            jax.ShapeDtypeStruct((TASK_NUM, CP), f32),
            jax.ShapeDtypeStruct((CLASS, TASK_NUM), f32),
            jax.ShapeDtypeStruct((CLASS, TASK_NUM), f32),
            jax.ShapeDtypeStruct((CLASS, TASK_NUM), f32),
            jax.ShapeDtypeStruct((WORKER, CP), f32),
        ],
    )(tf, W1, b1, Wmuls, bmuls, eps_p, rho_p)


def _dec_body(z_ref, W2_ref, b2_ref, W3_ref, b3_ref, rec_ref):
    isq = 1.0 / jnp.sqrt(jnp.float32(1.0) + jnp.float32(1e-3))
    x = jnp.maximum(
        jnp.dot(z_ref[...], W2_ref[...], preferred_element_type=jnp.float32)
        + b2_ref[...], 0.0) * isq
    rec_ref[...] = jnp.dot(x, W3_ref[...], preferred_element_type=jnp.float32) \
        + b3_ref[...]


def _dec_call(z_p, W2p, b2, W3, b3):
    const2 = lambda shape: pl.BlockSpec(shape, lambda i: (0, 0))
    return pl.pallas_call(
        _dec_body,
        grid=(GRID,),
        in_specs=[
            pl.BlockSpec((BN, CP), lambda i: (i, 0)),
            const2((CP, HIDDEN)),
            const2((1, HIDDEN)),
            const2((HIDDEN, FEATURE)),
            const2((1, FEATURE)),
        ],
        out_specs=pl.BlockSpec((BN, FEATURE), lambda i: (i, 0)),
        out_shape=jax.ShapeDtypeStruct((TASK_NUM, FEATURE), jnp.float32),
    )(z_p, W2p, b2, W3, b3)


def _sc_body(z_hbm, sp_hbm, mw_hbm, ridx_hbm, cidx_hbm, out_hbm,
             ir0, ic0, ir1, ic1, ir2, ic2, ir3, ic3,
             zr0, zr1, zr2, zr3, sp0, sp1, sp2, sp3, mw0, mw1, mw2, mw3,
             outT, semi, semg):
    wid = lax.axis_index("s") * NC + lax.axis_index("c")
    irs = (ir0, ir1, ir2, ir3)
    ics = (ic0, ic1, ic2, ic3)
    gz = (zr0, zr1, zr2, zr3)
    gs = (sp0, sp1, sp2, sp3)
    gm = (mw0, mw1, mw2, mw3)

    def cid_of(p):
        return wid + p * NW

    def stage(p, s):
        cid = cid_of(p)

        @pl.when(cid < NCHT)
        def _():
            col = pl.ds(cid * CH, CH)
            pltpu.async_copy(ridx_hbm.at[col], irs[s], semi)
            pltpu.async_copy(cidx_hbm.at[col], ics[s], semi)

    def fire(p, s):
        cid = cid_of(p)

        @pl.when(cid < NCHT)
        def _():
            pltpu.make_async_copy(ridx_hbm.at[pl.ds(0, CH)], irs[s],
                                  semi).wait()
            pltpu.make_async_copy(cidx_hbm.at[pl.ds(0, CH)], ics[s],
                                  semi).wait()
            pltpu.async_copy(z_hbm.at[irs[s]], gz[s], semg)
            pltpu.async_copy(sp_hbm.at[ics[s]], gs[s], semg)
            pltpu.async_copy(mw_hbm.at[ics[s]], gm[s], semg)

    def process(p, s):
        cid = cid_of(p)

        @pl.when(cid < NCHT)
        def _():
            zb, sb, mb = gz[s], gs[s], gm[s]
            pltpu.make_async_copy(z_hbm.at[irs[s]], zb, semg).wait()
            pltpu.make_async_copy(sp_hbm.at[ics[s]], sb, semg).wait()
            pltpu.make_async_copy(mw_hbm.at[ics[s]], mb, semg).wait()

            def grp(g, carry):
                rows = g * 16 + lax.iota(jnp.int32, 16)
                for c in range(CLASS):
                    cc = jnp.full((16,), c, jnp.int32)
                    zv = plsc.load_gather(zb, [rows, cc])
                    sv = plsc.load_gather(sb, [rows, cc])
                    mv = plsc.load_gather(mb, [rows, cc])
                    outT[c, pl.ds(g * 16, 16)] = zv * sv + mv
                return carry

            lax.fori_loop(0, CH // 16, grp, 0)
            pltpu.sync_copy(outT.at[pl.ds(0, 8), :], out_hbm.at[0, cid])
            pltpu.sync_copy(outT.at[pl.ds(8, 8), :], out_hbm.at[1, cid])

    for p in range(4):
        stage(p, p)
    for p in range(3):
        fire(p, p)

    def quad(q, carry):
        p = 4 * q
        for k in range(4):
            process(p + k, k)
            stage(p + k + 4, k)
            fire(p + k + 3, (k + 3) % 4)
        return carry

    lax.fori_loop(0, -(-PMAX // 4), quad, 0)


@functools.lru_cache(maxsize=1)
def _eps_const():
    import numpy as np
    with jax.set_mesh(None), \
            jax.default_device(jax.local_devices(backend="cpu")[0]):
        e = np.asarray(
            0.01 * jax.random.normal(jax.random.key(1), (TASK_NUM, CLASS),
                                     dtype=jnp.float32))
    et = np.zeros((CP, TASK_NUM), np.float32)
    et[:CLASS] = e.T
    return et


_eps_const()


@functools.lru_cache(maxsize=1)
def _make_sc_gather():
    return pl.kernel(
        _sc_body,
        out_type=jax.ShapeDtypeStruct((2, NCHT, 8, CH), jnp.float32),
        mesh=plsc.VectorSubcoreMesh(core_axis_name="c", subcore_axis_name="s",
                                    num_cores=NC, num_subcores=NS),
        scratch_types=(
            [pltpu.VMEM((CH,), jnp.int32)] * 8
            + [pltpu.VMEM((CH, CP), jnp.float32)] * 12
            + [
                pltpu.VMEM((CP, CH), jnp.float32),
                pltpu.SemaphoreType.DMA,
                pltpu.SemaphoreType.DMA,
            ]
        ),
        compiler_params=pltpu.CompilerParams(use_tc_tiling_on_sc=False,
                                             needs_layout_passes=False),
    )


def kernel(task_feature, answers, W1, b1, Wmu, bmu, Wls, bls, W2, b2, W3, b3,
           worker_mu, worker_rho):
    f32 = jnp.float32
    pad_c = lambda a: jnp.pad(a, ((0, 0), (0, CP - CLASS)))
    Wmuls = jnp.concatenate([pad_c(Wmu), pad_c(Wls)], axis=1)
    bmuls = jnp.concatenate(
        [jnp.pad(bmu, (0, CP - CLASS)), jnp.pad(bls, (0, CP - CLASS))]
    ).reshape(2 * CP, 1)
    eps = _eps_const()
    W2p = jnp.pad(W2, ((0, CP - CLASS), (0, 0)))
    rho_p = pad_c(worker_rho)
    muw_p = pad_c(worker_mu)

    z_p, z_n, mu_n, ls_n, sp_t = _enc_call(
        task_feature, W1, b1.reshape(1, HIDDEN), Wmuls, bmuls, eps, rho_p)

    ridx = jnp.pad(answers[:, 0], (0, AMIN - ANSWERS))
    cidx = jnp.pad(answers[:, 1], (0, AMIN - ANSWERS))

    crowd_4d = _make_sc_gather()(z_p, sp_t, muw_p, ridx, cidx)
    recons = _dec_call(z_p, W2p, b2.reshape(1, HIDDEN), W3,
                       b3.reshape(1, FEATURE))
    crowd_t = crowd_4d.transpose(0, 2, 1, 3).reshape(CP, AMIN)
    crowd = crowd_t.T[:ANSWERS, :CLASS]

    return (crowd, z_n.T, recons, mu_n.T, ls_n.T)

# --- scband reference (transcript-rebuilt; emitter-appended) ---
"""Pipeline reference for scband-music-model-86895778333427 (READ-ONLY COPY).

The authoritative reference and input builder live on the scoring server;
editing this copy changes nothing except your own understanding.
"""

import jax, jax.numpy as jnp
import numpy as np

TASK_NUM = 100000
FEATURE = 128
WORKER = 10000
CLASS = 10
HIDDEN = 256
ANSWERS = 500000


def setup_inputs(seed: int = 0) -> dict:
    key = jax.random.key(seed)
    ks = jax.random.split(key, 16)
    task_feature = jax.random.normal(ks[0], (TASK_NUM, FEATURE), dtype=jnp.float32)
    task_ids = jax.random.randint(ks[1], (ANSWERS,), 0, TASK_NUM)
    worker_ids = jax.random.randint(ks[2], (ANSWERS,), 0, WORKER)
    label_ids = jax.random.randint(ks[3], (ANSWERS,), 0, CLASS)
    answers = jnp.stack([task_ids, worker_ids, label_ids], axis=1)
    W1 = jax.random.normal(ks[4], (FEATURE, HIDDEN), dtype=jnp.float32) * 0.05
    b1 = jnp.zeros((HIDDEN,), dtype=jnp.float32)
    Wmu = jax.random.normal(ks[5], (HIDDEN, CLASS), dtype=jnp.float32) * 0.05
    bmu = jnp.zeros((CLASS,), dtype=jnp.float32)
    Wls = jax.random.normal(ks[6], (HIDDEN, CLASS), dtype=jnp.float32) * 0.05
    bls = jnp.zeros((CLASS,), dtype=jnp.float32)
    W2 = jax.random.normal(ks[7], (CLASS, HIDDEN), dtype=jnp.float32) * 0.05
    b2 = jnp.zeros((HIDDEN,), dtype=jnp.float32)
    W3 = jax.random.normal(ks[8], (HIDDEN, FEATURE), dtype=jnp.float32) * 0.05
    b3 = jnp.zeros((FEATURE,), dtype=jnp.float32)
    worker_mu = jax.random.normal(ks[9], (WORKER, CLASS), dtype=jnp.float32) * 0.01
    worker_rho = jax.random.normal(ks[10], (WORKER, CLASS), dtype=jnp.float32) * 0.01
    return {
        'task_feature': task_feature, 'answers': answers,
        'W1': W1, 'b1': b1, 'Wmu': Wmu, 'bmu': bmu, 'Wls': Wls, 'bls': bls,
        'W2': W2, 'b2': b2, 'W3': W3, 'b3': b3,
        'worker_mu': worker_mu, 'worker_rho': worker_rho,
    }


def reference(task_feature, answers, W1, b1, Wmu, bmu, Wls, bls, W2, b2, W3, b3, worker_mu, worker_rho):
    eps_bn = 1e-3
    # right_NN: BatchNorm (center=False, scale=False, inference mode: mean=0, var=1)
    tfb = task_feature / jnp.sqrt(1.0 + eps_bn)
    h = jax.nn.relu(tfb @ W1 + b1)
    # Dropout with training=False -> identity
    task_mu = h @ Wmu + bmu
    task_log_sigma = h @ Wls + bls
    # reparameterization sample (eps ~ N(0, 0.01))
    eps = 0.01 * jax.random.normal(jax.random.key(1), (TASK_NUM, CLASS), dtype=jnp.float32)
    z = task_mu + eps * jnp.exp(task_log_sigma)
    x = jax.nn.relu(z @ W2 + b2)
    x = x / jnp.sqrt(1.0 + eps_bn)
    recons_task_feature = x @ W3 + b3
    # worker_NN: sparse gathers over answer triples
    row = answers[:, 0]
    col = answers[:, 1]
    masked_task_feature = jnp.take(z, row, axis=0)
    masked_worker_mu = jnp.take(worker_mu, col, axis=0)
    masked_worker_rho = jnp.take(worker_rho, col, axis=0)
    crowd_bias = masked_task_feature * jax.nn.softplus(masked_worker_rho) + masked_worker_mu
    return (crowd_bias, z, recons_task_feature, task_mu, task_log_sigma)

if __name__ == "__main__":
    import jax
    _d = setup_inputs()
    print(jax.jit(kernel)(*tuple(_d.values())))

</pallas_src>

<mosaic_0001>
#map = affine_map<(d0, d1) -> (0, 0)>
#map1 = affine_map<(d0, d1) -> (0)>
#map2 = affine_map<(d0, d1) -> (0, 0, 0, 0)>
module attributes {stable_mosaic.version = 14 : i64} {
  func.func @_sc_body(%arg0: i32, %arg1: i32, %arg2: memref<100000x16xf32, #tpu.memory_space<hbm>>, %arg3: memref<10000x16xf32, #tpu.memory_space<hbm>>, %arg4: memref<10000x16xf32, #tpu.memory_space<hbm>>, %arg5: memref<500096xi32, #tpu.memory_space<hbm>>, %arg6: memref<500096xi32, #tpu.memory_space<hbm>>, %arg7: memref<2x3907x8x128xf32, #tpu.memory_space<hbm>>, %arg8: memref<128xi32, #tpu.memory_space<vmem>>, %arg9: memref<128xi32, #tpu.memory_space<vmem>>, %arg10: memref<128xi32, #tpu.memory_space<vmem>>, %arg11: memref<128xi32, #tpu.memory_space<vmem>>, %arg12: memref<128xi32, #tpu.memory_space<vmem>>, %arg13: memref<128xi32, #tpu.memory_space<vmem>>, %arg14: memref<128xi32, #tpu.memory_space<vmem>>, %arg15: memref<128xi32, #tpu.memory_space<vmem>>, %arg16: memref<128x16xf32, #tpu.memory_space<vmem>>, %arg17: memref<128x16xf32, #tpu.memory_space<vmem>>, %arg18: memref<128x16xf32, #tpu.memory_space<vmem>>, %arg19: memref<128x16xf32, #tpu.memory_space<vmem>>, %arg20: memref<128x16xf32, #tpu.memory_space<vmem>>, %arg21: memref<128x16xf32, #tpu.memory_space<vmem>>, %arg22: memref<128x16xf32, #tpu.memory_space<vmem>>, %arg23: memref<128x16xf32, #tpu.memory_space<vmem>>, %arg24: memref<128x16xf32, #tpu.memory_space<vmem>>, %arg25: memref<128x16xf32, #tpu.memory_space<vmem>>, %arg26: memref<128x16xf32, #tpu.memory_space<vmem>>, %arg27: memref<128x16xf32, #tpu.memory_space<vmem>>, %arg28: memref<16x128xf32, #tpu.memory_space<vmem>>, %arg29: memref<!tpu.dma_semaphore, #tpu.memory_space<semaphore_mem>>, %arg30: memref<!tpu.dma_semaphore, #tpu.memory_space<semaphore_mem>>) attributes {dimension_semantics = [#tpu.dimension_semantics<core_parallel>, #tpu.dimension_semantics<subcore_parallel>], iteration_bounds = array<i64: 2, 16>, scalar_prefetch = 0 : i64, scratch_operands = 23 : i64, tpu.core_type = #tpu.core_type<sc_vector_subcore>, window_params = [{transform_indices = #map}, {transform_indices = #map}, {transform_indices = #map}, {transform_indices = #map1}, {transform_indices = #map1}, {transform_indices = #map2}]} {
    %mul3A = arith.constant 2 : i32
    %mul3A_0 = arith.muli %arg1, %mul3A : i32
    %add3A = arith.addi %mul3A_0, %arg0 : i32
    %add3A_1 = arith.constant 0 : i32
    %add3A_2 = arith.addi %add3A, %add3A_1 : i32
    %lt3A = arith.constant 3907 : i32
    %lt3A_3 = arith.cmpi slt, %add3A_2, %lt3A : i32
    %convert_element_type3A = arith.extui %lt3A_3 : i1 to i32
    %cond3A = arith.constant 0 : i32
    %cond3A_4 = arith.cmpi ne, %convert_element_type3A, %cond3A : i32
    scf.if %cond3A_4 {
      %mul3A_52 = arith.constant 128 : i32
      %mul3A_53 = arith.muli %add3A_2, %mul3A_52 : i32
      %dma_start3A = tpu.memref_slice %arg5[%mul3A_53] : memref<500096xi32, #tpu.memory_space<hbm>> -> memref<128xi32, #tpu.memory_space<hbm>>
      %dma_start3A_54 = tpu.memref_slice %arg5[%mul3A_53] : memref<500096xi32, #tpu.memory_space<hbm>> -> memref<128xi32, #tpu.memory_space<hbm>>
      tpu.enqueue_dma source(%dma_start3A_54 : memref<128xi32, #tpu.memory_space<hbm>>) target(%arg8 : memref<128xi32, #tpu.memory_space<vmem>>) target_semaphore(%arg29 : memref<!tpu.dma_semaphore, #tpu.memory_space<semaphore_mem>>)
      %dma_start3A_55 = tpu.memref_slice %arg6[%mul3A_53] : memref<500096xi32, #tpu.memory_space<hbm>> -> memref<128xi32, #tpu.memory_space<hbm>>
      %dma_start3A_56 = tpu.memref_slice %arg6[%mul3A_53] : memref<500096xi32, #tpu.memory_space<hbm>> -> memref<128xi32, #tpu.memory_space<hbm>>
      tpu.enqueue_dma source(%dma_start3A_56 : memref<128xi32, #tpu.memory_space<hbm>>) target(%arg9 : memref<128xi32, #tpu.memory_space<vmem>>) target_semaphore(%arg29 : memref<!tpu.dma_semaphore, #tpu.memory_space<semaphore_mem>>)
    } else {
    }
    %add3A_5 = arith.constant 32 : i32
    %add3A_6 = arith.addi %add3A, %add3A_5 : i32
    %lt3A_7 = arith.constant 3907 : i32
    %lt3A_8 = arith.cmpi slt, %add3A_6, %lt3A_7 : i32
    %convert_element_type3A_9 = arith.extui %lt3A_8 : i1 to i32
    %cond3A_10 = arith.constant 0 : i32
    %cond3A_11 = arith.cmpi ne, %convert_element_type3A_9, %cond3A_10 : i32
    scf.if %cond3A_11 {
      %mul3A_52 = arith.constant 128 : i32
      %mul3A_53 = arith.muli %add3A_6, %mul3A_52 : i32
      %dma_start3A = tpu.memref_slice %arg5[%mul3A_53] : memref<500096xi32, #tpu.memory_space<hbm>> -> memref<128xi32, #tpu.memory_space<hbm>>
      %dma_start3A_54 = tpu.memref_slice %arg5[%mul3A_53] : memref<500096xi32, #tpu.memory_space<hbm>> -> memref<128xi32, #tpu.memory_space<hbm>>
      tpu.enqueue_dma source(%dma_start3A_54 : memref<128xi32, #tpu.memory_space<hbm>>) target(%arg10 : memref<128xi32, #tpu.memory_space<vmem>>) target_semaphore(%arg29 : memref<!tpu.dma_semaphore, #tpu.memory_space<semaphore_mem>>)
      %dma_start3A_55 = tpu.memref_slice %arg6[%mul3A_53] : memref<500096xi32, #tpu.memory_space<hbm>> -> memref<128xi32, #tpu.memory_space<hbm>>
      %dma_start3A_56 = tpu.memref_slice %arg6[%mul3A_53] : memref<500096xi32, #tpu.memory_space<hbm>> -> memref<128xi32, #tpu.memory_space<hbm>>
      tpu.enqueue_dma source(%dma_start3A_56 : memref<128xi32, #tpu.memory_space<hbm>>) target(%arg11 : memref<128xi32, #tpu.memory_space<vmem>>) target_semaphore(%arg29 : memref<!tpu.dma_semaphore, #tpu.memory_space<semaphore_mem>>)
    } else {
    }
    %add3A_12 = arith.constant 64 : i32
    %add3A_13 = arith.addi %add3A, %add3A_12 : i32
    %lt3A_14 = arith.constant 3907 : i32
    %lt3A_15 = arith.cmpi slt, %add3A_13, %lt3A_14 : i32
    %convert_element_type3A_16 = arith.extui %lt3A_15 : i1 to i32
    %cond3A_17 = arith.constant 0 : i32
    %cond3A_18 = arith.cmpi ne, %convert_element_type3A_16, %cond3A_17 : i32
    scf.if %cond3A_18 {
      %mul3A_52 = arith.constant 128 : i32
      %mul3A_53 = arith.muli %add3A_13, %mul3A_52 : i32
      %dma_start3A = tpu.memref_slice %arg5[%mul3A_53] : memref<500096xi32, #tpu.memory_space<hbm>> -> memref<128xi32, #tpu.memory_space<hbm>>
      %dma_start3A_54 = tpu.memref_slice %arg5[%mul3A_53] : memref<500096xi32, #tpu.memory_space<hbm>> -> memref<128xi32, #tpu.memory_space<hbm>>
      tpu.enqueue_dma source(%dma_start3A_54 : memref<128xi32, #tpu.memory_space<hbm>>) target(%arg12 : memref<128xi32, #tpu.memory_space<vmem>>) target_semaphore(%arg29 : memref<!tpu.dma_semaphore, #tpu.memory_space<semaphore_mem>>)
      %dma_start3A_55 = tpu.memref_slice %arg6[%mul3A_53] : memref<500096xi32, #tpu.memory_space<hbm>> -> memref<128xi32, #tpu.memory_space<hbm>>
      %dma_start3A_56 = tpu.memref_slice %arg6[%mul3A_53] : memref<500096xi32, #tpu.memory_space<hbm>> -> memref<128xi32, #tpu.memory_space<hbm>>
      tpu.enqueue_dma source(%dma_start3A_56 : memref<128xi32, #tpu.memory_space<hbm>>) target(%arg13 : memref<128xi32, #tpu.memory_space<vmem>>) target_semaphore(%arg29 : memref<!tpu.dma_semaphore, #tpu.memory_space<semaphore_mem>>)
    } else {
    }
    %add3A_19 = arith.constant 96 : i32
    %add3A_20 = arith.addi %add3A, %add3A_19 : i32
    %lt3A_21 = arith.constant 3907 : i32
    %lt3A_22 = arith.cmpi slt, %add3A_20, %lt3A_21 : i32
    %convert_element_type3A_23 = arith.extui %lt3A_22 : i1 to i32
    %cond3A_24 = arith.constant 0 : i32
    %cond3A_25 = arith.cmpi ne, %convert_element_type3A_23, %cond3A_24 : i32
    scf.if %cond3A_25 {
      %mul3A_52 = arith.constant 128 : i32
      %mul3A_53 = arith.muli %add3A_20, %mul3A_52 : i32
      %dma_start3A = tpu.memref_slice %arg5[%mul3A_53] : memref<500096xi32, #tpu.memory_space<hbm>> -> memref<128xi32, #tpu.memory_space<hbm>>
      %dma_start3A_54 = tpu.memref_slice %arg5[%mul3A_53] : memref<500096xi32, #tpu.memory_space<hbm>> -> memref<128xi32, #tpu.memory_space<hbm>>
      tpu.enqueue_dma source(%dma_start3A_54 : memref<128xi32, #tpu.memory_space<hbm>>) target(%arg14 : memref<128xi32, #tpu.memory_space<vmem>>) target_semaphore(%arg29 : memref<!tpu.dma_semaphore, #tpu.memory_space<semaphore_mem>>)
      %dma_start3A_55 = tpu.memref_slice %arg6[%mul3A_53] : memref<500096xi32, #tpu.memory_space<hbm>> -> memref<128xi32, #tpu.memory_space<hbm>>
      %dma_start3A_56 = tpu.memref_slice %arg6[%mul3A_53] : memref<500096xi32, #tpu.memory_space<hbm>> -> memref<128xi32, #tpu.memory_space<hbm>>
      tpu.enqueue_dma source(%dma_start3A_56 : memref<128xi32, #tpu.memory_space<hbm>>) target(%arg15 : memref<128xi32, #tpu.memory_space<vmem>>) target_semaphore(%arg29 : memref<!tpu.dma_semaphore, #tpu.memory_space<semaphore_mem>>)
    } else {
    }
    %add3A_26 = arith.constant 0 : i32
    %add3A_27 = arith.addi %add3A, %add3A_26 : i32
    %lt3A_28 = arith.constant 3907 : i32
    %lt3A_29 = arith.cmpi slt, %add3A_27, %lt3A_28 : i32
    %convert_element_type3A_30 = arith.extui %lt3A_29 : i1 to i32
    %cond3A_31 = arith.constant 0 : i32
    %cond3A_32 = arith.cmpi ne, %convert_element_type3A_30, %cond3A_31 : i32
    scf.if %cond3A_32 {
      %dma_wait3A = arith.constant 0 : i32
      %dma_wait3A_52 = tpu.memref_slice %arg5[%dma_wait3A] : memref<500096xi32, #tpu.memory_space<hbm>> -> memref<128xi32, #tpu.memory_space<hbm>>
      %dma_wait3A_53 = arith.constant 0 : i32
      %dma_wait3A_54 = tpu.memref_slice %arg5[%dma_wait3A_53] : memref<500096xi32, #tpu.memory_space<hbm>> -> memref<128xi32, #tpu.memory_space<hbm>>
      tpu.wait_dma2 semaphore(%arg29 : memref<!tpu.dma_semaphore, #tpu.memory_space<semaphore_mem>>) src(%dma_wait3A_54 : memref<128xi32, #tpu.memory_space<hbm>>) dst(%arg8 : memref<128xi32, #tpu.memory_space<vmem>>)
      %dma_wait3A_55 = arith.constant 0 : i32
      %dma_wait3A_56 = tpu.memref_slice %arg6[%dma_wait3A_55] : memref<500096xi32, #tpu.memory_space<hbm>> -> memref<128xi32, #tpu.memory_space<hbm>>
      %dma_wait3A_57 = arith.constant 0 : i32
      %dma_wait3A_58 = tpu.memref_slice %arg6[%dma_wait3A_57] : memref<500096xi32, #tpu.memory_space<hbm>> -> memref<128xi32, #tpu.memory_space<hbm>>
      tpu.wait_dma2 semaphore(%arg29 : memref<!tpu.dma_semaphore, #tpu.memory_space<semaphore_mem>>) src(%dma_wait3A_58 : memref<128xi32, #tpu.memory_space<hbm>>) dst(%arg9 : memref<128xi32, #tpu.memory_space<vmem>>)
      %dma_start3A = arith.constant 0 : i32
      %dma_start3A_59 = arith.constant 0 : i32
      %dma_start3A_60 = tpu.memref_slice %arg2[%dma_start3A, %dma_start3A_59] : memref<100000x16xf32, #tpu.memory_space<hbm>> -> memref<100000x16xf32, #tpu.memory_space<hbm>>
      tpu.enqueue_indirect_dma source(%dma_start3A_60 : memref<100000x16xf32, #tpu.memory_space<hbm>>) target(%arg16 : memref<128x16xf32, #tpu.memory_space<vmem>>) offsets(%arg8 : memref<128xi32, #tpu.memory_space<vmem>>) semaphore(%arg30 : memref<!tpu.dma_semaphore, #tpu.memory_space<semaphore_mem>>)
      %dma_start3A_61 = arith.constant 0 : i32
      %dma_start3A_62 = arith.constant 0 : i32
      %dma_start3A_63 = tpu.memref_slice %arg3[%dma_start3A_61, %dma_start3A_62] : memref<10000x16xf32, #tpu.memory_space<hbm>> -> memref<10000x16xf32, #tpu.memory_space<hbm>>
      tpu.enqueue_indirect_dma source(%dma_start3A_63 : memref<10000x16xf32, #tpu.memory_space<hbm>>) target(%arg20 : memref<128x16xf32, #tpu.memory_space<vmem>>) offsets(%arg9 : memref<128xi32, #tpu.memory_space<vmem>>) semaphore(%arg30 : memref<!tpu.dma_semaphore, #tpu.memory_space<semaphore_mem>>)
      %dma_start3A_64 = arith.constant 0 : i32
      %dma_start3A_65 = arith.constant 0 : i32
      %dma_start3A_66 = tpu.memref_slice %arg4[%dma_start3A_64, %dma_start3A_65] : memref<10000x16xf32, #tpu.memory_space<hbm>> -> memref<10000x16xf32, #tpu.memory_space<hbm>>
      tpu.enqueue_indirect_dma source(%dma_start3A_66 : memref<10000x16xf32, #tpu.memory_space<hbm>>) target(%arg24 : memref<128x16xf32, #tpu.memory_space<vmem>>) offsets(%arg9 : memref<128xi32, #tpu.memory_space<vmem>>) semaphore(%arg30 : memref<!tpu.dma_semaphore, #tpu.memory_space<semaphore_mem>>)
    } else {
    }
    %add3A_33 = arith.constant 32 : i32
    %add3A_34 = arith.addi %add3A, %add3A_33 : i32
    %lt3A_35 = arith.constant 3907 : i32
    %lt3A_36 = arith.cmpi slt, %add3A_34, %lt3A_35 : i32
    %convert_element_type3A_37 = arith.extui %lt3A_36 : i1 to i32
    %cond3A_38 = arith.constant 0 : i32
    %cond3A_39 = arith.cmpi ne, %convert_element_type3A_37, %cond3A_38 : i32
    scf.if %cond3A_39 {
      %dma_wait3A = arith.constant 0 : i32
      %dma_wait3A_52 = tpu.memref_slice %arg5[%dma_wait3A] : memref<500096xi32, #tpu.memory_space<hbm>> -> memref<128xi32, #tpu.memory_space<hbm>>
      %dma_wait3A_53 = arith.constant 0 : i32
      %dma_wait3A_54 = tpu.memref_slice %arg5[%dma_wait3A_53] : memref<500096xi32, #tpu.memory_space<hbm>> -> memref<128xi32, #tpu.memory_space<hbm>>
      tpu.wait_dma2 semaphore(%arg29 : memref<!tpu.dma_semaphore, #tpu.memory_space<semaphore_mem>>) src(%dma_wait3A_54 : memref<128xi32, #tpu.memory_space<hbm>>) dst(%arg10 : memref<128xi32, #tpu.memory_space<vmem>>)
      %dma_wait3A_55 = arith.constant 0 : i32
      %dma_wait3A_56 = tpu.memref_slice %arg6[%dma_wait3A_55] : memref<500096xi32, #tpu.memory_space<hbm>> -> memref<128xi32, #tpu.memory_space<hbm>>
      %dma_wait3A_57 = arith.constant 0 : i32
      %dma_wait3A_58 = tpu.memref_slice %arg6[%dma_wait3A_57] : memref<500096xi32, #tpu.memory_space<hbm>> -> memref<128xi32, #tpu.memory_space<hbm>>
      tpu.wait_dma2 semaphore(%arg29 : memref<!tpu.dma_semaphore, #tpu.memory_space<semaphore_mem>>) src(%dma_wait3A_58 : memref<128xi32, #tpu.memory_space<hbm>>) dst(%arg11 : memref<128xi32, #tpu.memory_space<vmem>>)
      %dma_start3A = arith.constant 0 : i32
      %dma_start3A_59 = arith.constant 0 : i32
      %dma_start3A_60 = tpu.memref_slice %arg2[%dma_start3A, %dma_start3A_59] : memref<100000x16xf32, #tpu.memory_space<hbm>> -> memref<100000x16xf32, #tpu.memory_space<hbm>>
      tpu.enqueue_indirect_dma source(%dma_start3A_60 : memref<100000x16xf32, #tpu.memory_space<hbm>>) target(%arg17 : memref<128x16xf32, #tpu.memory_space<vmem>>) offsets(%arg10 : memref<128xi32, #tpu.memory_space<vmem>>) semaphore(%arg30 : memref<!tpu.dma_semaphore, #tpu.memory_space<semaphore_mem>>)
      %dma_start3A_61 = arith.constant 0 : i32
      %dma_start3A_62 = arith.constant 0 : i32
      %dma_start3A_63 = tpu.memref_slice %arg3[%dma_start3A_61, %dma_start3A_62] : memref<10000x16xf32, #tpu.memory_space<hbm>> -> memref<10000x16xf32, #tpu.memory_space<hbm>>
      tpu.enqueue_indirect_dma source(%dma_start3A_63 : memref<10000x16xf32, #tpu.memory_space<hbm>>) target(%arg21 : memref<128x16xf32, #tpu.memory_space<vmem>>) offsets(%arg11 : memref<128xi32, #tpu.memory_space<vmem>>) semaphore(%arg30 : memref<!tpu.dma_semaphore, #tpu.memory_space<semaphore_mem>>)
      %dma_start3A_64 = arith.constant 0 : i32
      %dma_start3A_65 = arith.constant 0 : i32
      %dma_start3A_66 = tpu.memref_slice %arg4[%dma_start3A_64, %dma_start3A_65] : memref<10000x16xf32, #tpu.memory_space<hbm>> -> memref<10000x16xf32, #tpu.memory_space<hbm>>
      tpu.enqueue_indirect_dma source(%dma_start3A_66 : memref<10000x16xf32, #tpu.memory_space<hbm>>) target(%arg25 : memref<128x16xf32, #tpu.memory_space<vmem>>) offsets(%arg11 : memref<128xi32, #tpu.memory_space<vmem>>) semaphore(%arg30 : memref<!tpu.dma_semaphore, #tpu.memory_space<semaphore_mem>>)
    } else {
    }
    %add3A_40 = arith.constant 64 : i32
    %add3A_41 = arith.addi %add3A, %add3A_40 : i32
    %lt3A_42 = arith.constant 3907 : i32
    %lt3A_43 = arith.cmpi slt, %add3A_41, %lt3A_42 : i32
    %convert_element_type3A_44 = arith.extui %lt3A_43 : i1 to i32
    %cond3A_45 = arith.constant 0 : i32
    %cond3A_46 = arith.cmpi ne, %convert_element_type3A_44, %cond3A_45 : i32
    scf.if %cond3A_46 {
      %dma_wait3A = arith.constant 0 : i32
      %dma_wait3A_52 = tpu.memref_slice %arg5[%dma_wait3A] : memref<500096xi32, #tpu.memory_space<hbm>> -> memref<128xi32, #tpu.memory_space<hbm>>
      %dma_wait3A_53 = arith.constant 0 : i32
      %dma_wait3A_54 = tpu.memref_slice %arg5[%dma_wait3A_53] : memref<500096xi32, #tpu.memory_space<hbm>> -> memref<128xi32, #tpu.memory_space<hbm>>
      tpu.wait_dma2 semaphore(%arg29 : memref<!tpu.dma_semaphore, #tpu.memory_space<semaphore_mem>>) src(%dma_wait3A_54 : memref<128xi32, #tpu.memory_space<hbm>>) dst(%arg12 : memref<128xi32, #tpu.memory_space<vmem>>)
      %dma_wait3A_55 = arith.constant 0 : i32
      %dma_wait3A_56 = tpu.memref_slice %arg6[%dma_wait3A_55] : memref<500096xi32, #tpu.memory_space<hbm>> -> memref<128xi32, #tpu.memory_space<hbm>>
      %dma_wait3A_57 = arith.constant 0 : i32
      %dma_wait3A_58 = tpu.memref_slice %arg6[%dma_wait3A_57] : memref<500096xi32, #tpu.memory_space<hbm>> -> memref<128xi32, #tpu.memory_space<hbm>>
      tpu.wait_dma2 semaphore(%arg29 : memref<!tpu.dma_semaphore, #tpu.memory_space<semaphore_mem>>) src(%dma_wait3A_58 : memref<128xi32, #tpu.memory_space<hbm>>) dst(%arg13 : memref<128xi32, #tpu.memory_space<vmem>>)
      %dma_start3A = arith.constant 0 : i32
      %dma_start3A_59 = arith.constant 0 : i32
      %dma_start3A_60 = tpu.memref_slice %arg2[%dma_start3A, %dma_start3A_59] : memref<100000x16xf32, #tpu.memory_space<hbm>> -> memref<100000x16xf32, #tpu.memory_space<hbm>>
      tpu.enqueue_indirect_dma source(%dma_start3A_60 : memref<100000x16xf32, #tpu.memory_space<hbm>>) target(%arg18 : memref<128x16xf32, #tpu.memory_space<vmem>>) offsets(%arg12 : memref<128xi32, #tpu.memory_space<vmem>>) semaphore(%arg30 : memref<!tpu.dma_semaphore, #tpu.memory_space<semaphore_mem>>)
      %dma_start3A_61 = arith.constant 0 : i32
      %dma_start3A_62 = arith.constant 0 : i32
      %dma_start3A_63 = tpu.memref_slice %arg3[%dma_start3A_61, %dma_start3A_62] : memref<10000x16xf32, #tpu.memory_space<hbm>> -> memref<10000x16xf32, #tpu.memory_space<hbm>>
      tpu.enqueue_indirect_dma source(%dma_start3A_63 : memref<10000x16xf32, #tpu.memory_space<hbm>>) target(%arg22 : memref<128x16xf32, #tpu.memory_space<vmem>>) offsets(%arg13 : memref<128xi32, #tpu.memory_space<vmem>>) semaphore(%arg30 : memref<!tpu.dma_semaphore, #tpu.memory_space<semaphore_mem>>)
      %dma_start3A_64 = arith.constant 0 : i32
      %dma_start3A_65 = arith.constant 0 : i32
      %dma_start3A_66 = tpu.memref_slice %arg4[%dma_start3A_64, %dma_start3A_65] : memref<10000x16xf32, #tpu.memory_space<hbm>> -> memref<10000x16xf32, #tpu.memory_space<hbm>>
      tpu.enqueue_indirect_dma source(%dma_start3A_66 : memref<10000x16xf32, #tpu.memory_space<hbm>>) target(%arg26 : memref<128x16xf32, #tpu.memory_space<vmem>>) offsets(%arg13 : memref<128xi32, #tpu.memory_space<vmem>>) semaphore(%arg30 : memref<!tpu.dma_semaphore, #tpu.memory_space<semaphore_mem>>)
    } else {
    }
    %scan3A = arith.constant 0 : i32
    %scan3A_47 = arith.constant 0 : i32
    %scan3A_48 = arith.constant 31 : i32
    %scan3A_49 = arith.addi %scan3A_47, %scan3A_48 : i32
    %scan3A_50 = arith.constant 1 : i32
    scf.for %scan3A_52 = %scan3A_47 to %scan3A_49 step %scan3A_50  : i32 {
      %mul3A_53 = arith.constant 4 : i32
      %mul3A_54 = arith.muli %mul3A_53, %scan3A_52 : i32
      %add3A_55 = arith.constant 0 : i32
      %add3A_56 = arith.addi %mul3A_54, %add3A_55 : i32
      %mul3A_57 = arith.constant 32 : i32
      %mul3A_58 = arith.muli %add3A_56, %mul3A_57 : i32
      %add3A_59 = arith.addi %add3A, %mul3A_58 : i32
      %lt3A_60 = arith.constant 3907 : i32
      %lt3A_61 = arith.cmpi slt, %add3A_59, %lt3A_60 : i32
      %convert_element_type3A_62 = arith.extui %lt3A_61 : i1 to i32
      %cond3A_63 = arith.constant 0 : i32
      %cond3A_64 = arith.cmpi ne, %convert_element_type3A_62, %cond3A_63 : i32
      scf.if %cond3A_64 {
        %dma_wait3A = arith.constant 0 : i32
        %dma_wait3A_191 = arith.constant 0 : i32
        %dma_wait3A_192 = tpu.memref_slice %arg2[%dma_wait3A, %dma_wait3A_191] : memref<100000x16xf32, #tpu.memory_space<hbm>> -> memref<100000x16xf32, #tpu.memory_space<hbm>>
        tpu.wait_indirect_dma semaphore(%arg30 : memref<!tpu.dma_semaphore, #tpu.memory_space<semaphore_mem>>) src(%dma_wait3A_192 : memref<100000x16xf32, #tpu.memory_space<hbm>>) dst(%arg16 : memref<128x16xf32, #tpu.memory_space<vmem>>)
        %dma_wait3A_193 = arith.constant 0 : i32
        %dma_wait3A_194 = arith.constant 0 : i32
        %dma_wait3A_195 = tpu.memref_slice %arg3[%dma_wait3A_193, %dma_wait3A_194] : memref<10000x16xf32, #tpu.memory_space<hbm>> -> memref<10000x16xf32, #tpu.memory_space<hbm>>
        tpu.wait_indirect_dma semaphore(%arg30 : memref<!tpu.dma_semaphore, #tpu.memory_space<semaphore_mem>>) src(%dma_wait3A_195 : memref<10000x16xf32, #tpu.memory_space<hbm>>) dst(%arg20 : memref<128x16xf32, #tpu.memory_space<vmem>>)
        %dma_wait3A_196 = arith.constant 0 : i32
        %dma_wait3A_197 = arith.constant 0 : i32
        %dma_wait3A_198 = tpu.memref_slice %arg4[%dma_wait3A_196, %dma_wait3A_197] : memref<10000x16xf32, #tpu.memory_space<hbm>> -> memref<10000x16xf32, #tpu.memory_space<hbm>>
        tpu.wait_indirect_dma semaphore(%arg30 : memref<!tpu.dma_semaphore, #tpu.memory_space<semaphore_mem>>) src(%dma_wait3A_198 : memref<10000x16xf32, #tpu.memory_space<hbm>>) dst(%arg24 : memref<128x16xf32, #tpu.memory_space<vmem>>)
        %scan3A_199 = arith.constant 0 : i32
        %scan3A_200 = arith.constant 0 : i32
        %scan3A_201 = arith.constant 8 : i32
        %scan3A_202 = arith.addi %scan3A_200, %scan3A_201 : i32
        %scan3A_203 = arith.constant 1 : i32
        scf.for %scan3A_206 = %scan3A_200 to %scan3A_202 step %scan3A_203  : i32 {
          %mul3A_207 = arith.constant 16 : i32
          %mul3A_208 = arith.muli %scan3A_206, %mul3A_207 : i32
          %iota3A = tpu.iota {dimensions = array<i32: 0>} : vector<16xi32>
          %add3A_209 = vector.broadcast %mul3A_208 : i32 to vector<16xi32>
          %add3A_210 = arith.addi %add3A_209, %iota3A : vector<16xi32>
          %broadcast_in_dim3A = arith.constant 0 : i32
          %broadcast_in_dim3A_211 = vector.broadcast %broadcast_in_dim3A : i32 to vector<16xi32>
          %gather3A = tpu.vector_load_idx %arg16[%add3A_210, %broadcast_in_dim3A_211] : memref<128x16xf32, #tpu.memory_space<vmem>>[vector<16xi32>, vector<16xi32>], vector<16xf32>,
          %gather3A_212 = tpu.vector_load_idx %arg20[%add3A_210, %broadcast_in_dim3A_211] : memref<128x16xf32, #tpu.memory_space<vmem>>[vector<16xi32>, vector<16xi32>], vector<16xf32>,
          %gather3A_213 = tpu.vector_load_idx %arg24[%add3A_210, %broadcast_in_dim3A_211] : memref<128x16xf32, #tpu.memory_space<vmem>>[vector<16xi32>, vector<16xi32>], vector<16xf32>,
          %mul3A_214 = arith.mulf %gather3A, %gather3A_212 : vector<16xf32>
          %add3A_215 = arith.addf %mul3A_214, %gather3A_213 : vector<16xf32>
          %mul3A_216 = arith.constant 16 : i32
          %mul3A_217 = arith.muli %scan3A_206, %mul3A_216 : i32
          %swap3A = arith.constant 0 : i32
          %swap3A_218 = arith.index_cast %swap3A : i32 to index
          %swap3A_219 = arith.index_cast %mul3A_217 : i32 to index
          %swap3A_220 = tpu.vector_load %arg28[%swap3A_218, %swap3A_219] {strides = array<i32>} : memref<16x128xf32, #tpu.memory_space<vmem>>, vector<16xf32>,
          tpu.vector_store %arg28[%swap3A_218, %swap3A_219], %add3A_215 {strides = array<i32>} : memref<16x128xf32, #tpu.memory_space<vmem>>, vector<16xf32>,
          %broadcast_in_dim3A_221 = arith.constant 1 : i32
          %broadcast_in_dim3A_222 = vector.broadcast %broadcast_in_dim3A_221 : i32 to vector<16xi32>
          %gather3A_223 = tpu.vector_load_idx %arg16[%add3A_210, %broadcast_in_dim3A_222] : memref<128x16xf32, #tpu.memory_space<vmem>>[vector<16xi32>, vector<16xi32>], vector<16xf32>,
          %gather3A_224 = tpu.vector_load_idx %arg20[%add3A_210, %broadcast_in_dim3A_222] : memref<128x16xf32, #tpu.memory_space<vmem>>[vector<16xi32>, vector<16xi32>], vector<16xf32>,
          %gather3A_225 = tpu.vector_load_idx %arg24[%add3A_210, %broadcast_in_dim3A_222] : memref<128x16xf32, #tpu.memory_space<vmem>>[vector<16xi32>, vector<16xi32>], vector<16xf32>,
          %mul3A_226 = arith.mulf %gather3A_223, %gather3A_224 : vector<16xf32>
          %add3A_227 = arith.addf %mul3A_226, %gather3A_225 : vector<16xf32>
          %mul3A_228 = arith.constant 16 : i32
          %mul3A_229 = arith.muli %scan3A_206, %mul3A_228 : i32
          %swap3A_230 = arith.constant 1 : i32
          %swap3A_231 = arith.index_cast %swap3A_230 : i32 to index
          %swap3A_232 = arith.index_cast %mul3A_229 : i32 to index
          %swap3A_233 = tpu.vector_load %arg28[%swap3A_231, %swap3A_232] {strides = array<i32>} : memref<16x128xf32, #tpu.memory_space<vmem>>, vector<16xf32>,
          tpu.vector_store %arg28[%swap3A_231, %swap3A_232], %add3A_227 {strides = array<i32>} : memref<16x128xf32, #tpu.memory_space<vmem>>, vector<16xf32>,
          %broadcast_in_dim3A_234 = arith.constant 2 : i32
          %broadcast_in_dim3A_235 = vector.broadcast %broadcast_in_dim3A_234 : i32 to vector<16xi32>
          %gather3A_236 = tpu.vector_load_idx %arg16[%add3A_210, %broadcast_in_dim3A_235] : memref<128x16xf32, #tpu.memory_space<vmem>>[vector<16xi32>, vector<16xi32>], vector<16xf32>,
          %gather3A_237 = tpu.vector_load_idx %arg20[%add3A_210, %broadcast_in_dim3A_235] : memref<128x16xf32, #tpu.memory_space<vmem>>[vector<16xi32>, vector<16xi32>], vector<16xf32>,
          %gather3A_238 = tpu.vector_load_idx %arg24[%add3A_210, %broadcast_in_dim3A_235] : memref<128x16xf32, #tpu.memory_space<vmem>>[vector<16xi32>, vector<16xi32>], vector<16xf32>,
          %mul3A_239 = arith.mulf %gather3A_236, %gather3A_237 : vector<16xf32>
          %add3A_240 = arith.addf %mul3A_239, %gather3A_238 : vector<16xf32>
          %mul3A_241 = arith.constant 16 : i32
          %mul3A_242 = arith.muli %scan3A_206, %mul3A_241 : i32
          %swap3A_243 = arith.constant 2 : i32
          %swap3A_244 = arith.index_cast %swap3A_243 : i32 to index
          %swap3A_245 = arith.index_cast %mul3A_242 : i32 to index
          %swap3A_246 = tpu.vector_load %arg28[%swap3A_244, %swap3A_245] {strides = array<i32>} : memref<16x128xf32, #tpu.memory_space<vmem>>, vector<16xf32>,
          tpu.vector_store %arg28[%swap3A_244, %swap3A_245], %add3A_240 {strides = array<i32>} : memref<16x128xf32, #tpu.memory_space<vmem>>, vector<16xf32>,
          %broadcast_in_dim3A_247 = arith.constant 3 : i32
          %broadcast_in_dim3A_248 = vector.broadcast %broadcast_in_dim3A_247 : i32 to vector<16xi32>
          %gather3A_249 = tpu.vector_load_idx %arg16[%add3A_210, %broadcast_in_dim3A_248] : memref<128x16xf32, #tpu.memory_space<vmem>>[vector<16xi32>, vector<16xi32>], vector<16xf32>,
          %gather3A_250 = tpu.vector_load_idx %arg20[%add3A_210, %broadcast_in_dim3A_248] : memref<128x16xf32, #tpu.memory_space<vmem>>[vector<16xi32>, vector<16xi32>], vector<16xf32>,
          %gather3A_251 = tpu.vector_load_idx %arg24[%add3A_210, %broadcast_in_dim3A_248] : memref<128x16xf32, #tpu.memory_space<vmem>>[vector<16xi32>, vector<16xi32>], vector<16xf32>,
          %mul3A_252 = arith.mulf %gather3A_249, %gather3A_250 : vector<16xf32>
          %add3A_253 = arith.addf %mul3A_252, %gather3A_251 : vector<16xf32>
          %mul3A_254 = arith.constant 16 : i32
          %mul3A_255 = arith.muli %scan3A_206, %mul3A_254 : i32
          %swap3A_256 = arith.constant 3 : i32
          %swap3A_257 = arith.index_cast %swap3A_256 : i32 to index
          %swap3A_258 = arith.index_cast %mul3A_255 : i32 to index
          %swap3A_259 = tpu.vector_load %arg28[%swap3A_257, %swap3A_258] {strides = array<i32>} : memref<16x128xf32, #tpu.memory_space<vmem>>, vector<16xf32>,
          tpu.vector_store %arg28[%swap3A_257, %swap3A_258], %add3A_253 {strides = array<i32>} : memref<16x128xf32, #tpu.memory_space<vmem>>, vector<16xf32>,
          %broadcast_in_dim3A_260 = arith.constant 4 : i32
          %broadcast_in_dim3A_261 = vector.broadcast %broadcast_in_dim3A_260 : i32 to vector<16xi32>
          %gather3A_262 = tpu.vector_load_idx %arg16[%add3A_210, %broadcast_in_dim3A_261] : memref<128x16xf32, #tpu.memory_space<vmem>>[vector<16xi32>, vector<16xi32>], vector<16xf32>,
          %gather3A_263 = tpu.vector_load_idx %arg20[%add3A_210, %broadcast_in_dim3A_261] : memref<128x16xf32, #tpu.memory_space<vmem>>[vector<16xi32>, vector<16xi32>], vector<16xf32>,
          %gather3A_264 = tpu.vector_load_idx %arg24[%add3A_210, %broadcast_in_dim3A_261] : memref<128x16xf32, #tpu.memory_space<vmem>>[vector<16xi32>, vector<16xi32>], vector<16xf32>,
          %mul3A_265 = arith.mulf %gather3A_262, %gather3A_263 : vector<16xf32>
          %add3A_266 = arith.addf %mul3A_265, %gather3A_264 : vector<16xf32>
          %mul3A_267 = arith.constant 16 : i32
          %mul3A_268 = arith.muli %scan3A_206, %mul3A_267 : i32
          %swap3A_269 = arith.constant 4 : i32
          %swap3A_270 = arith.index_cast %swap3A_269 : i32 to index
          %swap3A_271 = arith.index_cast %mul3A_268 : i32 to index
          %swap3A_272 = tpu.vector_load %arg28[%swap3A_270, %swap3A_271] {strides = array<i32>} : memref<16x128xf32, #tpu.memory_space<vmem>>, vector<16xf32>,
          tpu.vector_store %arg28[%swap3A_270, %swap3A_271], %add3A_266 {strides = array<i32>} : memref<16x128xf32, #tpu.memory_space<vmem>>, vector<16xf32>,
          %broadcast_in_dim3A_273 = arith.constant 5 : i32
          %broadcast_in_dim3A_274 = vector.broadcast %broadcast_in_dim3A_273 : i32 to vector<16xi32>
          %gather3A_275 = tpu.vector_load_idx %arg16[%add3A_210, %broadcast_in_dim3A_274] : memref<128x16xf32, #tpu.memory_space<vmem>>[vector<16xi32>, vector<16xi32>], vector<16xf32>,
          %gather3A_276 = tpu.vector_load_idx %arg20[%add3A_210, %broadcast_in_dim3A_274] : memref<128x16xf32, #tpu.memory_space<vmem>>[vector<16xi32>, vector<16xi32>], vector<16xf32>,
          %gather3A_277 = tpu.vector_load_idx %arg24[%add3A_210, %broadcast_in_dim3A_274] : memref<128x16xf32, #tpu.memory_space<vmem>>[vector<16xi32>, vector<16xi32>], vector<16xf32>,
          %mul3A_278 = arith.mulf %gather3A_275, %gather3A_276 : vector<16xf32>
          %add3A_279 = arith.addf %mul3A_278, %gather3A_277 : vector<16xf32>
          %mul3A_280 = arith.constant 16 : i32
          %mul3A_281 = arith.muli %scan3A_206, %mul3A_280 : i32
          %swap3A_282 = arith.constant 5 : i32
          %swap3A_283 = arith.index_cast %swap3A_282 : i32 to index
          %swap3A_284 = arith.index_cast %mul3A_281 : i32 to index
          %swap3A_285 = tpu.vector_load %arg28[%swap3A_283, %swap3A_284] {strides = array<i32>} : memref<16x128xf32, #tpu.memory_space<vmem>>, vector<16xf32>,
          tpu.vector_store %arg28[%swap3A_283, %swap3A_284], %add3A_279 {strides = array<i32>} : memref<16x128xf32, #tpu.memory_space<vmem>>, vector<16xf32>,
          %broadcast_in_dim3A_286 = arith.constant 6 : i32
          %broadcast_in_dim3A_287 = vector.broadcast %broadcast_in_dim3A_286 : i32 to vector<16xi32>
          %gather3A_288 = tpu.vector_load_idx %arg16[%add3A_210, %broadcast_in_dim3A_287] : memref<128x16xf32, #tpu.memory_space<vmem>>[vector<16xi32>, vector<16xi32>], vector<16xf32>,
          %gather3A_289 = tpu.vector_load_idx %arg20[%add3A_210, %broadcast_in_dim3A_287] : memref<128x16xf32, #tpu.memory_space<vmem>>[vector<16xi32>, vector<16xi32>], vector<16xf32>,
          %gather3A_290 = tpu.vector_load_idx %arg24[%add3A_210, %broadcast_in_dim3A_287] : memref<128x16xf32, #tpu.memory_space<vmem>>[vector<16xi32>, vector<16xi32>], vector<16xf32>,
          %mul3A_291 = arith.mulf %gather3A_288, %gather3A_289 : vector<16xf32>
          %add3A_292 = arith.addf %mul3A_291, %gather3A_290 : vector<16xf32>
          %mul3A_293 = arith.constant 16 : i32
          %mul3A_294 = arith.muli %scan3A_206, %mul3A_293 : i32
          %swap3A_295 = arith.constant 6 : i32
          %swap3A_296 = arith.index_cast %swap3A_295 : i32 to index
          %swap3A_297 = arith.index_cast %mul3A_294 : i32 to index
          %swap3A_298 = tpu.vector_load %arg28[%swap3A_296, %swap3A_297] {strides = array<i32>} : memref<16x128xf32, #tpu.memory_space<vmem>>, vector<16xf32>,
          tpu.vector_store %arg28[%swap3A_296, %swap3A_297], %add3A_292 {strides = array<i32>} : memref<16x128xf32, #tpu.memory_space<vmem>>, vector<16xf32>,
          %broadcast_in_dim3A_299 = arith.constant 7 : i32
          %broadcast_in_dim3A_300 = vector.broadcast %broadcast_in_dim3A_299 : i32 to vector<16xi32>
          %gather3A_301 = tpu.vector_load_idx %arg16[%add3A_210, %broadcast_in_dim3A_300] : memref<128x16xf32, #tpu.memory_space<vmem>>[vector<16xi32>, vector<16xi32>], vector<16xf32>,
          %gather3A_302 = tpu.vector_load_idx %arg20[%add3A_210, %broadcast_in_dim3A_300] : memref<128x16xf32, #tpu.memory_space<vmem>>[vector<16xi32>, vector<16xi32>], vector<16xf32>,
          %gather3A_303 = tpu.vector_load_idx %arg24[%add3A_210, %broadcast_in_dim3A_300] : memref<128x16xf32, #tpu.memory_space<vmem>>[vector<16xi32>, vector<16xi32>], vector<16xf32>,
          %mul3A_304 = arith.mulf %gather3A_301, %gather3A_302 : vector<16xf32>
          %add3A_305 = arith.addf %mul3A_304, %gather3A_303 : vector<16xf32>
          %mul3A_306 = arith.constant 16 : i32
          %mul3A_307 = arith.muli %scan3A_206, %mul3A_306 : i32
          %swap3A_308 = arith.constant 7 : i32
          %swap3A_309 = arith.index_cast %swap3A_308 : i32 to index
          %swap3A_310 = arith.index_cast %mul3A_307 : i32 to index
          %swap3A_311 = tpu.vector_load %arg28[%swap3A_309, %swap3A_310] {strides = array<i32>} : memref<16x128xf32, #tpu.memory_space<vmem>>, vector<16xf32>,
          tpu.vector_store %arg28[%swap3A_309, %swap3A_310], %add3A_305 {strides = array<i32>} : memref<16x128xf32, #tpu.memory_space<vmem>>, vector<16xf32>,
          %broadcast_in_dim3A_312 = arith.constant 8 : i32
          %broadcast_in_dim3A_313 = vector.broadcast %broadcast_in_dim3A_312 : i32 to vector<16xi32>
          %gather3A_314 = tpu.vector_load_idx %arg16[%add3A_210, %broadcast_in_dim3A_313] : memref<128x16xf32, #tpu.memory_space<vmem>>[vector<16xi32>, vector<16xi32>], vector<16xf32>,
          %gather3A_315 = tpu.vector_load_idx %arg20[%add3A_210, %broadcast_in_dim3A_313] : memref<128x16xf32, #tpu.memory_space<vmem>>[vector<16xi32>, vector<16xi32>], vector<16xf32>,
          %gather3A_316 = tpu.vector_load_idx %arg24[%add3A_210, %broadcast_in_dim3A_313] : memref<128x16xf32, #tpu.memory_space<vmem>>[vector<16xi32>, vector<16xi32>], vector<16xf32>,
          %mul3A_317 = arith.mulf %gather3A_314, %gather3A_315 : vector<16xf32>
          %add3A_318 = arith.addf %mul3A_317, %gather3A_316 : vector<16xf32>
          %mul3A_319 = arith.constant 16 : i32
          %mul3A_320 = arith.muli %scan3A_206, %mul3A_319 : i32
          %swap3A_321 = arith.constant 8 : i32
          %swap3A_322 = arith.index_cast %swap3A_321 : i32 to index
          %swap3A_323 = arith.index_cast %mul3A_320 : i32 to index
          %swap3A_324 = tpu.vector_load %arg28[%swap3A_322, %swap3A_323] {strides = array<i32>} : memref<16x128xf32, #tpu.memory_space<vmem>>, vector<16xf32>,
          tpu.vector_store %arg28[%swap3A_322, %swap3A_323], %add3A_318 {strides = array<i32>} : memref<16x128xf32, #tpu.memory_space<vmem>>, vector<16xf32>,
          %broadcast_in_dim3A_325 = arith.constant 9 : i32
          %broadcast_in_dim3A_326 = vector.broadcast %broadcast_in_dim3A_325 : i32 to vector<16xi32>
          %gather3A_327 = tpu.vector_load_idx %arg16[%add3A_210, %broadcast_in_dim3A_326] : memref<128x16xf32, #tpu.memory_space<vmem>>[vector<16xi32>, vector<16xi32>], vector<16xf32>,
          %gather3A_328 = tpu.vector_load_idx %arg20[%add3A_210, %broadcast_in_dim3A_326] : memref<128x16xf32, #tpu.memory_space<vmem>>[vector<16xi32>, vector<16xi32>], vector<16xf32>,
          %gather3A_329 = tpu.vector_load_idx %arg24[%add3A_210, %broadcast_in_dim3A_326] : memref<128x16xf32, #tpu.memory_space<vmem>>[vector<16xi32>, vector<16xi32>], vector<16xf32>,
          %mul3A_330 = arith.mulf %gather3A_327, %gather3A_328 : vector<16xf32>
          %add3A_331 = arith.addf %mul3A_330, %gather3A_329 : vector<16xf32>
          %mul3A_332 = arith.constant 16 : i32
          %mul3A_333 = arith.muli %scan3A_206, %mul3A_332 : i32
          %swap3A_334 = arith.constant 9 : i32
          %swap3A_335 = arith.index_cast %swap3A_334 : i32 to index
          %swap3A_336 = arith.index_cast %mul3A_333 : i32 to index
          %swap3A_337 = tpu.vector_load %arg28[%swap3A_335, %swap3A_336] {strides = array<i32>} : memref<16x128xf32, #tpu.memory_space<vmem>>, vector<16xf32>,
          tpu.vector_store %arg28[%swap3A_335, %swap3A_336], %add3A_331 {strides = array<i32>} : memref<16x128xf32, #tpu.memory_space<vmem>>, vector<16xf32>,
        }
        %scan3A_204 = arith.constant 8 : i32
        %run_scoped3A = arith.constant 0 : i32
        "tpu.region"() ({
          %run_scoped3A_206 = tpu.sem_alloc : memref<!tpu.dma_semaphore, #tpu.memory_space<semaphore_mem>>
          %dma_start3A = arith.constant 0 : i32
          %dma_start3A_207 = arith.constant 0 : i32
          %dma_start3A_208 = tpu.memref_slice %arg28[%dma_start3A, %dma_start3A_207] : memref<16x128xf32, #tpu.memory_space<vmem>> -> memref<8x128xf32, #tpu.memory_space<vmem>>
          %dma_start3A_209 = arith.constant 0 : i32
          %dma_start3A_210 = arith.constant 0 : i32
          %dma_start3A_211 = tpu.memref_slice %arg7[%run_scoped3A, %add3A_59, %dma_start3A_209, %dma_start3A_210] : memref<2x3907x8x128xf32, #tpu.memory_space<hbm>> -> memref<1x1x8x128xf32, #tpu.memory_space<hbm>>
          %dma_start3A_212 = tpu.memref_squeeze %dma_start3A_211 : memref<1x1x8x128xf32, #tpu.memory_space<hbm>> -> memref<8x128xf32, #tpu.memory_space<hbm>>
          %dma_start3A_213 = arith.constant 0 : i32
          %dma_start3A_214 = arith.constant 0 : i32
          %dma_start3A_215 = tpu.memref_slice %arg7[%run_scoped3A, %add3A_59, %dma_start3A_213, %dma_start3A_214] : memref<2x3907x8x128xf32, #tpu.memory_space<hbm>> -> memref<1x1x8x128xf32, #tpu.memory_space<hbm>>
          %dma_start3A_216 = tpu.memref_squeeze %dma_start3A_215 : memref<1x1x8x128xf32, #tpu.memory_space<hbm>> -> memref<8x128xf32, #tpu.memory_space<hbm>>
          %dma_start3A_217 = arith.constant 0 : i32
          %dma_start3A_218 = arith.constant 0 : i32
          %dma_start3A_219 = tpu.memref_slice %arg28[%dma_start3A_217, %dma_start3A_218] : memref<16x128xf32, #tpu.memory_space<vmem>> -> memref<8x128xf32, #tpu.memory_space<vmem>>
          tpu.enqueue_dma source(%dma_start3A_219 : memref<8x128xf32, #tpu.memory_space<vmem>>) target(%dma_start3A_216 : memref<8x128xf32, #tpu.memory_space<hbm>>) target_semaphore(%run_scoped3A_206 : memref<!tpu.dma_semaphore, #tpu.memory_space<semaphore_mem>>)
          %dma_wait3A_220 = arith.constant 0 : i32
          %dma_wait3A_221 = arith.constant 0 : i32
          %dma_wait3A_222 = tpu.memref_slice %arg28[%dma_wait3A_220, %dma_wait3A_221] : memref<16x128xf32, #tpu.memory_space<vmem>> -> memref<8x128xf32, #tpu.memory_space<vmem>>
          %dma_wait3A_223 = arith.constant 0 : i32
          %dma_wait3A_224 = arith.constant 0 : i32
          %dma_wait3A_225 = tpu.memref_slice %arg7[%run_scoped3A, %add3A_59, %dma_wait3A_223, %dma_wait3A_224] : memref<2x3907x8x128xf32, #tpu.memory_space<hbm>> -> memref<1x1x8x128xf32, #tpu.memory_space<hbm>>
          %dma_wait3A_226 = tpu.memref_squeeze %dma_wait3A_225 : memref<1x1x8x128xf32, #tpu.memory_space<hbm>> -> memref<8x128xf32, #tpu.memory_space<hbm>>
          %dma_wait3A_227 = arith.constant 0 : i32
          %dma_wait3A_228 = arith.constant 0 : i32
          %dma_wait3A_229 = tpu.memref_slice %arg7[%run_scoped3A, %add3A_59, %dma_wait3A_227, %dma_wait3A_228] : memref<2x3907x8x128xf32, #tpu.memory_space<hbm>> -> memref<1x1x8x128xf32, #tpu.memory_space<hbm>>
          %dma_wait3A_230 = tpu.memref_squeeze %dma_wait3A_229 : memref<1x1x8x128xf32, #tpu.memory_space<hbm>> -> memref<8x128xf32, #tpu.memory_space<hbm>>
          %dma_wait3A_231 = arith.constant 0 : i32
          %dma_wait3A_232 = arith.constant 0 : i32
          %dma_wait3A_233 = tpu.memref_slice %arg28[%dma_wait3A_231, %dma_wait3A_232] : memref<16x128xf32, #tpu.memory_space<vmem>> -> memref<8x128xf32, #tpu.memory_space<vmem>>
          tpu.wait_dma2 semaphore(%run_scoped3A_206 : memref<!tpu.dma_semaphore, #tpu.memory_space<semaphore_mem>>) src(%dma_wait3A_233 : memref<8x128xf32, #tpu.memory_space<vmem>>) dst(%dma_wait3A_230 : memref<8x128xf32, #tpu.memory_space<hbm>>)
          tpu.yield
        }) : () -> ()
        %run_scoped3A_205 = arith.constant 1 : i32
        "tpu.region"() ({
          %run_scoped3A_206 = tpu.sem_alloc : memref<!tpu.dma_semaphore, #tpu.memory_space<semaphore_mem>>
          %dma_start3A = arith.constant 8 : i32
          %dma_start3A_207 = arith.constant 0 : i32
          %dma_start3A_208 = tpu.memref_slice %arg28[%dma_start3A, %dma_start3A_207] : memref<16x128xf32, #tpu.memory_space<vmem>> -> memref<8x128xf32, #tpu.memory_space<vmem>>
          %dma_start3A_209 = arith.constant 0 : i32
          %dma_start3A_210 = arith.constant 0 : i32
          %dma_start3A_211 = tpu.memref_slice %arg7[%run_scoped3A_205, %add3A_59, %dma_start3A_209, %dma_start3A_210] : memref<2x3907x8x128xf32, #tpu.memory_space<hbm>> -> memref<1x1x8x128xf32, #tpu.memory_space<hbm>>
          %dma_start3A_212 = tpu.memref_squeeze %dma_start3A_211 : memref<1x1x8x128xf32, #tpu.memory_space<hbm>> -> memref<8x128xf32, #tpu.memory_space<hbm>>
          %dma_start3A_213 = arith.constant 0 : i32
          %dma_start3A_214 = arith.constant 0 : i32
          %dma_start3A_215 = tpu.memref_slice %arg7[%run_scoped3A_205, %add3A_59, %dma_start3A_213, %dma_start3A_214] : memref<2x3907x8x128xf32, #tpu.memory_space<hbm>> -> memref<1x1x8x128xf32, #tpu.memory_space<hbm>>
          %dma_start3A_216 = tpu.memref_squeeze %dma_start3A_215 : memref<1x1x8x128xf32, #tpu.memory_space<hbm>> -> memref<8x128xf32, #tpu.memory_space<hbm>>
          %dma_start3A_217 = arith.constant 8 : i32
          %dma_start3A_218 = arith.constant 0 : i32
          %dma_start3A_219 = tpu.memref_slice %arg28[%dma_start3A_217, %dma_start3A_218] : memref<16x128xf32, #tpu.memory_space<vmem>> -> memref<8x128xf32, #tpu.memory_space<vmem>>
          tpu.enqueue_dma source(%dma_start3A_219 : memref<8x128xf32, #tpu.memory_space<vmem>>) target(%dma_start3A_216 : memref<8x128xf32, #tpu.memory_space<hbm>>) target_semaphore(%run_scoped3A_206 : memref<!tpu.dma_semaphore, #tpu.memory_space<semaphore_mem>>)
          %dma_wait3A_220 = arith.constant 8 : i32
          %dma_wait3A_221 = arith.constant 0 : i32
          %dma_wait3A_222 = tpu.memref_slice %arg28[%dma_wait3A_220, %dma_wait3A_221] : memref<16x128xf32, #tpu.memory_space<vmem>> -> memref<8x128xf32, #tpu.memory_space<vmem>>
          %dma_wait3A_223 = arith.constant 0 : i32
          %dma_wait3A_224 = arith.constant 0 : i32
          %dma_wait3A_225 = tpu.memref_slice %arg7[%run_scoped3A_205, %add3A_59, %dma_wait3A_223, %dma_wait3A_224] : memref<2x3907x8x128xf32, #tpu.memory_space<hbm>> -> memref<1x1x8x128xf32, #tpu.memory_space<hbm>>
          %dma_wait3A_226 = tpu.memref_squeeze %dma_wait3A_225 : memref<1x1x8x128xf32, #tpu.memory_space<hbm>> -> memref<8x128xf32, #tpu.memory_space<hbm>>
          %dma_wait3A_227 = arith.constant 0 : i32
          %dma_wait3A_228 = arith.constant 0 : i32
          %dma_wait3A_229 = tpu.memref_slice %arg7[%run_scoped3A_205, %add3A_59, %dma_wait3A_227, %dma_wait3A_228] : memref<2x3907x8x128xf32, #tpu.memory_space<hbm>> -> memref<1x1x8x128xf32, #tpu.memory_space<hbm>>
          %dma_wait3A_230 = tpu.memref_squeeze %dma_wait3A_229 : memref<1x1x8x128xf32, #tpu.memory_space<hbm>> -> memref<8x128xf32, #tpu.memory_space<hbm>>
          %dma_wait3A_231 = arith.constant 8 : i32
          %dma_wait3A_232 = arith.constant 0 : i32
          %dma_wait3A_233 = tpu.memref_slice %arg28[%dma_wait3A_231, %dma_wait3A_232] : memref<16x128xf32, #tpu.memory_space<vmem>> -> memref<8x128xf32, #tpu.memory_space<vmem>>
          tpu.wait_dma2 semaphore(%run_scoped3A_206 : memref<!tpu.dma_semaphore, #tpu.memory_space<semaphore_mem>>) src(%dma_wait3A_233 : memref<8x128xf32, #tpu.memory_space<vmem>>) dst(%dma_wait3A_230 : memref<8x128xf32, #tpu.memory_space<hbm>>)
          tpu.yield
        }) : () -> ()
      } else {
      }
      %add3A_65 = arith.constant 0 : i32
      %add3A_66 = arith.addi %mul3A_54, %add3A_65 : i32
      %add3A_67 = arith.constant 4 : i32
      %add3A_68 = arith.addi %add3A_66, %add3A_67 : i32
      %mul3A_69 = arith.constant 32 : i32
      %mul3A_70 = arith.muli %add3A_68, %mul3A_69 : i32
      %add3A_71 = arith.addi %add3A, %mul3A_70 : i32
      %lt3A_72 = arith.constant 3907 : i32
      %lt3A_73 = arith.cmpi slt, %add3A_71, %lt3A_72 : i32
      %convert_element_type3A_74 = arith.extui %lt3A_73 : i1 to i32
      %cond3A_75 = arith.constant 0 : i32
      %cond3A_76 = arith.cmpi ne, %convert_element_type3A_74, %cond3A_75 : i32
      scf.if %cond3A_76 {
        %mul3A_191 = arith.constant 128 : i32
        %mul3A_192 = arith.muli %add3A_71, %mul3A_191 : i32
        %dma_start3A = tpu.memref_slice %arg5[%mul3A_192] : memref<500096xi32, #tpu.memory_space<hbm>> -> memref<128xi32, #tpu.memory_space<hbm>>
        %dma_start3A_193 = tpu.memref_slice %arg5[%mul3A_192] : memref<500096xi32, #tpu.memory_space<hbm>> -> memref<128xi32, #tpu.memory_space<hbm>>
        tpu.enqueue_dma source(%dma_start3A_193 : memref<128xi32, #tpu.memory_space<hbm>>) target(%arg8 : memref<128xi32, #tpu.memory_space<vmem>>) target_semaphore(%arg29 : memref<!tpu.dma_semaphore, #tpu.memory_space<semaphore_mem>>)
        %dma_start3A_194 = tpu.memref_slice %arg6[%mul3A_192] : memref<500096xi32, #tpu.memory_space<hbm>> -> memref<128xi32, #tpu.memory_space<hbm>>
        %dma_start3A_195 = tpu.memref_slice %arg6[%mul3A_192] : memref<500096xi32, #tpu.memory_space<hbm>> -> memref<128xi32, #tpu.memory_space<hbm>>
        tpu.enqueue_dma source(%dma_start3A_195 : memref<128xi32, #tpu.memory_space<hbm>>) target(%arg9 : memref<128xi32, #tpu.memory_space<vmem>>) target_semaphore(%arg29 : memref<!tpu.dma_semaphore, #tpu.memory_space<semaphore_mem>>)
      } else {
      }
      %add3A_77 = arith.constant 0 : i32
      %add3A_78 = arith.addi %mul3A_54, %add3A_77 : i32
      %add3A_79 = arith.constant 3 : i32
      %add3A_80 = arith.addi %add3A_78, %add3A_79 : i32
      %mul3A_81 = arith.constant 32 : i32
      %mul3A_82 = arith.muli %add3A_80, %mul3A_81 : i32
      %add3A_83 = arith.addi %add3A, %mul3A_82 : i32
      %lt3A_84 = arith.constant 3907 : i32
      %lt3A_85 = arith.cmpi slt, %add3A_83, %lt3A_84 : i32
      %convert_element_type3A_86 = arith.extui %lt3A_85 : i1 to i32
      %cond3A_87 = arith.constant 0 : i32
      %cond3A_88 = arith.cmpi ne, %convert_element_type3A_86, %cond3A_87 : i32
      scf.if %cond3A_88 {
        %dma_wait3A = arith.constant 0 : i32
        %dma_wait3A_191 = tpu.memref_slice %arg5[%dma_wait3A] : memref<500096xi32, #tpu.memory_space<hbm>> -> memref<128xi32, #tpu.memory_space<hbm>>
        %dma_wait3A_192 = arith.constant 0 : i32
        %dma_wait3A_193 = tpu.memref_slice %arg5[%dma_wait3A_192] : memref<500096xi32, #tpu.memory_space<hbm>> -> memref<128xi32, #tpu.memory_space<hbm>>
        tpu.wait_dma2 semaphore(%arg29 : memref<!tpu.dma_semaphore, #tpu.memory_space<semaphore_mem>>) src(%dma_wait3A_193 : memref<128xi32, #tpu.memory_space<hbm>>) dst(%arg14 : memref<128xi32, #tpu.memory_space<vmem>>)
        %dma_wait3A_194 = arith.constant 0 : i32
        %dma_wait3A_195 = tpu.memref_slice %arg6[%dma_wait3A_194] : memref<500096xi32, #tpu.memory_space<hbm>> -> memref<128xi32, #tpu.memory_space<hbm>>
        %dma_wait3A_196 = arith.constant 0 : i32
        %dma_wait3A_197 = tpu.memref_slice %arg6[%dma_wait3A_196] : memref<500096xi32, #tpu.memory_space<hbm>> -> memref<128xi32, #tpu.memory_space<hbm>>
        tpu.wait_dma2 semaphore(%arg29 : memref<!tpu.dma_semaphore, #tpu.memory_space<semaphore_mem>>) src(%dma_wait3A_197 : memref<128xi32, #tpu.memory_space<hbm>>) dst(%arg15 : memref<128xi32, #tpu.memory_space<vmem>>)
        %dma_start3A = arith.constant 0 : i32
        %dma_start3A_198 = arith.constant 0 : i32
        %dma_start3A_199 = tpu.memref_slice %arg2[%dma_start3A, %dma_start3A_198] : memref<100000x16xf32, #tpu.memory_space<hbm>> -> memref<100000x16xf32, #tpu.memory_space<hbm>>
        tpu.enqueue_indirect_dma source(%dma_start3A_199 : memref<100000x16xf32, #tpu.memory_space<hbm>>) target(%arg19 : memref<128x16xf32, #tpu.memory_space<vmem>>) offsets(%arg14 : memref<128xi32, #tpu.memory_space<vmem>>) semaphore(%arg30 : memref<!tpu.dma_semaphore, #tpu.memory_space<semaphore_mem>>)
        %dma_start3A_200 = arith.constant 0 : i32
        %dma_start3A_201 = arith.constant 0 : i32
        %dma_start3A_202 = tpu.memref_slice %arg3[%dma_start3A_200, %dma_start3A_201] : memref<10000x16xf32, #tpu.memory_space<hbm>> -> memref<10000x16xf32, #tpu.memory_space<hbm>>
        tpu.enqueue_indirect_dma source(%dma_start3A_202 : memref<10000x16xf32, #tpu.memory_space<hbm>>) target(%arg23 : memref<128x16xf32, #tpu.memory_space<vmem>>) offsets(%arg15 : memref<128xi32, #tpu.memory_space<vmem>>) semaphore(%arg30 : memref<!tpu.dma_semaphore, #tpu.memory_space<semaphore_mem>>)
        %dma_start3A_203 = arith.constant 0 : i32
        %dma_start3A_204 = arith.constant 0 : i32
        %dma_start3A_205 = tpu.memref_slice %arg4[%dma_start3A_203, %dma_start3A_204] : memref<10000x16xf32, #tpu.memory_space<hbm>> -> memref<10000x16xf32, #tpu.memory_space<hbm>>
        tpu.enqueue_indirect_dma source(%dma_start3A_205 : memref<10000x16xf32, #tpu.memory_space<hbm>>) target(%arg27 : memref<128x16xf32, #tpu.memory_space<vmem>>) offsets(%arg15 : memref<128xi32, #tpu.memory_space<vmem>>) semaphore(%arg30 : memref<!tpu.dma_semaphore, #tpu.memory_space<semaphore_mem>>)
      } else {
      }
      %add3A_89 = arith.constant 1 : i32
      %add3A_90 = arith.addi %mul3A_54, %add3A_89 : i32
      %mul3A_91 = arith.constant 32 : i32
      %mul3A_92 = arith.muli %add3A_90, %mul3A_91 : i32
      %add3A_93 = arith.addi %add3A, %mul3A_92 : i32
      %lt3A_94 = arith.constant 3907 : i32
      %lt3A_95 = arith.cmpi slt, %add3A_93, %lt3A_94 : i32
      %convert_element_type3A_96 = arith.extui %lt3A_95 : i1 to i32
      %cond3A_97 = arith.constant 0 : i32
      %cond3A_98 = arith.cmpi ne, %convert_element_type3A_96, %cond3A_97 : i32
      scf.if %cond3A_98 {
        %dma_wait3A = arith.constant 0 : i32
        %dma_wait3A_191 = arith.constant 0 : i32
        %dma_wait3A_192 = tpu.memref_slice %arg2[%dma_wait3A, %dma_wait3A_191] : memref<100000x16xf32, #tpu.memory_space<hbm>> -> memref<100000x16xf32, #tpu.memory_space<hbm>>
        tpu.wait_indirect_dma semaphore(%arg30 : memref<!tpu.dma_semaphore, #tpu.memory_space<semaphore_mem>>) src(%dma_wait3A_192 : memref<100000x16xf32, #tpu.memory_space<hbm>>) dst(%arg17 : memref<128x16xf32, #tpu.memory_space<vmem>>)
        %dma_wait3A_193 = arith.constant 0 : i32
        %dma_wait3A_194 = arith.constant 0 : i32
        %dma_wait3A_195 = tpu.memref_slice %arg3[%dma_wait3A_193, %dma_wait3A_194] : memref<10000x16xf32, #tpu.memory_space<hbm>> -> memref<10000x16xf32, #tpu.memory_space<hbm>>
        tpu.wait_indirect_dma semaphore(%arg30 : memref<!tpu.dma_semaphore, #tpu.memory_space<semaphore_mem>>) src(%dma_wait3A_195 : memref<10000x16xf32, #tpu.memory_space<hbm>>) dst(%arg21 : memref<128x16xf32, #tpu.memory_space<vmem>>)
        %dma_wait3A_196 = arith.constant 0 : i32
        %dma_wait3A_197 = arith.constant 0 : i32
        %dma_wait3A_198 = tpu.memref_slice %arg4[%dma_wait3A_196, %dma_wait3A_197] : memref<10000x16xf32, #tpu.memory_space<hbm>> -> memref<10000x16xf32, #tpu.memory_space<hbm>>
        tpu.wait_indirect_dma semaphore(%arg30 : memref<!tpu.dma_semaphore, #tpu.memory_space<semaphore_mem>>) src(%dma_wait3A_198 : memref<10000x16xf32, #tpu.memory_space<hbm>>) dst(%arg25 : memref<128x16xf32, #tpu.memory_space<vmem>>)
        %scan3A_199 = arith.constant 0 : i32
        %scan3A_200 = arith.constant 0 : i32
        %scan3A_201 = arith.constant 8 : i32
        %scan3A_202 = arith.addi %scan3A_200, %scan3A_201 : i32
        %scan3A_203 = arith.constant 1 : i32
        scf.for %scan3A_206 = %scan3A_200 to %scan3A_202 step %scan3A_203  : i32 {
          %mul3A_207 = arith.constant 16 : i32
          %mul3A_208 = arith.muli %scan3A_206, %mul3A_207 : i32
          %iota3A = tpu.iota {dimensions = array<i32: 0>} : vector<16xi32>
          %add3A_209 = vector.broadcast %mul3A_208 : i32 to vector<16xi32>
          %add3A_210 = arith.addi %add3A_209, %iota3A : vector<16xi32>
          %broadcast_in_dim3A = arith.constant 0 : i32
          %broadcast_in_dim3A_211 = vector.broadcast %broadcast_in_dim3A : i32 to vector<16xi32>
          %gather3A = tpu.vector_load_idx %arg17[%add3A_210, %broadcast_in_dim3A_211] : memref<128x16xf32, #tpu.memory_space<vmem>>[vector<16xi32>, vector<16xi32>], vector<16xf32>,
          %gather3A_212 = tpu.vector_load_idx %arg21[%add3A_210, %broadcast_in_dim3A_211] : memref<128x16xf32, #tpu.memory_space<vmem>>[vector<16xi32>, vector<16xi32>], vector<16xf32>,
          %gather3A_213 = tpu.vector_load_idx %arg25[%add3A_210, %broadcast_in_dim3A_211] : memref<128x16xf32, #tpu.memory_space<vmem>>[vector<16xi32>, vector<16xi32>], vector<16xf32>,
          %mul3A_214 = arith.mulf %gather3A, %gather3A_212 : vector<16xf32>
          %add3A_215 = arith.addf %mul3A_214, %gather3A_213 : vector<16xf32>
          %mul3A_216 = arith.constant 16 : i32
          %mul3A_217 = arith.muli %scan3A_206, %mul3A_216 : i32
          %swap3A = arith.constant 0 : i32
          %swap3A_218 = arith.index_cast %swap3A : i32 to index
          %swap3A_219 = arith.index_cast %mul3A_217 : i32 to index
          %swap3A_220 = tpu.vector_load %arg28[%swap3A_218, %swap3A_219] {strides = array<i32>} : memref<16x128xf32, #tpu.memory_space<vmem>>, vector<16xf32>,
          tpu.vector_store %arg28[%swap3A_218, %swap3A_219], %add3A_215 {strides = array<i32>} : memref<16x128xf32, #tpu.memory_space<vmem>>, vector<16xf32>,
          %broadcast_in_dim3A_221 = arith.constant 1 : i32
          %broadcast_in_dim3A_222 = vector.broadcast %broadcast_in_dim3A_221 : i32 to vector<16xi32>
          %gather3A_223 = tpu.vector_load_idx %arg17[%add3A_210, %broadcast_in_dim3A_222] : memref<128x16xf32, #tpu.memory_space<vmem>>[vector<16xi32>, vector<16xi32>], vector<16xf32>,
          %gather3A_224 = tpu.vector_load_idx %arg21[%add3A_210, %broadcast_in_dim3A_222] : memref<128x16xf32, #tpu.memory_space<vmem>>[vector<16xi32>, vector<16xi32>], vector<16xf32>,
          %gather3A_225 = tpu.vector_load_idx %arg25[%add3A_210, %broadcast_in_dim3A_222] : memref<128x16xf32, #tpu.memory_space<vmem>>[vector<16xi32>, vector<16xi32>], vector<16xf32>,
          %mul3A_226 = arith.mulf %gather3A_223, %gather3A_224 : vector<16xf32>
          %add3A_227 = arith.addf %mul3A_226, %gather3A_225 : vector<16xf32>
          %mul3A_228 = arith.constant 16 : i32
          %mul3A_229 = arith.muli %scan3A_206, %mul3A_228 : i32
          %swap3A_230 = arith.constant 1 : i32
          %swap3A_231 = arith.index_cast %swap3A_230 : i32 to index
          %swap3A_232 = arith.index_cast %mul3A_229 : i32 to index
          %swap3A_233 = tpu.vector_load %arg28[%swap3A_231, %swap3A_232] {strides = array<i32>} : memref<16x128xf32, #tpu.memory_space<vmem>>, vector<16xf32>,
          tpu.vector_store %arg28[%swap3A_231, %swap3A_232], %add3A_227 {strides = array<i32>} : memref<16x128xf32, #tpu.memory_space<vmem>>, vector<16xf32>,
          %broadcast_in_dim3A_234 = arith.constant 2 : i32
          %broadcast_in_dim3A_235 = vector.broadcast %broadcast_in_dim3A_234 : i32 to vector<16xi32>
          %gather3A_236 = tpu.vector_load_idx %arg17[%add3A_210, %broadcast_in_dim3A_235] : memref<128x16xf32, #tpu.memory_space<vmem>>[vector<16xi32>, vector<16xi32>], vector<16xf32>,
          %gather3A_237 = tpu.vector_load_idx %arg21[%add3A_210, %broadcast_in_dim3A_235] : memref<128x16xf32, #tpu.memory_space<vmem>>[vector<16xi32>, vector<16xi32>], vector<16xf32>,
          %gather3A_238 = tpu.vector_load_idx %arg25[%add3A_210, %broadcast_in_dim3A_235] : memref<128x16xf32, #tpu.memory_space<vmem>>[vector<16xi32>, vector<16xi32>], vector<16xf32>,
          %mul3A_239 = arith.mulf %gather3A_236, %gather3A_237 : vector<16xf32>
          %add3A_240 = arith.addf %mul3A_239, %gather3A_238 : vector<16xf32>
          %mul3A_241 = arith.constant 16 : i32
          %mul3A_242 = arith.muli %scan3A_206, %mul3A_241 : i32
          %swap3A_243 = arith.constant 2 : i32
          %swap3A_244 = arith.index_cast %swap3A_243 : i32 to index
          %swap3A_245 = arith.index_cast %mul3A_242 : i32 to index
          %swap3A_246 = tpu.vector_load %arg28[%swap3A_244, %swap3A_245] {strides = array<i32>} : memref<16x128xf32, #tpu.memory_space<vmem>>, vector<16xf32>,
          tpu.vector_store %arg28[%swap3A_244, %swap3A_245], %add3A_240 {strides = array<i32>} : memref<16x128xf32, #tpu.memory_space<vmem>>, vector<16xf32>,
          %broadcast_in_dim3A_247 = arith.constant 3 : i32
          %broadcast_in_dim3A_248 = vector.broadcast %broadcast_in_dim3A_247 : i32 to vector<16xi32>
          %gather3A_249 = tpu.vector_load_idx %arg17[%add3A_210, %broadcast_in_dim3A_248] : memref<128x16xf32, #tpu.memory_space<vmem>>[vector<16xi32>, vector<16xi32>], vector<16xf32>,
          %gather3A_250 = tpu.vector_load_idx %arg21[%add3A_210, %broadcast_in_dim3A_248] : memref<128x16xf32, #tpu.memory_space<vmem>>[vector<16xi32>, vector<16xi32>], vector<16xf32>,
          %gather3A_251 = tpu.vector_load_idx %arg25[%add3A_210, %broadcast_in_dim3A_248] : memref<128x16xf32, #tpu.memory_space<vmem>>[vector<16xi32>, vector<16xi32>], vector<16xf32>,
          %mul3A_252 = arith.mulf %gather3A_249, %gather3A_250 : vector<16xf32>
          %add3A_253 = arith.addf %mul3A_252, %gather3A_251 : vector<16xf32>
          %mul3A_254 = arith.constant 16 : i32
          %mul3A_255 = arith.muli %scan3A_206, %mul3A_254 : i32
          %swap3A_256 = arith.constant 3 : i32
          %swap3A_257 = arith.index_cast %swap3A_256 : i32 to index
          %swap3A_258 = arith.index_cast %mul3A_255 : i32 to index
          %swap3A_259 = tpu.vector_load %arg28[%swap3A_257, %swap3A_258] {strides = array<i32>} : memref<16x128xf32, #tpu.memory_space<vmem>>, vector<16xf32>,
          tpu.vector_store %arg28[%swap3A_257, %swap3A_258], %add3A_253 {strides = array<i32>} : memref<16x128xf32, #tpu.memory_space<vmem>>, vector<16xf32>,
          %broadcast_in_dim3A_260 = arith.constant 4 : i32
          %broadcast_in_dim3A_261 = vector.broadcast %broadcast_in_dim3A_260 : i32 to vector<16xi32>
          %gather3A_262 = tpu.vector_load_idx %arg17[%add3A_210, %broadcast_in_dim3A_261] : memref<128x16xf32, #tpu.memory_space<vmem>>[vector<16xi32>, vector<16xi32>], vector<16xf32>,
          %gather3A_263 = tpu.vector_load_idx %arg21[%add3A_210, %broadcast_in_dim3A_261] : memref<128x16xf32, #tpu.memory_space<vmem>>[vector<16xi32>, vector<16xi32>], vector<16xf32>,
          %gather3A_264 = tpu.vector_load_idx %arg25[%add3A_210, %broadcast_in_dim3A_261] : memref<128x16xf32, #tpu.memory_space<vmem>>[vector<16xi32>, vector<16xi32>], vector<16xf32>,
          %mul3A_265 = arith.mulf %gather3A_262, %gather3A_263 : vector<16xf32>
          %add3A_266 = arith.addf %mul3A_265, %gather3A_264 : vector<16xf32>
          %mul3A_267 = arith.constant 16 : i32
          %mul3A_268 = arith.muli %scan3A_206, %mul3A_267 : i32
          %swap3A_269 = arith.constant 4 : i32
          %swap3A_270 = arith.index_cast %swap3A_269 : i32 to index
          %swap3A_271 = arith.index_cast %mul3A_268 : i32 to index
          %swap3A_272 = tpu.vector_load %arg28[%swap3A_270, %swap3A_271] {strides = array<i32>} : memref<16x128xf32, #tpu.memory_space<vmem>>, vector<16xf32>,
          tpu.vector_store %arg28[%swap3A_270, %swap3A_271], %add3A_266 {strides = array<i32>} : memref<16x128xf32, #tpu.memory_space<vmem>>, vector<16xf32>,
          %broadcast_in_dim3A_273 = arith.constant 5 : i32
          %broadcast_in_dim3A_274 = vector.broadcast %broadcast_in_dim3A_273 : i32 to vector<16xi32>
          %gather3A_275 = tpu.vector_load_idx %arg17[%add3A_210, %broadcast_in_dim3A_274] : memref<128x16xf32, #tpu.memory_space<vmem>>[vector<16xi32>, vector<16xi32>], vector<16xf32>,
          %gather3A_276 = tpu.vector_load_idx %arg21[%add3A_210, %broadcast_in_dim3A_274] : memref<128x16xf32, #tpu.memory_space<vmem>>[vector<16xi32>, vector<16xi32>], vector<16xf32>,
          %gather3A_277 = tpu.vector_load_idx %arg25[%add3A_210, %broadcast_in_dim3A_274] : memref<128x16xf32, #tpu.memory_space<vmem>>[vector<16xi32>, vector<16xi32>], vector<16xf32>,
          %mul3A_278 = arith.mulf %gather3A_275, %gather3A_276 : vector<16xf32>
          %add3A_279 = arith.addf %mul3A_278, %gather3A_277 : vector<16xf32>
          %mul3A_280 = arith.constant 16 : i32
          %mul3A_281 = arith.muli %scan3A_206, %mul3A_280 : i32
          %swap3A_282 = arith.constant 5 : i32
          %swap3A_283 = arith.index_cast %swap3A_282 : i32 to index
          %swap3A_284 = arith.index_cast %mul3A_281 : i32 to index
          %swap3A_285 = tpu.vector_load %arg28[%swap3A_283, %swap3A_284] {strides = array<i32>} : memref<16x128xf32, #tpu.memory_space<vmem>>, vector<16xf32>,
          tpu.vector_store %arg28[%swap3A_283, %swap3A_284], %add3A_279 {strides = array<i32>} : memref<16x128xf32, #tpu.memory_space<vmem>>, vector<16xf32>,
          %broadcast_in_dim3A_286 = arith.constant 6 : i32
          %broadcast_in_dim3A_287 = vector.broadcast %broadcast_in_dim3A_286 : i32 to vector<16xi32>
          %gather3A_288 = tpu.vector_load_idx %arg17[%add3A_210, %broadcast_in_dim3A_287] : memref<128x16xf32, #tpu.memory_space<vmem>>[vector<16xi32>, vector<16xi32>], vector<16xf32>,
          %gather3A_289 = tpu.vector_load_idx %arg21[%add3A_210, %broadcast_in_dim3A_287] : memref<128x16xf32, #tpu.memory_space<vmem>>[vector<16xi32>, vector<16xi32>], vector<16xf32>,
          %gather3A_290 = tpu.vector_load_idx %arg25[%add3A_210, %broadcast_in_dim3A_287] : memref<128x16xf32, #tpu.memory_space<vmem>>[vector<16xi32>, vector<16xi32>], vector<16xf32>,
          %mul3A_291 = arith.mulf %gather3A_288, %gather3A_289 : vector<16xf32>
          %add3A_292 = arith.addf %mul3A_291, %gather3A_290 : vector<16xf32>
          %mul3A_293 = arith.constant 16 : i32
          %mul3A_294 = arith.muli %scan3A_206, %mul3A_293 : i32
          %swap3A_295 = arith.constant 6 : i32
          %swap3A_296 = arith.index_cast %swap3A_295 : i32 to index
          %swap3A_297 = arith.index_cast %mul3A_294 : i32 to index
          %swap3A_298 = tpu.vector_load %arg28[%swap3A_296, %swap3A_297] {strides = array<i32>} : memref<16x128xf32, #tpu.memory_space<vmem>>, vector<16xf32>,
          tpu.vector_store %arg28[%swap3A_296, %swap3A_297], %add3A_292 {strides = array<i32>} : memref<16x128xf32, #tpu.memory_space<vmem>>, vector<16xf32>,
          %broadcast_in_dim3A_299 = arith.constant 7 : i32
          %broadcast_in_dim3A_300 = vector.broadcast %broadcast_in_dim3A_299 : i32 to vector<16xi32>
          %gather3A_301 = tpu.vector_load_idx %arg17[%add3A_210, %broadcast_in_dim3A_300] : memref<128x16xf32, #tpu.memory_space<vmem>>[vector<16xi32>, vector<16xi32>], vector<16xf32>,
          %gather3A_302 = tpu.vector_load_idx %arg21[%add3A_210, %broadcast_in_dim3A_300] : memref<128x16xf32, #tpu.memory_space<vmem>>[vector<16xi32>, vector<16xi32>], vector<16xf32>,
          %gather3A_303 = tpu.vector_load_idx %arg25[%add3A_210, %broadcast_in_dim3A_300] : memref<128x16xf32, #tpu.memory_space<vmem>>[vector<16xi32>, vector<16xi32>], vector<16xf32>,
          %mul3A_304 = arith.mulf %gather3A_301, %gather3A_302 : vector<16xf32>
          %add3A_305 = arith.addf %mul3A_304, %gather3A_303 : vector<16xf32>
          %mul3A_306 = arith.constant 16 : i32
          %mul3A_307 = arith.muli %scan3A_206, %mul3A_306 : i32
          %swap3A_308 = arith.constant 7 : i32
          %swap3A_309 = arith.index_cast %swap3A_308 : i32 to index
          %swap3A_310 = arith.index_cast %mul3A_307 : i32 to index
          %swap3A_311 = tpu.vector_load %arg28[%swap3A_309, %swap3A_310] {strides = array<i32>} : memref<16x128xf32, #tpu.memory_space<vmem>>, vector<16xf32>,
          tpu.vector_store %arg28[%swap3A_309, %swap3A_310], %add3A_305 {strides = array<i32>} : memref<16x128xf32, #tpu.memory_space<vmem>>, vector<16xf32>,
          %broadcast_in_dim3A_312 = arith.constant 8 : i32
          %broadcast_in_dim3A_313 = vector.broadcast %broadcast_in_dim3A_312 : i32 to vector<16xi32>
          %gather3A_314 = tpu.vector_load_idx %arg17[%add3A_210, %broadcast_in_dim3A_313] : memref<128x16xf32, #tpu.memory_space<vmem>>[vector<16xi32>, vector<16xi32>], vector<16xf32>,
          %gather3A_315 = tpu.vector_load_idx %arg21[%add3A_210, %broadcast_in_dim3A_313] : memref<128x16xf32, #tpu.memory_space<vmem>>[vector<16xi32>, vector<16xi32>], vector<16xf32>,
          %gather3A_316 = tpu.vector_load_idx %arg25[%add3A_210, %broadcast_in_dim3A_313] : memref<128x16xf32, #tpu.memory_space<vmem>>[vector<16xi32>, vector<16xi32>], vector<16xf32>,
          %mul3A_317 = arith.mulf %gather3A_314, %gather3A_315 : vector<16xf32>
          %add3A_318 = arith.addf %mul3A_317, %gather3A_316 : vector<16xf32>
          %mul3A_319 = arith.constant 16 : i32
          %mul3A_320 = arith.muli %scan3A_206, %mul3A_319 : i32
          %swap3A_321 = arith.constant 8 : i32
          %swap3A_322 = arith.index_cast %swap3A_321 : i32 to index
          %swap3A_323 = arith.index_cast %mul3A_320 : i32 to index
          %swap3A_324 = tpu.vector_load %arg28[%swap3A_322, %swap3A_323] {strides = array<i32>} : memref<16x128xf32, #tpu.memory_space<vmem>>, vector<16xf32>,
          tpu.vector_store %arg28[%swap3A_322, %swap3A_323], %add3A_318 {strides = array<i32>} : memref<16x128xf32, #tpu.memory_space<vmem>>, vector<16xf32>,
          %broadcast_in_dim3A_325 = arith.constant 9 : i32
          %broadcast_in_dim3A_326 = vector.broadcast %broadcast_in_dim3A_325 : i32 to vector<16xi32>
          %gather3A_327 = tpu.vector_load_idx %arg17[%add3A_210, %broadcast_in_dim3A_326] : memref<128x16xf32, #tpu.memory_space<vmem>>[vector<16xi32>, vector<16xi32>], vector<16xf32>,
          %gather3A_328 = tpu.vector_load_idx %arg21[%add3A_210, %broadcast_in_dim3A_326] : memref<128x16xf32, #tpu.memory_space<vmem>>[vector<16xi32>, vector<16xi32>], vector<16xf32>,
          %gather3A_329 = tpu.vector_load_idx %arg25[%add3A_210, %broadcast_in_dim3A_326] : memref<128x16xf32, #tpu.memory_space<vmem>>[vector<16xi32>, vector<16xi32>], vector<16xf32>,
          %mul3A_330 = arith.mulf %gather3A_327, %gather3A_328 : vector<16xf32>
          %add3A_331 = arith.addf %mul3A_330, %gather3A_329 : vector<16xf32>
          %mul3A_332 = arith.constant 16 : i32
          %mul3A_333 = arith.muli %scan3A_206, %mul3A_332 : i32
          %swap3A_334 = arith.constant 9 : i32
          %swap3A_335 = arith.index_cast %swap3A_334 : i32 to index
          %swap3A_336 = arith.index_cast %mul3A_333 : i32 to index
          %swap3A_337 = tpu.vector_load %arg28[%swap3A_335, %swap3A_336] {strides = array<i32>} : memref<16x128xf32, #tpu.memory_space<vmem>>, vector<16xf32>,
          tpu.vector_store %arg28[%swap3A_335, %swap3A_336], %add3A_331 {strides = array<i32>} : memref<16x128xf32, #tpu.memory_space<vmem>>, vector<16xf32>,
        }
        %scan3A_204 = arith.constant 8 : i32
        %run_scoped3A = arith.constant 0 : i32
        "tpu.region"() ({
          %run_scoped3A_206 = tpu.sem_alloc : memref<!tpu.dma_semaphore, #tpu.memory_space<semaphore_mem>>
          %dma_start3A = arith.constant 0 : i32
          %dma_start3A_207 = arith.constant 0 : i32
          %dma_start3A_208 = tpu.memref_slice %arg28[%dma_start3A, %dma_start3A_207] : memref<16x128xf32, #tpu.memory_space<vmem>> -> memref<8x128xf32, #tpu.memory_space<vmem>>
          %dma_start3A_209 = arith.constant 0 : i32
          %dma_start3A_210 = arith.constant 0 : i32
          %dma_start3A_211 = tpu.memref_slice %arg7[%run_scoped3A, %add3A_93, %dma_start3A_209, %dma_start3A_210] : memref<2x3907x8x128xf32, #tpu.memory_space<hbm>> -> memref<1x1x8x128xf32, #tpu.memory_space<hbm>>
          %dma_start3A_212 = tpu.memref_squeeze %dma_start3A_211 : memref<1x1x8x128xf32, #tpu.memory_space<hbm>> -> memref<8x128xf32, #tpu.memory_space<hbm>>
          %dma_start3A_213 = arith.constant 0 : i32
          %dma_start3A_214 = arith.constant 0 : i32
          %dma_start3A_215 = tpu.memref_slice %arg7[%run_scoped3A, %add3A_93, %dma_start3A_213, %dma_start3A_214] : memref<2x3907x8x128xf32, #tpu.memory_space<hbm>> -> memref<1x1x8x128xf32, #tpu.memory_space<hbm>>
          %dma_start3A_216 = tpu.memref_squeeze %dma_start3A_215 : memref<1x1x8x128xf32, #tpu.memory_space<hbm>> -> memref<8x128xf32, #tpu.memory_space<hbm>>
          %dma_start3A_217 = arith.constant 0 : i32
          %dma_start3A_218 = arith.constant 0 : i32
          %dma_start3A_219 = tpu.memref_slice %arg28[%dma_start3A_217, %dma_start3A_218] : memref<16x128xf32, #tpu.memory_space<vmem>> -> memref<8x128xf32, #tpu.memory_space<vmem>>
          tpu.enqueue_dma source(%dma_start3A_219 : memref<8x128xf32, #tpu.memory_space<vmem>>) target(%dma_start3A_216 : memref<8x128xf32, #tpu.memory_space<hbm>>) target_semaphore(%run_scoped3A_206 : memref<!tpu.dma_semaphore, #tpu.memory_space<semaphore_mem>>)
          %dma_wait3A_220 = arith.constant 0 : i32
          %dma_wait3A_221 = arith.constant 0 : i32
          %dma_wait3A_222 = tpu.memref_slice %arg28[%dma_wait3A_220, %dma_wait3A_221] : memref<16x128xf32, #tpu.memory_space<vmem>> -> memref<8x128xf32, #tpu.memory_space<vmem>>
          %dma_wait3A_223 = arith.constant 0 : i32
          %dma_wait3A_224 = arith.constant 0 : i32
          %dma_wait3A_225 = tpu.memref_slice %arg7[%run_scoped3A, %add3A_93, %dma_wait3A_223, %dma_wait3A_224] : memref<2x3907x8x128xf32, #tpu.memory_space<hbm>> -> memref<1x1x8x128xf32, #tpu.memory_space<hbm>>
          %dma_wait3A_226 = tpu.memref_squeeze %dma_wait3A_225 : memref<1x1x8x128xf32, #tpu.memory_space<hbm>> -> memref<8x128xf32, #tpu.memory_space<hbm>>
          %dma_wait3A_227 = arith.constant 0 : i32
          %dma_wait3A_228 = arith.constant 0 : i32
          %dma_wait3A_229 = tpu.memref_slice %arg7[%run_scoped3A, %add3A_93, %dma_wait3A_227, %dma_wait3A_228] : memref<2x3907x8x128xf32, #tpu.memory_space<hbm>> -> memref<1x1x8x128xf32, #tpu.memory_space<hbm>>
          %dma_wait3A_230 = tpu.memref_squeeze %dma_wait3A_229 : memref<1x1x8x128xf32, #tpu.memory_space<hbm>> -> memref<8x128xf32, #tpu.memory_space<hbm>>
          %dma_wait3A_231 = arith.constant 0 : i32
          %dma_wait3A_232 = arith.constant 0 : i32
          %dma_wait3A_233 = tpu.memref_slice %arg28[%dma_wait3A_231, %dma_wait3A_232] : memref<16x128xf32, #tpu.memory_space<vmem>> -> memref<8x128xf32, #tpu.memory_space<vmem>>
          tpu.wait_dma2 semaphore(%run_scoped3A_206 : memref<!tpu.dma_semaphore, #tpu.memory_space<semaphore_mem>>) src(%dma_wait3A_233 : memref<8x128xf32, #tpu.memory_space<vmem>>) dst(%dma_wait3A_230 : memref<8x128xf32, #tpu.memory_space<hbm>>)
          tpu.yield
        }) : () -> ()
        %run_scoped3A_205 = arith.constant 1 : i32
        "tpu.region"() ({
          %run_scoped3A_206 = tpu.sem_alloc : memref<!tpu.dma_semaphore, #tpu.memory_space<semaphore_mem>>
          %dma_start3A = arith.constant 8 : i32
          %dma_start3A_207 = arith.constant 0 : i32
          %dma_start3A_208 = tpu.memref_slice %arg28[%dma_start3A, %dma_start3A_207] : memref<16x128xf32, #tpu.memory_space<vmem>> -> memref<8x128xf32, #tpu.memory_space<vmem>>
          %dma_start3A_209 = arith.constant 0 : i32
          %dma_start3A_210 = arith.constant 0 : i32
          %dma_start3A_211 = tpu.memref_slice %arg7[%run_scoped3A_205, %add3A_93, %dma_start3A_209, %dma_start3A_210] : memref<2x3907x8x128xf32, #tpu.memory_space<hbm>> -> memref<1x1x8x128xf32, #tpu.memory_space<hbm>>
          %dma_start3A_212 = tpu.memref_squeeze %dma_start3A_211 : memref<1x1x8x128xf32, #tpu.memory_space<hbm>> -> memref<8x128xf32, #tpu.memory_space<hbm>>
          %dma_start3A_213 = arith.constant 0 : i32
          %dma_start3A_214 = arith.constant 0 : i32
          %dma_start3A_215 = tpu.memref_slice %arg7[%run_scoped3A_205, %add3A_93, %dma_start3A_213, %dma_start3A_214] : memref<2x3907x8x128xf32, #tpu.memory_space<hbm>> -> memref<1x1x8x128xf32, #tpu.memory_space<hbm>>
          %dma_start3A_216 = tpu.memref_squeeze %dma_start3A_215 : memref<1x1x8x128xf32, #tpu.memory_space<hbm>> -> memref<8x128xf32, #tpu.memory_space<hbm>>
          %dma_start3A_217 = arith.constant 8 : i32
          %dma_start3A_218 = arith.constant 0 : i32
          %dma_start3A_219 = tpu.memref_slice %arg28[%dma_start3A_217, %dma_start3A_218] : memref<16x128xf32, #tpu.memory_space<vmem>> -> memref<8x128xf32, #tpu.memory_space<vmem>>
          tpu.enqueue_dma source(%dma_start3A_219 : memref<8x128xf32, #tpu.memory_space<vmem>>) target(%dma_start3A_216 : memref<8x128xf32, #tpu.memory_space<hbm>>) target_semaphore(%run_scoped3A_206 : memref<!tpu.dma_semaphore, #tpu.memory_space<semaphore_mem>>)
          %dma_wait3A_220 = arith.constant 8 : i32
          %dma_wait3A_221 = arith.constant 0 : i32
          %dma_wait3A_222 = tpu.memref_slice %arg28[%dma_wait3A_220, %dma_wait3A_221] : memref<16x128xf32, #tpu.memory_space<vmem>> -> memref<8x128xf32, #tpu.memory_space<vmem>>
          %dma_wait3A_223 = arith.constant 0 : i32
          %dma_wait3A_224 = arith.constant 0 : i32
          %dma_wait3A_225 = tpu.memref_slice %arg7[%run_scoped3A_205, %add3A_93, %dma_wait3A_223, %dma_wait3A_224] : memref<2x3907x8x128xf32, #tpu.memory_space<hbm>> -> memref<1x1x8x128xf32, #tpu.memory_space<hbm>>
          %dma_wait3A_226 = tpu.memref_squeeze %dma_wait3A_225 : memref<1x1x8x128xf32, #tpu.memory_space<hbm>> -> memref<8x128xf32, #tpu.memory_space<hbm>>
          %dma_wait3A_227 = arith.constant 0 : i32
          %dma_wait3A_228 = arith.constant 0 : i32
          %dma_wait3A_229 = tpu.memref_slice %arg7[%run_scoped3A_205, %add3A_93, %dma_wait3A_227, %dma_wait3A_228] : memref<2x3907x8x128xf32, #tpu.memory_space<hbm>> -> memref<1x1x8x128xf32, #tpu.memory_space<hbm>>
          %dma_wait3A_230 = tpu.memref_squeeze %dma_wait3A_229 : memref<1x1x8x128xf32, #tpu.memory_space<hbm>> -> memref<8x128xf32, #tpu.memory_space<hbm>>
          %dma_wait3A_231 = arith.constant 8 : i32
          %dma_wait3A_232 = arith.constant 0 : i32
          %dma_wait3A_233 = tpu.memref_slice %arg28[%dma_wait3A_231, %dma_wait3A_232] : memref<16x128xf32, #tpu.memory_space<vmem>> -> memref<8x128xf32, #tpu.memory_space<vmem>>
          tpu.wait_dma2 semaphore(%run_scoped3A_206 : memref<!tpu.dma_semaphore, #tpu.memory_space<semaphore_mem>>) src(%dma_wait3A_233 : memref<8x128xf32, #tpu.memory_space<vmem>>) dst(%dma_wait3A_230 : memref<8x128xf32, #tpu.memory_space<hbm>>)
          tpu.yield
        }) : () -> ()
      } else {
      }
      %add3A_99 = arith.constant 1 : i32
      %add3A_100 = arith.addi %mul3A_54, %add3A_99 : i32
      %add3A_101 = arith.constant 4 : i32
      %add3A_102 = arith.addi %add3A_100, %add3A_101 : i32
      %mul3A_103 = arith.constant 32 : i32
      %mul3A_104 = arith.muli %add3A_102, %mul3A_103 : i32
      %add3A_105 = arith.addi %add3A, %mul3A_104 : i32
      %lt3A_106 = arith.constant 3907 : i32
      %lt3A_107 = arith.cmpi slt, %add3A_105, %lt3A_106 : i32
      %convert_element_type3A_108 = arith.extui %lt3A_107 : i1 to i32
      %cond3A_109 = arith.constant 0 : i32
      %cond3A_110 = arith.cmpi ne, %convert_element_type3A_108, %cond3A_109 : i32
      scf.if %cond3A_110 {
        %mul3A_191 = arith.constant 128 : i32
        %mul3A_192 = arith.muli %add3A_105, %mul3A_191 : i32
        %dma_start3A = tpu.memref_slice %arg5[%mul3A_192] : memref<500096xi32, #tpu.memory_space<hbm>> -> memref<128xi32, #tpu.memory_space<hbm>>
        %dma_start3A_193 = tpu.memref_slice %arg5[%mul3A_192] : memref<500096xi32, #tpu.memory_space<hbm>> -> memref<128xi32, #tpu.memory_space<hbm>>
        tpu.enqueue_dma source(%dma_start3A_193 : memref<128xi32, #tpu.memory_space<hbm>>) target(%arg10 : memref<128xi32, #tpu.memory_space<vmem>>) target_semaphore(%arg29 : memref<!tpu.dma_semaphore, #tpu.memory_space<semaphore_mem>>)
        %dma_start3A_194 = tpu.memref_slice %arg6[%mul3A_192] : memref<500096xi32, #tpu.memory_space<hbm>> -> memref<128xi32, #tpu.memory_space<hbm>>
        %dma_start3A_195 = tpu.memref_slice %arg6[%mul3A_192] : memref<500096xi32, #tpu.memory_space<hbm>> -> memref<128xi32, #tpu.memory_space<hbm>>
        tpu.enqueue_dma source(%dma_start3A_195 : memref<128xi32, #tpu.memory_space<hbm>>) target(%arg11 : memref<128xi32, #tpu.memory_space<vmem>>) target_semaphore(%arg29 : memref<!tpu.dma_semaphore, #tpu.memory_space<semaphore_mem>>)
      } else {
      }
      %add3A_111 = arith.constant 1 : i32
      %add3A_112 = arith.addi %mul3A_54, %add3A_111 : i32
      %add3A_113 = arith.constant 3 : i32
      %add3A_114 = arith.addi %add3A_112, %add3A_113 : i32
      %mul3A_115 = arith.constant 32 : i32
      %mul3A_116 = arith.muli %add3A_114, %mul3A_115 : i32
      %add3A_117 = arith.addi %add3A, %mul3A_116 : i32
      %lt3A_118 = arith.constant 3907 : i32
      %lt3A_119 = arith.cmpi slt, %add3A_117, %lt3A_118 : i32
      %convert_element_type3A_120 = arith.extui %lt3A_119 : i1 to i32
      %cond3A_121 = arith.constant 0 : i32
      %cond3A_122 = arith.cmpi ne, %convert_element_type3A_120, %cond3A_121 : i32
      scf.if %cond3A_122 {
        %dma_wait3A = arith.constant 0 : i32
        %dma_wait3A_191 = tpu.memref_slice %arg5[%dma_wait3A] : memref<500096xi32, #tpu.memory_space<hbm>> -> memref<128xi32, #tpu.memory_space<hbm>>
        %dma_wait3A_192 = arith.constant 0 : i32
        %dma_wait3A_193 = tpu.memref_slice %arg5[%dma_wait3A_192] : memref<500096xi32, #tpu.memory_space<hbm>> -> memref<128xi32, #tpu.memory_space<hbm>>
        tpu.wait_dma2 semaphore(%arg29 : memref<!tpu.dma_semaphore, #tpu.memory_space<semaphore_mem>>) src(%dma_wait3A_193 : memref<128xi32, #tpu.memory_space<hbm>>) dst(%arg8 : memref<128xi32, #tpu.memory_space<vmem>>)
        %dma_wait3A_194 = arith.constant 0 : i32
        %dma_wait3A_195 = tpu.memref_slice %arg6[%dma_wait3A_194] : memref<500096xi32, #tpu.memory_space<hbm>> -> memref<128xi32, #tpu.memory_space<hbm>>
        %dma_wait3A_196 = arith.constant 0 : i32
        %dma_wait3A_197 = tpu.memref_slice %arg6[%dma_wait3A_196] : memref<500096xi32, #tpu.memory_space<hbm>> -> memref<128xi32, #tpu.memory_space<hbm>>
        tpu.wait_dma2 semaphore(%arg29 : memref<!tpu.dma_semaphore, #tpu.memory_space<semaphore_mem>>) src(%dma_wait3A_197 : memref<128xi32, #tpu.memory_space<hbm>>) dst(%arg9 : memref<128xi32, #tpu.memory_space<vmem>>)
        %dma_start3A = arith.constant 0 : i32
        %dma_start3A_198 = arith.constant 0 : i32
        %dma_start3A_199 = tpu.memref_slice %arg2[%dma_start3A, %dma_start3A_198] : memref<100000x16xf32, #tpu.memory_space<hbm>> -> memref<100000x16xf32, #tpu.memory_space<hbm>>
        tpu.enqueue_indirect_dma source(%dma_start3A_199 : memref<100000x16xf32, #tpu.memory_space<hbm>>) target(%arg16 : memref<128x16xf32, #tpu.memory_space<vmem>>) offsets(%arg8 : memref<128xi32, #tpu.memory_space<vmem>>) semaphore(%arg30 : memref<!tpu.dma_semaphore, #tpu.memory_space<semaphore_mem>>)
        %dma_start3A_200 = arith.constant 0 : i32
        %dma_start3A_201 = arith.constant 0 : i32
        %dma_start3A_202 = tpu.memref_slice %arg3[%dma_start3A_200, %dma_start3A_201] : memref<10000x16xf32, #tpu.memory_space<hbm>> -> memref<10000x16xf32, #tpu.memory_space<hbm>>
        tpu.enqueue_indirect_dma source(%dma_start3A_202 : memref<10000x16xf32, #tpu.memory_space<hbm>>) target(%arg20 : memref<128x16xf32, #tpu.memory_space<vmem>>) offsets(%arg9 : memref<128xi32, #tpu.memory_space<vmem>>) semaphore(%arg30 : memref<!tpu.dma_semaphore, #tpu.memory_space<semaphore_mem>>)
        %dma_start3A_203 = arith.constant 0 : i32
        %dma_start3A_204 = arith.constant 0 : i32
        %dma_start3A_205 = tpu.memref_slice %arg4[%dma_start3A_203, %dma_start3A_204] : memref<10000x16xf32, #tpu.memory_space<hbm>> -> memref<10000x16xf32, #tpu.memory_space<hbm>>
        tpu.enqueue_indirect_dma source(%dma_start3A_205 : memref<10000x16xf32, #tpu.memory_space<hbm>>) target(%arg24 : memref<128x16xf32, #tpu.memory_space<vmem>>) offsets(%arg9 : memref<128xi32, #tpu.memory_space<vmem>>) semaphore(%arg30 : memref<!tpu.dma_semaphore, #tpu.memory_space<semaphore_mem>>)
      } else {
      }
      %add3A_123 = arith.constant 2 : i32
      %add3A_124 = arith.addi %mul3A_54, %add3A_123 : i32
      %mul3A_125 = arith.constant 32 : i32
      %mul3A_126 = arith.muli %add3A_124, %mul3A_125 : i32
      %add3A_127 = arith.addi %add3A, %mul3A_126 : i32
      %lt3A_128 = arith.constant 3907 : i32
      %lt3A_129 = arith.cmpi slt, %add3A_127, %lt3A_128 : i32
      %convert_element_type3A_130 = arith.extui %lt3A_129 : i1 to i32
      %cond3A_131 = arith.constant 0 : i32
      %cond3A_132 = arith.cmpi ne, %convert_element_type3A_130, %cond3A_131 : i32
      scf.if %cond3A_132 {
        %dma_wait3A = arith.constant 0 : i32
        %dma_wait3A_191 = arith.constant 0 : i32
        %dma_wait3A_192 = tpu.memref_slice %arg2[%dma_wait3A, %dma_wait3A_191] : memref<100000x16xf32, #tpu.memory_space<hbm>> -> memref<100000x16xf32, #tpu.memory_space<hbm>>
        tpu.wait_indirect_dma semaphore(%arg30 : memref<!tpu.dma_semaphore, #tpu.memory_space<semaphore_mem>>) src(%dma_wait3A_192 : memref<100000x16xf32, #tpu.memory_space<hbm>>) dst(%arg18 : memref<128x16xf32, #tpu.memory_space<vmem>>)
        %dma_wait3A_193 = arith.constant 0 : i32
        %dma_wait3A_194 = arith.constant 0 : i32
        %dma_wait3A_195 = tpu.memref_slice %arg3[%dma_wait3A_193, %dma_wait3A_194] : memref<10000x16xf32, #tpu.memory_space<hbm>> -> memref<10000x16xf32, #tpu.memory_space<hbm>>
        tpu.wait_indirect_dma semaphore(%arg30 : memref<!tpu.dma_semaphore, #tpu.memory_space<semaphore_mem>>) src(%dma_wait3A_195 : memref<10000x16xf32, #tpu.memory_space<hbm>>) dst(%arg22 : memref<128x16xf32, #tpu.memory_space<vmem>>)
        %dma_wait3A_196 = arith.constant 0 : i32
        %dma_wait3A_197 = arith.constant 0 : i32
        %dma_wait3A_198 = tpu.memref_slice %arg4[%dma_wait3A_196, %dma_wait3A_197] : memref<10000x16xf32, #tpu.memory_space<hbm>> -> memref<10000x16xf32, #tpu.memory_space<hbm>>
        tpu.wait_indirect_dma semaphore(%arg30 : memref<!tpu.dma_semaphore, #tpu.memory_space<semaphore_mem>>) src(%dma_wait3A_198 : memref<10000x16xf32, #tpu.memory_space<hbm>>) dst(%arg26 : memref<128x16xf32, #tpu.memory_space<vmem>>)
        %scan3A_199 = arith.constant 0 : i32
        %scan3A_200 = arith.constant 0 : i32
        %scan3A_201 = arith.constant 8 : i32
        %scan3A_202 = arith.addi %scan3A_200, %scan3A_201 : i32
        %scan3A_203 = arith.constant 1 : i32
        scf.for %scan3A_206 = %scan3A_200 to %scan3A_202 step %scan3A_203  : i32 {
          %mul3A_207 = arith.constant 16 : i32
          %mul3A_208 = arith.muli %scan3A_206, %mul3A_207 : i32
          %iota3A = tpu.iota {dimensions = array<i32: 0>} : vector<16xi32>
          %add3A_209 = vector.broadcast %mul3A_208 : i32 to vector<16xi32>
          %add3A_210 = arith.addi %add3A_209, %iota3A : vector<16xi32>
          %broadcast_in_dim3A = arith.constant 0 : i32
          %broadcast_in_dim3A_211 = vector.broadcast %broadcast_in_dim3A : i32 to vector<16xi32>
          %gather3A = tpu.vector_load_idx %arg18[%add3A_210, %broadcast_in_dim3A_211] : memref<128x16xf32, #tpu.memory_space<vmem>>[vector<16xi32>, vector<16xi32>], vector<16xf32>,
          %gather3A_212 = tpu.vector_load_idx %arg22[%add3A_210, %broadcast_in_dim3A_211] : memref<128x16xf32, #tpu.memory_space<vmem>>[vector<16xi32>, vector<16xi32>], vector<16xf32>,
          %gather3A_213 = tpu.vector_load_idx %arg26[%add3A_210, %broadcast_in_dim3A_211] : memref<128x16xf32, #tpu.memory_space<vmem>>[vector<16xi32>, vector<16xi32>], vector<16xf32>,
          %mul3A_214 = arith.mulf %gather3A, %gather3A_212 : vector<16xf32>
          %add3A_215 = arith.addf %mul3A_214, %gather3A_213 : vector<16xf32>
          %mul3A_216 = arith.constant 16 : i32
          %mul3A_217 = arith.muli %scan3A_206, %mul3A_216 : i32
          %swap3A = arith.constant 0 : i32
          %swap3A_218 = arith.index_cast %swap3A : i32 to index
          %swap3A_219 = arith.index_cast %mul3A_217 : i32 to index
          %swap3A_220 = tpu.vector_load %arg28[%swap3A_218, %swap3A_219] {strides = array<i32>} : memref<16x128xf32, #tpu.memory_space<vmem>>, vector<16xf32>,
          tpu.vector_store %arg28[%swap3A_218, %swap3A_219], %add3A_215 {strides = array<i32>} : memref<16x128xf32, #tpu.memory_space<vmem>>, vector<16xf32>,
          %broadcast_in_dim3A_221 = arith.constant 1 : i32
          %broadcast_in_dim3A_222 = vector.broadcast %broadcast_in_dim3A_221 : i32 to vector<16xi32>
          %gather3A_223 = tpu.vector_load_idx %arg18[%add3A_210, %broadcast_in_dim3A_222] : memref<128x16xf32, #tpu.memory_space<vmem>>[vector<16xi32>, vector<16xi32>], vector<16xf32>,
          %gather3A_224 = tpu.vector_load_idx %arg22[%add3A_210, %broadcast_in_dim3A_222] : memref<128x16xf32, #tpu.memory_space<vmem>>[vector<16xi32>, vector<16xi32>], vector<16xf32>,
          %gather3A_225 = tpu.vector_load_idx %arg26[%add3A_210, %broadcast_in_dim3A_222] : memref<128x16xf32, #tpu.memory_space<vmem>>[vector<16xi32>, vector<16xi32>], vector<16xf32>,
          %mul3A_226 = arith.mulf %gather3A_223, %gather3A_224 : vector<16xf32>
          %add3A_227 = arith.addf %mul3A_226, %gather3A_225 : vector<16xf32>
          %mul3A_228 = arith.constant 16 : i32
          %mul3A_229 = arith.muli %scan3A_206, %mul3A_228 : i32
          %swap3A_230 = arith.constant 1 : i32
          %swap3A_231 = arith.index_cast %swap3A_230 : i32 to index
          %swap3A_232 = arith.index_cast %mul3A_229 : i32 to index
          %swap3A_233 = tpu.vector_load %arg28[%swap3A_231, %swap3A_232] {strides = array<i32>} : memref<16x128xf32, #tpu.memory_space<vmem>>, vector<16xf32>,
          tpu.vector_store %arg28[%swap3A_231, %swap3A_232], %add3A_227 {strides = array<i32>} : memref<16x128xf32, #tpu.memory_space<vmem>>, vector<16xf32>,
          %broadcast_in_dim3A_234 = arith.constant 2 : i32
          %broadcast_in_dim3A_235 = vector.broadcast %broadcast_in_dim3A_234 : i32 to vector<16xi32>
          %gather3A_236 = tpu.vector_load_idx %arg18[%add3A_210, %broadcast_in_dim3A_235] : memref<128x16xf32, #tpu.memory_space<vmem>>[vector<16xi32>, vector<16xi32>], vector<16xf32>,
          %gather3A_237 = tpu.vector_load_idx %arg22[%add3A_210, %broadcast_in_dim3A_235] : memref<128x16xf32, #tpu.memory_space<vmem>>[vector<16xi32>, vector<16xi32>], vector<16xf32>,
          %gather3A_238 = tpu.vector_load_idx %arg26[%add3A_210, %broadcast_in_dim3A_235] : memref<128x16xf32, #tpu.memory_space<vmem>>[vector<16xi32>, vector<16xi32>], vector<16xf32>,
          %mul3A_239 = arith.mulf %gather3A_236, %gather3A_237 : vector<16xf32>
          %add3A_240 = arith.addf %mul3A_239, %gather3A_238 : vector<16xf32>
          %mul3A_241 = arith.constant 16 : i32
          %mul3A_242 = arith.muli %scan3A_206, %mul3A_241 : i32
          %swap3A_243 = arith.constant 2 : i32
          %swap3A_244 = arith.index_cast %swap3A_243 : i32 to index
          %swap3A_245 = arith.index_cast %mul3A_242 : i32 to index
          %swap3A_246 = tpu.vector_load %arg28[%swap3A_244, %swap3A_245] {strides = array<i32>} : memref<16x128xf32, #tpu.memory_space<vmem>>, vector<16xf32>,
          tpu.vector_store %arg28[%swap3A_244, %swap3A_245], %add3A_240 {strides = array<i32>} : memref<16x128xf32, #tpu.memory_space<vmem>>, vector<16xf32>,
          %broadcast_in_dim3A_247 = arith.constant 3 : i32
          %broadcast_in_dim3A_248 = vector.broadcast %broadcast_in_dim3A_247 : i32 to vector<16xi32>
          %gather3A_249 = tpu.vector_load_idx %arg18[%add3A_210, %broadcast_in_dim3A_248] : memref<128x16xf32, #tpu.memory_space<vmem>>[vector<16xi32>, vector<16xi32>], vector<16xf32>,
          %gather3A_250 = tpu.vector_load_idx %arg22[%add3A_210, %broadcast_in_dim3A_248] : memref<128x16xf32, #tpu.memory_space<vmem>>[vector<16xi32>, vector<16xi32>], vector<16xf32>,
          %gather3A_251 = tpu.vector_load_idx %arg26[%add3A_210, %broadcast_in_dim3A_248] : memref<128x16xf32, #tpu.memory_space<vmem>>[vector<16xi32>, vector<16xi32>], vector<16xf32>,
          %mul3A_252 = arith.mulf %gather3A_249, %gather3A_250 : vector<16xf32>
          %add3A_253 = arith.addf %mul3A_252, %gather3A_251 : vector<16xf32>
          %mul3A_254 = arith.constant 16 : i32
          %mul3A_255 = arith.muli %scan3A_206, %mul3A_254 : i32
          %swap3A_256 = arith.constant 3 : i32
          %swap3A_257 = arith.index_cast %swap3A_256 : i32 to index
          %swap3A_258 = arith.index_cast %mul3A_255 : i32 to index
          %swap3A_259 = tpu.vector_load %arg28[%swap3A_257, %swap3A_258] {strides = array<i32>} : memref<16x128xf32, #tpu.memory_space<vmem>>, vector<16xf32>,
          tpu.vector_store %arg28[%swap3A_257, %swap3A_258], %add3A_253 {strides = array<i32>} : memref<16x128xf32, #tpu.memory_space<vmem>>, vector<16xf32>,
          %broadcast_in_dim3A_260 = arith.constant 4 : i32
          %broadcast_in_dim3A_261 = vector.broadcast %broadcast_in_dim3A_260 : i32 to vector<16xi32>
          %gather3A_262 = tpu.vector_load_idx %arg18[%add3A_210, %broadcast_in_dim3A_261] : memref<128x16xf32, #tpu.memory_space<vmem>>[vector<16xi32>, vector<16xi32>], vector<16xf32>,
          %gather3A_263 = tpu.vector_load_idx %arg22[%add3A_210, %broadcast_in_dim3A_261] : memref<128x16xf32, #tpu.memory_space<vmem>>[vector<16xi32>, vector<16xi32>], vector<16xf32>,
          %gather3A_264 = tpu.vector_load_idx %arg26[%add3A_210, %broadcast_in_dim3A_261] : memref<128x16xf32, #tpu.memory_space<vmem>>[vector<16xi32>, vector<16xi32>], vector<16xf32>,
          %mul3A_265 = arith.mulf %gather3A_262, %gather3A_263 : vector<16xf32>
          %add3A_266 = arith.addf %mul3A_265, %gather3A_264 : vector<16xf32>
          %mul3A_267 = arith.constant 16 : i32
          %mul3A_268 = arith.muli %scan3A_206, %mul3A_267 : i32
          %swap3A_269 = arith.constant 4 : i32
          %swap3A_270 = arith.index_cast %swap3A_269 : i32 to index
          %swap3A_271 = arith.index_cast %mul3A_268 : i32 to index
          %swap3A_272 = tpu.vector_load %arg28[%swap3A_270, %swap3A_271] {strides = array<i32>} : memref<16x128xf32, #tpu.memory_space<vmem>>, vector<16xf32>,
          tpu.vector_store %arg28[%swap3A_270, %swap3A_271], %add3A_266 {strides = array<i32>} : memref<16x128xf32, #tpu.memory_space<vmem>>, vector<16xf32>,
          %broadcast_in_dim3A_273 = arith.constant 5 : i32
          %broadcast_in_dim3A_274 = vector.broadcast %broadcast_in_dim3A_273 : i32 to vector<16xi32>
          %gather3A_275 = tpu.vector_load_idx %arg18[%add3A_210, %broadcast_in_dim3A_274] : memref<128x16xf32, #tpu.memory_space<vmem>>[vector<16xi32>, vector<16xi32>], vector<16xf32>,
          %gather3A_276 = tpu.vector_load_idx %arg22[%add3A_210, %broadcast_in_dim3A_274] : memref<128x16xf32, #tpu.memory_space<vmem>>[vector<16xi32>, vector<16xi32>], vector<16xf32>,
          %gather3A_277 = tpu.vector_load_idx %arg26[%add3A_210, %broadcast_in_dim3A_274] : memref<128x16xf32, #tpu.memory_space<vmem>>[vector<16xi32>, vector<16xi32>], vector<16xf32>,
          %mul3A_278 = arith.mulf %gather3A_275, %gather3A_276 : vector<16xf32>
          %add3A_279 = arith.addf %mul3A_278, %gather3A_277 : vector<16xf32>
          %mul3A_280 = arith.constant 16 : i32
          %mul3A_281 = arith.muli %scan3A_206, %mul3A_280 : i32
          %swap3A_282 = arith.constant 5 : i32
          %swap3A_283 = arith.index_cast %swap3A_282 : i32 to index
          %swap3A_284 = arith.index_cast %mul3A_281 : i32 to index
          %swap3A_285 = tpu.vector_load %arg28[%swap3A_283, %swap3A_284] {strides = array<i32>} : memref<16x128xf32, #tpu.memory_space<vmem>>, vector<16xf32>,
          tpu.vector_store %arg28[%swap3A_283, %swap3A_284], %add3A_279 {strides = array<i32>} : memref<16x128xf32, #tpu.memory_space<vmem>>, vector<16xf32>,
          %broadcast_in_dim3A_286 = arith.constant 6 : i32
          %broadcast_in_dim3A_287 = vector.broadcast %broadcast_in_dim3A_286 : i32 to vector<16xi32>
          %gather3A_288 = tpu.vector_load_idx %arg18[%add3A_210, %broadcast_in_dim3A_287] : memref<128x16xf32, #tpu.memory_space<vmem>>[vector<16xi32>, vector<16xi32>], vector<16xf32>,
          %gather3A_289 = tpu.vector_load_idx %arg22[%add3A_210, %broadcast_in_dim3A_287] : memref<128x16xf32, #tpu.memory_space<vmem>>[vector<16xi32>, vector<16xi32>], vector<16xf32>,
          %gather3A_290 = tpu.vector_load_idx %arg26[%add3A_210, %broadcast_in_dim3A_287] : memref<128x16xf32, #tpu.memory_space<vmem>>[vector<16xi32>, vector<16xi32>], vector<16xf32>,
          %mul3A_291 = arith.mulf %gather3A_288, %gather3A_289 : vector<16xf32>
          %add3A_292 = arith.addf %mul3A_291, %gather3A_290 : vector<16xf32>
          %mul3A_293 = arith.constant 16 : i32
          %mul3A_294 = arith.muli %scan3A_206, %mul3A_293 : i32
          %swap3A_295 = arith.constant 6 : i32
          %swap3A_296 = arith.index_cast %swap3A_295 : i32 to index
          %swap3A_297 = arith.index_cast %mul3A_294 : i32 to index
          %swap3A_298 = tpu.vector_load %arg28[%swap3A_296, %swap3A_297] {strides = array<i32>} : memref<16x128xf32, #tpu.memory_space<vmem>>, vector<16xf32>,
          tpu.vector_store %arg28[%swap3A_296, %swap3A_297], %add3A_292 {strides = array<i32>} : memref<16x128xf32, #tpu.memory_space<vmem>>, vector<16xf32>,
          %broadcast_in_dim3A_299 = arith.constant 7 : i32
          %broadcast_in_dim3A_300 = vector.broadcast %broadcast_in_dim3A_299 : i32 to vector<16xi32>
          %gather3A_301 = tpu.vector_load_idx %arg18[%add3A_210, %broadcast_in_dim3A_300] : memref<128x16xf32, #tpu.memory_space<vmem>>[vector<16xi32>, vector<16xi32>], vector<16xf32>,
          %gather3A_302 = tpu.vector_load_idx %arg22[%add3A_210, %broadcast_in_dim3A_300] : memref<128x16xf32, #tpu.memory_space<vmem>>[vector<16xi32>, vector<16xi32>], vector<16xf32>,
          %gather3A_303 = tpu.vector_load_idx %arg26[%add3A_210, %broadcast_in_dim3A_300] : memref<128x16xf32, #tpu.memory_space<vmem>>[vector<16xi32>, vector<16xi32>], vector<16xf32>,
          %mul3A_304 = arith.mulf %gather3A_301, %gather3A_302 : vector<16xf32>
          %add3A_305 = arith.addf %mul3A_304, %gather3A_303 : vector<16xf32>
          %mul3A_306 = arith.constant 16 : i32
          %mul3A_307 = arith.muli %scan3A_206, %mul3A_306 : i32
          %swap3A_308 = arith.constant 7 : i32
          %swap3A_309 = arith.index_cast %swap3A_308 : i32 to index
          %swap3A_310 = arith.index_cast %mul3A_307 : i32 to index
          %swap3A_311 = tpu.vector_load %arg28[%swap3A_309, %swap3A_310] {strides = array<i32>} : memref<16x128xf32, #tpu.memory_space<vmem>>, vector<16xf32>,
          tpu.vector_store %arg28[%swap3A_309, %swap3A_310], %add3A_305 {strides = array<i32>} : memref<16x128xf32, #tpu.memory_space<vmem>>, vector<16xf32>,
          %broadcast_in_dim3A_312 = arith.constant 8 : i32
          %broadcast_in_dim3A_313 = vector.broadcast %broadcast_in_dim3A_312 : i32 to vector<16xi32>
          %gather3A_314 = tpu.vector_load_idx %arg18[%add3A_210, %broadcast_in_dim3A_313] : memref<128x16xf32, #tpu.memory_space<vmem>>[vector<16xi32>, vector<16xi32>], vector<16xf32>,
          %gather3A_315 = tpu.vector_load_idx %arg22[%add3A_210, %broadcast_in_dim3A_313] : memref<128x16xf32, #tpu.memory_space<vmem>>[vector<16xi32>, vector<16xi32>], vector<16xf32>,
          %gather3A_316 = tpu.vector_load_idx %arg26[%add3A_210, %broadcast_in_dim3A_313] : memref<128x16xf32, #tpu.memory_space<vmem>>[vector<16xi32>, vector<16xi32>], vector<16xf32>,
          %mul3A_317 = arith.mulf %gather3A_314, %gather3A_315 : vector<16xf32>
          %add3A_318 = arith.addf %mul3A_317, %gather3A_316 : vector<16xf32>
          %mul3A_319 = arith.constant 16 : i32
          %mul3A_320 = arith.muli %scan3A_206, %mul3A_319 : i32
          %swap3A_321 = arith.constant 8 : i32
          %swap3A_322 = arith.index_cast %swap3A_321 : i32 to index
          %swap3A_323 = arith.index_cast %mul3A_320 : i32 to index
          %swap3A_324 = tpu.vector_load %arg28[%swap3A_322, %swap3A_323] {strides = array<i32>} : memref<16x128xf32, #tpu.memory_space<vmem>>, vector<16xf32>,
          tpu.vector_store %arg28[%swap3A_322, %swap3A_323], %add3A_318 {strides = array<i32>} : memref<16x128xf32, #tpu.memory_space<vmem>>, vector<16xf32>,
          %broadcast_in_dim3A_325 = arith.constant 9 : i32
          %broadcast_in_dim3A_326 = vector.broadcast %broadcast_in_dim3A_325 : i32 to vector<16xi32>
          %gather3A_327 = tpu.vector_load_idx %arg18[%add3A_210, %broadcast_in_dim3A_326] : memref<128x16xf32, #tpu.memory_space<vmem>>[vector<16xi32>, vector<16xi32>], vector<16xf32>,
          %gather3A_328 = tpu.vector_load_idx %arg22[%add3A_210, %broadcast_in_dim3A_326] : memref<128x16xf32, #tpu.memory_space<vmem>>[vector<16xi32>, vector<16xi32>], vector<16xf32>,
          %gather3A_329 = tpu.vector_load_idx %arg26[%add3A_210, %broadcast_in_dim3A_326] : memref<128x16xf32, #tpu.memory_space<vmem>>[vector<16xi32>, vector<16xi32>], vector<16xf32>,
          %mul3A_330 = arith.mulf %gather3A_327, %gather3A_328 : vector<16xf32>
          %add3A_331 = arith.addf %mul3A_330, %gather3A_329 : vector<16xf32>
          %mul3A_332 = arith.constant 16 : i32
          %mul3A_333 = arith.muli %scan3A_206, %mul3A_332 : i32
          %swap3A_334 = arith.constant 9 : i32
          %swap3A_335 = arith.index_cast %swap3A_334 : i32 to index
          %swap3A_336 = arith.index_cast %mul3A_333 : i32 to index
          %swap3A_337 = tpu.vector_load %arg28[%swap3A_335, %swap3A_336] {strides = array<i32>} : memref<16x128xf32, #tpu.memory_space<vmem>>, vector<16xf32>,
          tpu.vector_store %arg28[%swap3A_335, %swap3A_336], %add3A_331 {strides = array<i32>} : memref<16x128xf32, #tpu.memory_space<vmem>>, vector<16xf32>,
        }
        %scan3A_204 = arith.constant 8 : i32
        %run_scoped3A = arith.constant 0 : i32
        "tpu.region"() ({
          %run_scoped3A_206 = tpu.sem_alloc : memref<!tpu.dma_semaphore, #tpu.memory_space<semaphore_mem>>
          %dma_start3A = arith.constant 0 : i32
          %dma_start3A_207 = arith.constant 0 : i32
          %dma_start3A_208 = tpu.memref_slice %arg28[%dma_start3A, %dma_start3A_207] : memref<16x128xf32, #tpu.memory_space<vmem>> -> memref<8x128xf32, #tpu.memory_space<vmem>>
          %dma_start3A_209 = arith.constant 0 : i32
          %dma_start3A_210 = arith.constant 0 : i32
          %dma_start3A_211 = tpu.memref_slice %arg7[%run_scoped3A, %add3A_127, %dma_start3A_209, %dma_start3A_210] : memref<2x3907x8x128xf32, #tpu.memory_space<hbm>> -> memref<1x1x8x128xf32, #tpu.memory_space<hbm>>
          %dma_start3A_212 = tpu.memref_squeeze %dma_start3A_211 : memref<1x1x8x128xf32, #tpu.memory_space<hbm>> -> memref<8x128xf32, #tpu.memory_space<hbm>>
          %dma_start3A_213 = arith.constant 0 : i32
          %dma_start3A_214 = arith.constant 0 : i32
          %dma_start3A_215 = tpu.memref_slice %arg7[%run_scoped3A, %add3A_127, %dma_start3A_213, %dma_start3A_214] : memref<2x3907x8x128xf32, #tpu.memory_space<hbm>> -> memref<1x1x8x128xf32, #tpu.memory_space<hbm>>
          %dma_start3A_216 = tpu.memref_squeeze %dma_start3A_215 : memref<1x1x8x128xf32, #tpu.memory_space<hbm>> -> memref<8x128xf32, #tpu.memory_space<hbm>>
          %dma_start3A_217 = arith.constant 0 : i32
          %dma_start3A_218 = arith.constant 0 : i32
          %dma_start3A_219 = tpu.memref_slice %arg28[%dma_start3A_217, %dma_start3A_218] : memref<16x128xf32, #tpu.memory_space<vmem>> -> memref<8x128xf32, #tpu.memory_space<vmem>>
          tpu.enqueue_dma source(%dma_start3A_219 : memref<8x128xf32, #tpu.memory_space<vmem>>) target(%dma_start3A_216 : memref<8x128xf32, #tpu.memory_space<hbm>>) target_semaphore(%run_scoped3A_206 : memref<!tpu.dma_semaphore, #tpu.memory_space<semaphore_mem>>)
          %dma_wait3A_220 = arith.constant 0 : i32
          %dma_wait3A_221 = arith.constant 0 : i32
          %dma_wait3A_222 = tpu.memref_slice %arg28[%dma_wait3A_220, %dma_wait3A_221] : memref<16x128xf32, #tpu.memory_space<vmem>> -> memref<8x128xf32, #tpu.memory_space<vmem>>
          %dma_wait3A_223 = arith.constant 0 : i32
          %dma_wait3A_224 = arith.constant 0 : i32
          %dma_wait3A_225 = tpu.memref_slice %arg7[%run_scoped3A, %add3A_127, %dma_wait3A_223, %dma_wait3A_224] : memref<2x3907x8x128xf32, #tpu.memory_space<hbm>> -> memref<1x1x8x128xf32, #tpu.memory_space<hbm>>
          %dma_wait3A_226 = tpu.memref_squeeze %dma_wait3A_225 : memref<1x1x8x128xf32, #tpu.memory_space<hbm>> -> memref<8x128xf32, #tpu.memory_space<hbm>>
          %dma_wait3A_227 = arith.constant 0 : i32
          %dma_wait3A_228 = arith.constant 0 : i32
          %dma_wait3A_229 = tpu.memref_slice %arg7[%run_scoped3A, %add3A_127, %dma_wait3A_227, %dma_wait3A_228] : memref<2x3907x8x128xf32, #tpu.memory_space<hbm>> -> memref<1x1x8x128xf32, #tpu.memory_space<hbm>>
          %dma_wait3A_230 = tpu.memref_squeeze %dma_wait3A_229 : memref<1x1x8x128xf32, #tpu.memory_space<hbm>> -> memref<8x128xf32, #tpu.memory_space<hbm>>
          %dma_wait3A_231 = arith.constant 0 : i32
          %dma_wait3A_232 = arith.constant 0 : i32
          %dma_wait3A_233 = tpu.memref_slice %arg28[%dma_wait3A_231, %dma_wait3A_232] : memref<16x128xf32, #tpu.memory_space<vmem>> -> memref<8x128xf32, #tpu.memory_space<vmem>>
          tpu.wait_dma2 semaphore(%run_scoped3A_206 : memref<!tpu.dma_semaphore, #tpu.memory_space<semaphore_mem>>) src(%dma_wait3A_233 : memref<8x128xf32, #tpu.memory_space<vmem>>) dst(%dma_wait3A_230 : memref<8x128xf32, #tpu.memory_space<hbm>>)
          tpu.yield
        }) : () -> ()
        %run_scoped3A_205 = arith.constant 1 : i32
        "tpu.region"() ({
          %run_scoped3A_206 = tpu.sem_alloc : memref<!tpu.dma_semaphore, #tpu.memory_space<semaphore_mem>>
          %dma_start3A = arith.constant 8 : i32
          %dma_start3A_207 = arith.constant 0 : i32
          %dma_start3A_208 = tpu.memref_slice %arg28[%dma_start3A, %dma_start3A_207] : memref<16x128xf32, #tpu.memory_space<vmem>> -> memref<8x128xf32, #tpu.memory_space<vmem>>
          %dma_start3A_209 = arith.constant 0 : i32
          %dma_start3A_210 = arith.constant 0 : i32
          %dma_start3A_211 = tpu.memref_slice %arg7[%run_scoped3A_205, %add3A_127, %dma_start3A_209, %dma_start3A_210] : memref<2x3907x8x128xf32, #tpu.memory_space<hbm>> -> memref<1x1x8x128xf32, #tpu.memory_space<hbm>>
          %dma_start3A_212 = tpu.memref_squeeze %dma_start3A_211 : memref<1x1x8x128xf32, #tpu.memory_space<hbm>> -> memref<8x128xf32, #tpu.memory_space<hbm>>
          %dma_start3A_213 = arith.constant 0 : i32
          %dma_start3A_214 = arith.constant 0 : i32
          %dma_start3A_215 = tpu.memref_slice %arg7[%run_scoped3A_205, %add3A_127, %dma_start3A_213, %dma_start3A_214] : memref<2x3907x8x128xf32, #tpu.memory_space<hbm>> -> memref<1x1x8x128xf32, #tpu.memory_space<hbm>>
          %dma_start3A_216 = tpu.memref_squeeze %dma_start3A_215 : memref<1x1x8x128xf32, #tpu.memory_space<hbm>> -> memref<8x128xf32, #tpu.memory_space<hbm>>
          %dma_start3A_217 = arith.constant 8 : i32
          %dma_start3A_218 = arith.constant 0 : i32
          %dma_start3A_219 = tpu.memref_slice %arg28[%dma_start3A_217, %dma_start3A_218] : memref<16x128xf32, #tpu.memory_space<vmem>> -> memref<8x128xf32, #tpu.memory_space<vmem>>
          tpu.enqueue_dma source(%dma_start3A_219 : memref<8x128xf32, #tpu.memory_space<vmem>>) target(%dma_start3A_216 : memref<8x128xf32, #tpu.memory_space<hbm>>) target_semaphore(%run_scoped3A_206 : memref<!tpu.dma_semaphore, #tpu.memory_space<semaphore_mem>>)
          %dma_wait3A_220 = arith.constant 8 : i32
          %dma_wait3A_221 = arith.constant 0 : i32
          %dma_wait3A_222 = tpu.memref_slice %arg28[%dma_wait3A_220, %dma_wait3A_221] : memref<16x128xf32, #tpu.memory_space<vmem>> -> memref<8x128xf32, #tpu.memory_space<vmem>>
          %dma_wait3A_223 = arith.constant 0 : i32
          %dma_wait3A_224 = arith.constant 0 : i32
          %dma_wait3A_225 = tpu.memref_slice %arg7[%run_scoped3A_205, %add3A_127, %dma_wait3A_223, %dma_wait3A_224] : memref<2x3907x8x128xf32, #tpu.memory_space<hbm>> -> memref<1x1x8x128xf32, #tpu.memory_space<hbm>>
          %dma_wait3A_226 = tpu.memref_squeeze %dma_wait3A_225 : memref<1x1x8x128xf32, #tpu.memory_space<hbm>> -> memref<8x128xf32, #tpu.memory_space<hbm>>
          %dma_wait3A_227 = arith.constant 0 : i32
          %dma_wait3A_228 = arith.constant 0 : i32
          %dma_wait3A_229 = tpu.memref_slice %arg7[%run_scoped3A_205, %add3A_127, %dma_wait3A_227, %dma_wait3A_228] : memref<2x3907x8x128xf32, #tpu.memory_space<hbm>> -> memref<1x1x8x128xf32, #tpu.memory_space<hbm>>
          %dma_wait3A_230 = tpu.memref_squeeze %dma_wait3A_229 : memref<1x1x8x128xf32, #tpu.memory_space<hbm>> -> memref<8x128xf32, #tpu.memory_space<hbm>>
          %dma_wait3A_231 = arith.constant 8 : i32
          %dma_wait3A_232 = arith.constant 0 : i32
          %dma_wait3A_233 = tpu.memref_slice %arg28[%dma_wait3A_231, %dma_wait3A_232] : memref<16x128xf32, #tpu.memory_space<vmem>> -> memref<8x128xf32, #tpu.memory_space<vmem>>
          tpu.wait_dma2 semaphore(%run_scoped3A_206 : memref<!tpu.dma_semaphore, #tpu.memory_space<semaphore_mem>>) src(%dma_wait3A_233 : memref<8x128xf32, #tpu.memory_space<vmem>>) dst(%dma_wait3A_230 : memref<8x128xf32, #tpu.memory_space<hbm>>)
          tpu.yield
        }) : () -> ()
      } else {
      }
      %add3A_133 = arith.constant 2 : i32
      %add3A_134 = arith.addi %mul3A_54, %add3A_133 : i32
      %add3A_135 = arith.constant 4 : i32
      %add3A_136 = arith.addi %add3A_134, %add3A_135 : i32
      %mul3A_137 = arith.constant 32 : i32
      %mul3A_138 = arith.muli %add3A_136, %mul3A_137 : i32
      %add3A_139 = arith.addi %add3A, %mul3A_138 : i32
      %lt3A_140 = arith.constant 3907 : i32
      %lt3A_141 = arith.cmpi slt, %add3A_139, %lt3A_140 : i32
      %convert_element_type3A_142 = arith.extui %lt3A_141 : i1 to i32
      %cond3A_143 = arith.constant 0 : i32
      %cond3A_144 = arith.cmpi ne, %convert_element_type3A_142, %cond3A_143 : i32
      scf.if %cond3A_144 {
        %mul3A_191 = arith.constant 128 : i32
        %mul3A_192 = arith.muli %add3A_139, %mul3A_191 : i32
        %dma_start3A = tpu.memref_slice %arg5[%mul3A_192] : memref<500096xi32, #tpu.memory_space<hbm>> -> memref<128xi32, #tpu.memory_space<hbm>>
        %dma_start3A_193 = tpu.memref_slice %arg5[%mul3A_192] : memref<500096xi32, #tpu.memory_space<hbm>> -> memref<128xi32, #tpu.memory_space<hbm>>
        tpu.enqueue_dma source(%dma_start3A_193 : memref<128xi32, #tpu.memory_space<hbm>>) target(%arg12 : memref<128xi32, #tpu.memory_space<vmem>>) target_semaphore(%arg29 : memref<!tpu.dma_semaphore, #tpu.memory_space<semaphore_mem>>)
        %dma_start3A_194 = tpu.memref_slice %arg6[%mul3A_192] : memref<500096xi32, #tpu.memory_space<hbm>> -> memref<128xi32, #tpu.memory_space<hbm>>
        %dma_start3A_195 = tpu.memref_slice %arg6[%mul3A_192] : memref<500096xi32, #tpu.memory_space<hbm>> -> memref<128xi32, #tpu.memory_space<hbm>>
        tpu.enqueue_dma source(%dma_start3A_195 : memref<128xi32, #tpu.memory_space<hbm>>) target(%arg13 : memref<128xi32, #tpu.memory_space<vmem>>) target_semaphore(%arg29 : memref<!tpu.dma_semaphore, #tpu.memory_space<semaphore_mem>>)
      } else {
      }
      %add3A_145 = arith.constant 2 : i32
      %add3A_146 = arith.addi %mul3A_54, %add3A_145 : i32
      %add3A_147 = arith.constant 3 : i32
      %add3A_148 = arith.addi %add3A_146, %add3A_147 : i32
      %mul3A_149 = arith.constant 32 : i32
      %mul3A_150 = arith.muli %add3A_148, %mul3A_149 : i32
      %add3A_151 = arith.addi %add3A, %mul3A_150 : i32
      %lt3A_152 = arith.constant 3907 : i32
      %lt3A_153 = arith.cmpi slt, %add3A_151, %lt3A_152 : i32
      %convert_element_type3A_154 = arith.extui %lt3A_153 : i1 to i32
      %cond3A_155 = arith.constant 0 : i32
      %cond3A_156 = arith.cmpi ne, %convert_element_type3A_154, %cond3A_155 : i32
      scf.if %cond3A_156 {
        %dma_wait3A = arith.constant 0 : i32
        %dma_wait3A_191 = tpu.memref_slice %arg5[%dma_wait3A] : memref<500096xi32, #tpu.memory_space<hbm>> -> memref<128xi32, #tpu.memory_space<hbm>>
        %dma_wait3A_192 = arith.constant 0 : i32
        %dma_wait3A_193 = tpu.memref_slice %arg5[%dma_wait3A_192] : memref<500096xi32, #tpu.memory_space<hbm>> -> memref<128xi32, #tpu.memory_space<hbm>>
        tpu.wait_dma2 semaphore(%arg29 : memref<!tpu.dma_semaphore, #tpu.memory_space<semaphore_mem>>) src(%dma_wait3A_193 : memref<128xi32, #tpu.memory_space<hbm>>) dst(%arg10 : memref<128xi32, #tpu.memory_space<vmem>>)
        %dma_wait3A_194 = arith.constant 0 : i32
        %dma_wait3A_195 = tpu.memref_slice %arg6[%dma_wait3A_194] : memref<500096xi32, #tpu.memory_space<hbm>> -> memref<128xi32, #tpu.memory_space<hbm>>
        %dma_wait3A_196 = arith.constant 0 : i32
        %dma_wait3A_197 = tpu.memref_slice %arg6[%dma_wait3A_196] : memref<500096xi32, #tpu.memory_space<hbm>> -> memref<128xi32, #tpu.memory_space<hbm>>
        tpu.wait_dma2 semaphore(%arg29 : memref<!tpu.dma_semaphore, #tpu.memory_space<semaphore_mem>>) src(%dma_wait3A_197 : memref<128xi32, #tpu.memory_space<hbm>>) dst(%arg11 : memref<128xi32, #tpu.memory_space<vmem>>)
        %dma_start3A = arith.constant 0 : i32
        %dma_start3A_198 = arith.constant 0 : i32
        %dma_start3A_199 = tpu.memref_slice %arg2[%dma_start3A, %dma_start3A_198] : memref<100000x16xf32, #tpu.memory_space<hbm>> -> memref<100000x16xf32, #tpu.memory_space<hbm>>
        tpu.enqueue_indirect_dma source(%dma_start3A_199 : memref<100000x16xf32, #tpu.memory_space<hbm>>) target(%arg17 : memref<128x16xf32, #tpu.memory_space<vmem>>) offsets(%arg10 : memref<128xi32, #tpu.memory_space<vmem>>) semaphore(%arg30 : memref<!tpu.dma_semaphore, #tpu.memory_space<semaphore_mem>>)
        %dma_start3A_200 = arith.constant 0 : i32
        %dma_start3A_201 = arith.constant 0 : i32
        %dma_start3A_202 = tpu.memref_slice %arg3[%dma_start3A_200, %dma_start3A_201] : memref<10000x16xf32, #tpu.memory_space<hbm>> -> memref<10000x16xf32, #tpu.memory_space<hbm>>
        tpu.enqueue_indirect_dma source(%dma_start3A_202 : memref<10000x16xf32, #tpu.memory_space<hbm>>) target(%arg21 : memref<128x16xf32, #tpu.memory_space<vmem>>) offsets(%arg11 : memref<128xi32, #tpu.memory_space<vmem>>) semaphore(%arg30 : memref<!tpu.dma_semaphore, #tpu.memory_space<semaphore_mem>>)
        %dma_start3A_203 = arith.constant 0 : i32
        %dma_start3A_204 = arith.constant 0 : i32
        %dma_start3A_205 = tpu.memref_slice %arg4[%dma_start3A_203, %dma_start3A_204] : memref<10000x16xf32, #tpu.memory_space<hbm>> -> memref<10000x16xf32, #tpu.memory_space<hbm>>
        tpu.enqueue_indirect_dma source(%dma_start3A_205 : memref<10000x16xf32, #tpu.memory_space<hbm>>) target(%arg25 : memref<128x16xf32, #tpu.memory_space<vmem>>) offsets(%arg11 : memref<128xi32, #tpu.memory_space<vmem>>) semaphore(%arg30 : memref<!tpu.dma_semaphore, #tpu.memory_space<semaphore_mem>>)
      } else {
      }
      %add3A_157 = arith.constant 3 : i32
      %add3A_158 = arith.addi %mul3A_54, %add3A_157 : i32
      %mul3A_159 = arith.constant 32 : i32
      %mul3A_160 = arith.muli %add3A_158, %mul3A_159 : i32
      %add3A_161 = arith.addi %add3A, %mul3A_160 : i32
      %lt3A_162 = arith.constant 3907 : i32
      %lt3A_163 = arith.cmpi slt, %add3A_161, %lt3A_162 : i32
      %convert_element_type3A_164 = arith.extui %lt3A_163 : i1 to i32
      %cond3A_165 = arith.constant 0 : i32
      %cond3A_166 = arith.cmpi ne, %convert_element_type3A_164, %cond3A_165 : i32
      scf.if %cond3A_166 {
        %dma_wait3A = arith.constant 0 : i32
        %dma_wait3A_191 = arith.constant 0 : i32
        %dma_wait3A_192 = tpu.memref_slice %arg2[%dma_wait3A, %dma_wait3A_191] : memref<100000x16xf32, #tpu.memory_space<hbm>> -> memref<100000x16xf32, #tpu.memory_space<hbm>>
        tpu.wait_indirect_dma semaphore(%arg30 : memref<!tpu.dma_semaphore, #tpu.memory_space<semaphore_mem>>) src(%dma_wait3A_192 : memref<100000x16xf32, #tpu.memory_space<hbm>>) dst(%arg19 : memref<128x16xf32, #tpu.memory_space<vmem>>)
        %dma_wait3A_193 = arith.constant 0 : i32
        %dma_wait3A_194 = arith.constant 0 : i32
        %dma_wait3A_195 = tpu.memref_slice %arg3[%dma_wait3A_193, %dma_wait3A_194] : memref<10000x16xf32, #tpu.memory_space<hbm>> -> memref<10000x16xf32, #tpu.memory_space<hbm>>
        tpu.wait_indirect_dma semaphore(%arg30 : memref<!tpu.dma_semaphore, #tpu.memory_space<semaphore_mem>>) src(%dma_wait3A_195 : memref<10000x16xf32, #tpu.memory_space<hbm>>) dst(%arg23 : memref<128x16xf32, #tpu.memory_space<vmem>>)
        %dma_wait3A_196 = arith.constant 0 : i32
        %dma_wait3A_197 = arith.constant 0 : i32
        %dma_wait3A_198 = tpu.memref_slice %arg4[%dma_wait3A_196, %dma_wait3A_197] : memref<10000x16xf32, #tpu.memory_space<hbm>> -> memref<10000x16xf32, #tpu.memory_space<hbm>>
        tpu.wait_indirect_dma semaphore(%arg30 : memref<!tpu.dma_semaphore, #tpu.memory_space<semaphore_mem>>) src(%dma_wait3A_198 : memref<10000x16xf32, #tpu.memory_space<hbm>>) dst(%arg27 : memref<128x16xf32, #tpu.memory_space<vmem>>)
        %scan3A_199 = arith.constant 0 : i32
        %scan3A_200 = arith.constant 0 : i32
        %scan3A_201 = arith.constant 8 : i32
        %scan3A_202 = arith.addi %scan3A_200, %scan3A_201 : i32
        %scan3A_203 = arith.constant 1 : i32
        scf.for %scan3A_206 = %scan3A_200 to %scan3A_202 step %scan3A_203  : i32 {
          %mul3A_207 = arith.constant 16 : i32
          %mul3A_208 = arith.muli %scan3A_206, %mul3A_207 : i32
          %iota3A = tpu.iota {dimensions = array<i32: 0>} : vector<16xi32>
          %add3A_209 = vector.broadcast %mul3A_208 : i32 to vector<16xi32>
          %add3A_210 = arith.addi %add3A_209, %iota3A : vector<16xi32>
          %broadcast_in_dim3A = arith.constant 0 : i32
          %broadcast_in_dim3A_211 = vector.broadcast %broadcast_in_dim3A : i32 to vector<16xi32>
          %gather3A = tpu.vector_load_idx %arg19[%add3A_210, %broadcast_in_dim3A_211] : memref<128x16xf32, #tpu.memory_space<vmem>>[vector<16xi32>, vector<16xi32>], vector<16xf32>,
          %gather3A_212 = tpu.vector_load_idx %arg23[%add3A_210, %broadcast_in_dim3A_211] : memref<128x16xf32, #tpu.memory_space<vmem>>[vector<16xi32>, vector<16xi32>], vector<16xf32>,
          %gather3A_213 = tpu.vector_load_idx %arg27[%add3A_210, %broadcast_in_dim3A_211] : memref<128x16xf32, #tpu.memory_space<vmem>>[vector<16xi32>, vector<16xi32>], vector<16xf32>,
          %mul3A_214 = arith.mulf %gather3A, %gather3A_212 : vector<16xf32>
          %add3A_215 = arith.addf %mul3A_214, %gather3A_213 : vector<16xf32>
          %mul3A_216 = arith.constant 16 : i32
          %mul3A_217 = arith.muli %scan3A_206, %mul3A_216 : i32
          %swap3A = arith.constant 0 : i32
          %swap3A_218 = arith.index_cast %swap3A : i32 to index
          %swap3A_219 = arith.index_cast %mul3A_217 : i32 to index
          %swap3A_220 = tpu.vector_load %arg28[%swap3A_218, %swap3A_219] {strides = array<i32>} : memref<16x128xf32, #tpu.memory_space<vmem>>, vector<16xf32>,
          tpu.vector_store %arg28[%swap3A_218, %swap3A_219], %add3A_215 {strides = array<i32>} : memref<16x128xf32, #tpu.memory_space<vmem>>, vector<16xf32>,
          %broadcast_in_dim3A_221 = arith.constant 1 : i32
          %broadcast_in_dim3A_222 = vector.broadcast %broadcast_in_dim3A_221 : i32 to vector<16xi32>
          %gather3A_223 = tpu.vector_load_idx %arg19[%add3A_210, %broadcast_in_dim3A_222] : memref<128x16xf32, #tpu.memory_space<vmem>>[vector<16xi32>, vector<16xi32>], vector<16xf32>,
          %gather3A_224 = tpu.vector_load_idx %arg23[%add3A_210, %broadcast_in_dim3A_222] : memref<128x16xf32, #tpu.memory_space<vmem>>[vector<16xi32>, vector<16xi32>], vector<16xf32>,
          %gather3A_225 = tpu.vector_load_idx %arg27[%add3A_210, %broadcast_in_dim3A_222] : memref<128x16xf32, #tpu.memory_space<vmem>>[vector<16xi32>, vector<16xi32>], vector<16xf32>,
          %mul3A_226 = arith.mulf %gather3A_223, %gather3A_224 : vector<16xf32>
          %add3A_227 = arith.addf %mul3A_226, %gather3A_225 : vector<16xf32>
          %mul3A_228 = arith.constant 16 : i32
          %mul3A_229 = arith.muli %scan3A_206, %mul3A_228 : i32
          %swap3A_230 = arith.constant 1 : i32
          %swap3A_231 = arith.index_cast %swap3A_230 : i32 to index
          %swap3A_232 = arith.index_cast %mul3A_229 : i32 to index
          %swap3A_233 = tpu.vector_load %arg28[%swap3A_231, %swap3A_232] {strides = array<i32>} : memref<16x128xf32, #tpu.memory_space<vmem>>, vector<16xf32>,
          tpu.vector_store %arg28[%swap3A_231, %swap3A_232], %add3A_227 {strides = array<i32>} : memref<16x128xf32, #tpu.memory_space<vmem>>, vector<16xf32>,
          %broadcast_in_dim3A_234 = arith.constant 2 : i32
          %broadcast_in_dim3A_235 = vector.broadcast %broadcast_in_dim3A_234 : i32 to vector<16xi32>
          %gather3A_236 = tpu.vector_load_idx %arg19[%add3A_210, %broadcast_in_dim3A_235] : memref<128x16xf32, #tpu.memory_space<vmem>>[vector<16xi32>, vector<16xi32>], vector<16xf32>,
          %gather3A_237 = tpu.vector_load_idx %arg23[%add3A_210, %broadcast_in_dim3A_235] : memref<128x16xf32, #tpu.memory_space<vmem>>[vector<16xi32>, vector<16xi32>], vector<16xf32>,
          %gather3A_238 = tpu.vector_load_idx %arg27[%add3A_210, %broadcast_in_dim3A_235] : memref<128x16xf32, #tpu.memory_space<vmem>>[vector<16xi32>, vector<16xi32>], vector<16xf32>,
          %mul3A_239 = arith.mulf %gather3A_236, %gather3A_237 : vector<16xf32>
          %add3A_240 = arith.addf %mul3A_239, %gather3A_238 : vector<16xf32>
          %mul3A_241 = arith.constant 16 : i32
          %mul3A_242 = arith.muli %scan3A_206, %mul3A_241 : i32
          %swap3A_243 = arith.constant 2 : i32
          %swap3A_244 = arith.index_cast %swap3A_243 : i32 to index
          %swap3A_245 = arith.index_cast %mul3A_242 : i32 to index
          %swap3A_246 = tpu.vector_load %arg28[%swap3A_244, %swap3A_245] {strides = array<i32>} : memref<16x128xf32, #tpu.memory_space<vmem>>, vector<16xf32>,
          tpu.vector_store %arg28[%swap3A_244, %swap3A_245], %add3A_240 {strides = array<i32>} : memref<16x128xf32, #tpu.memory_space<vmem>>, vector<16xf32>,
          %broadcast_in_dim3A_247 = arith.constant 3 : i32
          %broadcast_in_dim3A_248 = vector.broadcast %broadcast_in_dim3A_247 : i32 to vector<16xi32>
          %gather3A_249 = tpu.vector_load_idx %arg19[%add3A_210, %broadcast_in_dim3A_248] : memref<128x16xf32, #tpu.memory_space<vmem>>[vector<16xi32>, vector<16xi32>], vector<16xf32>,
          %gather3A_250 = tpu.vector_load_idx %arg23[%add3A_210, %broadcast_in_dim3A_248] : memref<128x16xf32, #tpu.memory_space<vmem>>[vector<16xi32>, vector<16xi32>], vector<16xf32>,
          %gather3A_251 = tpu.vector_load_idx %arg27[%add3A_210, %broadcast_in_dim3A_248] : memref<128x16xf32, #tpu.memory_space<vmem>>[vector<16xi32>, vector<16xi32>], vector<16xf32>,
          %mul3A_252 = arith.mulf %gather3A_249, %gather3A_250 : vector<16xf32>
          %add3A_253 = arith.addf %mul3A_252, %gather3A_251 : vector<16xf32>
          %mul3A_254 = arith.constant 16 : i32
          %mul3A_255 = arith.muli %scan3A_206, %mul3A_254 : i32
          %swap3A_256 = arith.constant 3 : i32
          %swap3A_257 = arith.index_cast %swap3A_256 : i32 to index
          %swap3A_258 = arith.index_cast %mul3A_255 : i32 to index
          %swap3A_259 = tpu.vector_load %arg28[%swap3A_257, %swap3A_258] {strides = array<i32>} : memref<16x128xf32, #tpu.memory_space<vmem>>, vector<16xf32>,
          tpu.vector_store %arg28[%swap3A_257, %swap3A_258], %add3A_253 {strides = array<i32>} : memref<16x128xf32, #tpu.memory_space<vmem>>, vector<16xf32>,
          %broadcast_in_dim3A_260 = arith.constant 4 : i32
          %broadcast_in_dim3A_261 = vector.broadcast %broadcast_in_dim3A_260 : i32 to vector<16xi32>
          %gather3A_262 = tpu.vector_load_idx %arg19[%add3A_210, %broadcast_in_dim3A_261] : memref<128x16xf32, #tpu.memory_space<vmem>>[vector<16xi32>, vector<16xi32>], vector<16xf32>,
          %gather3A_263 = tpu.vector_load_idx %arg23[%add3A_210, %broadcast_in_dim3A_261] : memref<128x16xf32, #tpu.memory_space<vmem>>[vector<16xi32>, vector<16xi32>], vector<16xf32>,
          %gather3A_264 = tpu.vector_load_idx %arg27[%add3A_210, %broadcast_in_dim3A_261] : memref<128x16xf32, #tpu.memory_space<vmem>>[vector<16xi32>, vector<16xi32>], vector<16xf32>,
          %mul3A_265 = arith.mulf %gather3A_262, %gather3A_263 : vector<16xf32>
          %add3A_266 = arith.addf %mul3A_265, %gather3A_264 : vector<16xf32>
          %mul3A_267 = arith.constant 16 : i32
          %mul3A_268 = arith.muli %scan3A_206, %mul3A_267 : i32
          %swap3A_269 = arith.constant 4 : i32
          %swap3A_270 = arith.index_cast %swap3A_269 : i32 to index
          %swap3A_271 = arith.index_cast %mul3A_268 : i32 to index
          %swap3A_272 = tpu.vector_load %arg28[%swap3A_270, %swap3A_271] {strides = array<i32>} : memref<16x128xf32, #tpu.memory_space<vmem>>, vector<16xf32>,
          tpu.vector_store %arg28[%swap3A_270, %swap3A_271], %add3A_266 {strides = array<i32>} : memref<16x128xf32, #tpu.memory_space<vmem>>, vector<16xf32>,
          %broadcast_in_dim3A_273 = arith.constant 5 : i32
          %broadcast_in_dim3A_274 = vector.broadcast %broadcast_in_dim3A_273 : i32 to vector<16xi32>
          %gather3A_275 = tpu.vector_load_idx %arg19[%add3A_210, %broadcast_in_dim3A_274] : memref<128x16xf32, #tpu.memory_space<vmem>>[vector<16xi32>, vector<16xi32>], vector<16xf32>,
          %gather3A_276 = tpu.vector_load_idx %arg23[%add3A_210, %broadcast_in_dim3A_274] : memref<128x16xf32, #tpu.memory_space<vmem>>[vector<16xi32>, vector<16xi32>], vector<16xf32>,
          %gather3A_277 = tpu.vector_load_idx %arg27[%add3A_210, %broadcast_in_dim3A_274] : memref<128x16xf32, #tpu.memory_space<vmem>>[vector<16xi32>, vector<16xi32>], vector<16xf32>,
          %mul3A_278 = arith.mulf %gather3A_275, %gather3A_276 : vector<16xf32>
          %add3A_279 = arith.addf %mul3A_278, %gather3A_277 : vector<16xf32>
          %mul3A_280 = arith.constant 16 : i32
          %mul3A_281 = arith.muli %scan3A_206, %mul3A_280 : i32
          %swap3A_282 = arith.constant 5 : i32
          %swap3A_283 = arith.index_cast %swap3A_282 : i32 to index
          %swap3A_284 = arith.index_cast %mul3A_281 : i32 to index
          %swap3A_285 = tpu.vector_load %arg28[%swap3A_283, %swap3A_284] {strides = array<i32>} : memref<16x128xf32, #tpu.memory_space<vmem>>, vector<16xf32>,
          tpu.vector_store %arg28[%swap3A_283, %swap3A_284], %add3A_279 {strides = array<i32>} : memref<16x128xf32, #tpu.memory_space<vmem>>, vector<16xf32>,
          %broadcast_in_dim3A_286 = arith.constant 6 : i32
          %broadcast_in_dim3A_287 = vector.broadcast %broadcast_in_dim3A_286 : i32 to vector<16xi32>
          %gather3A_288 = tpu.vector_load_idx %arg19[%add3A_210, %broadcast_in_dim3A_287] : memref<128x16xf32, #tpu.memory_space<vmem>>[vector<16xi32>, vector<16xi32>], vector<16xf32>,
          %gather3A_289 = tpu.vector_load_idx %arg23[%add3A_210, %broadcast_in_dim3A_287] : memref<128x16xf32, #tpu.memory_space<vmem>>[vector<16xi32>, vector<16xi32>], vector<16xf32>,
          %gather3A_290 = tpu.vector_load_idx %arg27[%add3A_210, %broadcast_in_dim3A_287] : memref<128x16xf32, #tpu.memory_space<vmem>>[vector<16xi32>, vector<16xi32>], vector<16xf32>,
          %mul3A_291 = arith.mulf %gather3A_288, %gather3A_289 : vector<16xf32>
          %add3A_292 = arith.addf %mul3A_291, %gather3A_290 : vector<16xf32>
          %mul3A_293 = arith.constant 16 : i32
          %mul3A_294 = arith.muli %scan3A_206, %mul3A_293 : i32
          %swap3A_295 = arith.constant 6 : i32
          %swap3A_296 = arith.index_cast %swap3A_295 : i32 to index
          %swap3A_297 = arith.index_cast %mul3A_294 : i32 to index
          %swap3A_298 = tpu.vector_load %arg28[%swap3A_296, %swap3A_297] {strides = array<i32>} : memref<16x128xf32, #tpu.memory_space<vmem>>, vector<16xf32>,
          tpu.vector_store %arg28[%swap3A_296, %swap3A_297], %add3A_292 {strides = array<i32>} : memref<16x128xf32, #tpu.memory_space<vmem>>, vector<16xf32>,
          %broadcast_in_dim3A_299 = arith.constant 7 : i32
          %broadcast_in_dim3A_300 = vector.broadcast %broadcast_in_dim3A_299 : i32 to vector<16xi32>
          %gather3A_301 = tpu.vector_load_idx %arg19[%add3A_210, %broadcast_in_dim3A_300] : memref<128x16xf32, #tpu.memory_space<vmem>>[vector<16xi32>, vector<16xi32>], vector<16xf32>,
          %gather3A_302 = tpu.vector_load_idx %arg23[%add3A_210, %broadcast_in_dim3A_300] : memref<128x16xf32, #tpu.memory_space<vmem>>[vector<16xi32>, vector<16xi32>], vector<16xf32>,
          %gather3A_303 = tpu.vector_load_idx %arg27[%add3A_210, %broadcast_in_dim3A_300] : memref<128x16xf32, #tpu.memory_space<vmem>>[vector<16xi32>, vector<16xi32>], vector<16xf32>,
          %mul3A_304 = arith.mulf %gather3A_301, %gather3A_302 : vector<16xf32>
          %add3A_305 = arith.addf %mul3A_304, %gather3A_303 : vector<16xf32>
          %mul3A_306 = arith.constant 16 : i32
          %mul3A_307 = arith.muli %scan3A_206, %mul3A_306 : i32
          %swap3A_308 = arith.constant 7 : i32
          %swap3A_309 = arith.index_cast %swap3A_308 : i32 to index
          %swap3A_310 = arith.index_cast %mul3A_307 : i32 to index
          %swap3A_311 = tpu.vector_load %arg28[%swap3A_309, %swap3A_310] {strides = array<i32>} : memref<16x128xf32, #tpu.memory_space<vmem>>, vector<16xf32>,
          tpu.vector_store %arg28[%swap3A_309, %swap3A_310], %add3A_305 {strides = array<i32>} : memref<16x128xf32, #tpu.memory_space<vmem>>, vector<16xf32>,
          %broadcast_in_dim3A_312 = arith.constant 8 : i32
          %broadcast_in_dim3A_313 = vector.broadcast %broadcast_in_dim3A_312 : i32 to vector<16xi32>
          %gather3A_314 = tpu.vector_load_idx %arg19[%add3A_210, %broadcast_in_dim3A_313] : memref<128x16xf32, #tpu.memory_space<vmem>>[vector<16xi32>, vector<16xi32>], vector<16xf32>,
          %gather3A_315 = tpu.vector_load_idx %arg23[%add3A_210, %broadcast_in_dim3A_313] : memref<128x16xf32, #tpu.memory_space<vmem>>[vector<16xi32>, vector<16xi32>], vector<16xf32>,
          %gather3A_316 = tpu.vector_load_idx %arg27[%add3A_210, %broadcast_in_dim3A_313] : memref<128x16xf32, #tpu.memory_space<vmem>>[vector<16xi32>, vector<16xi32>], vector<16xf32>,
          %mul3A_317 = arith.mulf %gather3A_314, %gather3A_315 : vector<16xf32>
          %add3A_318 = arith.addf %mul3A_317, %gather3A_316 : vector<16xf32>
          %mul3A_319 = arith.constant 16 : i32
          %mul3A_320 = arith.muli %scan3A_206, %mul3A_319 : i32
          %swap3A_321 = arith.constant 8 : i32
          %swap3A_322 = arith.index_cast %swap3A_321 : i32 to index
          %swap3A_323 = arith.index_cast %mul3A_320 : i32 to index
          %swap3A_324 = tpu.vector_load %arg28[%swap3A_322, %swap3A_323] {strides = array<i32>} : memref<16x128xf32, #tpu.memory_space<vmem>>, vector<16xf32>,
          tpu.vector_store %arg28[%swap3A_322, %swap3A_323], %add3A_318 {strides = array<i32>} : memref<16x128xf32, #tpu.memory_space<vmem>>, vector<16xf32>,
          %broadcast_in_dim3A_325 = arith.constant 9 : i32
          %broadcast_in_dim3A_326 = vector.broadcast %broadcast_in_dim3A_325 : i32 to vector<16xi32>
          %gather3A_327 = tpu.vector_load_idx %arg19[%add3A_210, %broadcast_in_dim3A_326] : memref<128x16xf32, #tpu.memory_space<vmem>>[vector<16xi32>, vector<16xi32>], vector<16xf32>,
          %gather3A_328 = tpu.vector_load_idx %arg23[%add3A_210, %broadcast_in_dim3A_326] : memref<128x16xf32, #tpu.memory_space<vmem>>[vector<16xi32>, vector<16xi32>], vector<16xf32>,
          %gather3A_329 = tpu.vector_load_idx %arg27[%add3A_210, %broadcast_in_dim3A_326] : memref<128x16xf32, #tpu.memory_space<vmem>>[vector<16xi32>, vector<16xi32>], vector<16xf32>,
          %mul3A_330 = arith.mulf %gather3A_327, %gather3A_328 : vector<16xf32>
          %add3A_331 = arith.addf %mul3A_330, %gather3A_329 : vector<16xf32>
          %mul3A_332 = arith.constant 16 : i32
          %mul3A_333 = arith.muli %scan3A_206, %mul3A_332 : i32
          %swap3A_334 = arith.constant 9 : i32
          %swap3A_335 = arith.index_cast %swap3A_334 : i32 to index
          %swap3A_336 = arith.index_cast %mul3A_333 : i32 to index
          %swap3A_337 = tpu.vector_load %arg28[%swap3A_335, %swap3A_336] {strides = array<i32>} : memref<16x128xf32, #tpu.memory_space<vmem>>, vector<16xf32>,
          tpu.vector_store %arg28[%swap3A_335, %swap3A_336], %add3A_331 {strides = array<i32>} : memref<16x128xf32, #tpu.memory_space<vmem>>, vector<16xf32>,
        }
        %scan3A_204 = arith.constant 8 : i32
        %run_scoped3A = arith.constant 0 : i32
        "tpu.region"() ({
          %run_scoped3A_206 = tpu.sem_alloc : memref<!tpu.dma_semaphore, #tpu.memory_space<semaphore_mem>>
          %dma_start3A = arith.constant 0 : i32
          %dma_start3A_207 = arith.constant 0 : i32
          %dma_start3A_208 = tpu.memref_slice %arg28[%dma_start3A, %dma_start3A_207] : memref<16x128xf32, #tpu.memory_space<vmem>> -> memref<8x128xf32, #tpu.memory_space<vmem>>
          %dma_start3A_209 = arith.constant 0 : i32
          %dma_start3A_210 = arith.constant 0 : i32
          %dma_start3A_211 = tpu.memref_slice %arg7[%run_scoped3A, %add3A_161, %dma_start3A_209, %dma_start3A_210] : memref<2x3907x8x128xf32, #tpu.memory_space<hbm>> -> memref<1x1x8x128xf32, #tpu.memory_space<hbm>>
          %dma_start3A_212 = tpu.memref_squeeze %dma_start3A_211 : memref<1x1x8x128xf32, #tpu.memory_space<hbm>> -> memref<8x128xf32, #tpu.memory_space<hbm>>
          %dma_start3A_213 = arith.constant 0 : i32
          %dma_start3A_214 = arith.constant 0 : i32
          %dma_start3A_215 = tpu.memref_slice %arg7[%run_scoped3A, %add3A_161, %dma_start3A_213, %dma_start3A_214] : memref<2x3907x8x128xf32, #tpu.memory_space<hbm>> -> memref<1x1x8x128xf32, #tpu.memory_space<hbm>>
          %dma_start3A_216 = tpu.memref_squeeze %dma_start3A_215 : memref<1x1x8x128xf32, #tpu.memory_space<hbm>> -> memref<8x128xf32, #tpu.memory_space<hbm>>
          %dma_start3A_217 = arith.constant 0 : i32
          %dma_start3A_218 = arith.constant 0 : i32
          %dma_start3A_219 = tpu.memref_slice %arg28[%dma_start3A_217, %dma_start3A_218] : memref<16x128xf32, #tpu.memory_space<vmem>> -> memref<8x128xf32, #tpu.memory_space<vmem>>
          tpu.enqueue_dma source(%dma_start3A_219 : memref<8x128xf32, #tpu.memory_space<vmem>>) target(%dma_start3A_216 : memref<8x128xf32, #tpu.memory_space<hbm>>) target_semaphore(%run_scoped3A_206 : memref<!tpu.dma_semaphore, #tpu.memory_space<semaphore_mem>>)
          %dma_wait3A_220 = arith.constant 0 : i32
          %dma_wait3A_221 = arith.constant 0 : i32
          %dma_wait3A_222 = tpu.memref_slice %arg28[%dma_wait3A_220, %dma_wait3A_221] : memref<16x128xf32, #tpu.memory_space<vmem>> -> memref<8x128xf32, #tpu.memory_space<vmem>>
          %dma_wait3A_223 = arith.constant 0 : i32
          %dma_wait3A_224 = arith.constant 0 : i32
          %dma_wait3A_225 = tpu.memref_slice %arg7[%run_scoped3A, %add3A_161, %dma_wait3A_223, %dma_wait3A_224] : memref<2x3907x8x128xf32, #tpu.memory_space<hbm>> -> memref<1x1x8x128xf32, #tpu.memory_space<hbm>>
          %dma_wait3A_226 = tpu.memref_squeeze %dma_wait3A_225 : memref<1x1x8x128xf32, #tpu.memory_space<hbm>> -> memref<8x128xf32, #tpu.memory_space<hbm>>
          %dma_wait3A_227 = arith.constant 0 : i32
          %dma_wait3A_228 = arith.constant 0 : i32
          %dma_wait3A_229 = tpu.memref_slice %arg7[%run_scoped3A, %add3A_161, %dma_wait3A_227, %dma_wait3A_228] : memref<2x3907x8x128xf32, #tpu.memory_space<hbm>> -> memref<1x1x8x128xf32, #tpu.memory_space<hbm>>
          %dma_wait3A_230 = tpu.memref_squeeze %dma_wait3A_229 : memref<1x1x8x128xf32, #tpu.memory_space<hbm>> -> memref<8x128xf32, #tpu.memory_space<hbm>>
          %dma_wait3A_231 = arith.constant 0 : i32
          %dma_wait3A_232 = arith.constant 0 : i32
          %dma_wait3A_233 = tpu.memref_slice %arg28[%dma_wait3A_231, %dma_wait3A_232] : memref<16x128xf32, #tpu.memory_space<vmem>> -> memref<8x128xf32, #tpu.memory_space<vmem>>
          tpu.wait_dma2 semaphore(%run_scoped3A_206 : memref<!tpu.dma_semaphore, #tpu.memory_space<semaphore_mem>>) src(%dma_wait3A_233 : memref<8x128xf32, #tpu.memory_space<vmem>>) dst(%dma_wait3A_230 : memref<8x128xf32, #tpu.memory_space<hbm>>)
          tpu.yield
        }) : () -> ()
        %run_scoped3A_205 = arith.constant 1 : i32
        "tpu.region"() ({
          %run_scoped3A_206 = tpu.sem_alloc : memref<!tpu.dma_semaphore, #tpu.memory_space<semaphore_mem>>
          %dma_start3A = arith.constant 8 : i32
          %dma_start3A_207 = arith.constant 0 : i32
          %dma_start3A_208 = tpu.memref_slice %arg28[%dma_start3A, %dma_start3A_207] : memref<16x128xf32, #tpu.memory_space<vmem>> -> memref<8x128xf32, #tpu.memory_space<vmem>>
          %dma_start3A_209 = arith.constant 0 : i32
          %dma_start3A_210 = arith.constant 0 : i32
          %dma_start3A_211 = tpu.memref_slice %arg7[%run_scoped3A_205, %add3A_161, %dma_start3A_209, %dma_start3A_210] : memref<2x3907x8x128xf32, #tpu.memory_space<hbm>> -> memref<1x1x8x128xf32, #tpu.memory_space<hbm>>
          %dma_start3A_212 = tpu.memref_squeeze %dma_start3A_211 : memref<1x1x8x128xf32, #tpu.memory_space<hbm>> -> memref<8x128xf32, #tpu.memory_space<hbm>>
          %dma_start3A_213 = arith.constant 0 : i32
          %dma_start3A_214 = arith.constant 0 : i32
          %dma_start3A_215 = tpu.memref_slice %arg7[%run_scoped3A_205, %add3A_161, %dma_start3A_213, %dma_start3A_214] : memref<2x3907x8x128xf32, #tpu.memory_space<hbm>> -> memref<1x1x8x128xf32, #tpu.memory_space<hbm>>
          %dma_start3A_216 = tpu.memref_squeeze %dma_start3A_215 : memref<1x1x8x128xf32, #tpu.memory_space<hbm>> -> memref<8x128xf32, #tpu.memory_space<hbm>>
          %dma_start3A_217 = arith.constant 8 : i32
          %dma_start3A_218 = arith.constant 0 : i32
          %dma_start3A_219 = tpu.memref_slice %arg28[%dma_start3A_217, %dma_start3A_218] : memref<16x128xf32, #tpu.memory_space<vmem>> -> memref<8x128xf32, #tpu.memory_space<vmem>>
          tpu.enqueue_dma source(%dma_start3A_219 : memref<8x128xf32, #tpu.memory_space<vmem>>) target(%dma_start3A_216 : memref<8x128xf32, #tpu.memory_space<hbm>>) target_semaphore(%run_scoped3A_206 : memref<!tpu.dma_semaphore, #tpu.memory_space<semaphore_mem>>)
          %dma_wait3A_220 = arith.constant 8 : i32
          %dma_wait3A_221 = arith.constant 0 : i32
          %dma_wait3A_222 = tpu.memref_slice %arg28[%dma_wait3A_220, %dma_wait3A_221] : memref<16x128xf32, #tpu.memory_space<vmem>> -> memref<8x128xf32, #tpu.memory_space<vmem>>
          %dma_wait3A_223 = arith.constant 0 : i32
          %dma_wait3A_224 = arith.constant 0 : i32
          %dma_wait3A_225 = tpu.memref_slice %arg7[%run_scoped3A_205, %add3A_161, %dma_wait3A_223, %dma_wait3A_224] : memref<2x3907x8x128xf32, #tpu.memory_space<hbm>> -> memref<1x1x8x128xf32, #tpu.memory_space<hbm>>
          %dma_wait3A_226 = tpu.memref_squeeze %dma_wait3A_225 : memref<1x1x8x128xf32, #tpu.memory_space<hbm>> -> memref<8x128xf32, #tpu.memory_space<hbm>>
          %dma_wait3A_227 = arith.constant 0 : i32
          %dma_wait3A_228 = arith.constant 0 : i32
          %dma_wait3A_229 = tpu.memref_slice %arg7[%run_scoped3A_205, %add3A_161, %dma_wait3A_227, %dma_wait3A_228] : memref<2x3907x8x128xf32, #tpu.memory_space<hbm>> -> memref<1x1x8x128xf32, #tpu.memory_space<hbm>>
          %dma_wait3A_230 = tpu.memref_squeeze %dma_wait3A_229 : memref<1x1x8x128xf32, #tpu.memory_space<hbm>> -> memref<8x128xf32, #tpu.memory_space<hbm>>
          %dma_wait3A_231 = arith.constant 8 : i32
          %dma_wait3A_232 = arith.constant 0 : i32
          %dma_wait3A_233 = tpu.memref_slice %arg28[%dma_wait3A_231, %dma_wait3A_232] : memref<16x128xf32, #tpu.memory_space<vmem>> -> memref<8x128xf32, #tpu.memory_space<vmem>>
          tpu.wait_dma2 semaphore(%run_scoped3A_206 : memref<!tpu.dma_semaphore, #tpu.memory_space<semaphore_mem>>) src(%dma_wait3A_233 : memref<8x128xf32, #tpu.memory_space<vmem>>) dst(%dma_wait3A_230 : memref<8x128xf32, #tpu.memory_space<hbm>>)
          tpu.yield
        }) : () -> ()
      } else {
      }
      %add3A_167 = arith.constant 3 : i32
      %add3A_168 = arith.addi %mul3A_54, %add3A_167 : i32
      %add3A_169 = arith.constant 4 : i32
      %add3A_170 = arith.addi %add3A_168, %add3A_169 : i32
      %mul3A_171 = arith.constant 32 : i32
      %mul3A_172 = arith.muli %add3A_170, %mul3A_171 : i32
      %add3A_173 = arith.addi %add3A, %mul3A_172 : i32
      %lt3A_174 = arith.constant 3907 : i32
      %lt3A_175 = arith.cmpi slt, %add3A_173, %lt3A_174 : i32
      %convert_element_type3A_176 = arith.extui %lt3A_175 : i1 to i32
      %cond3A_177 = arith.constant 0 : i32
      %cond3A_178 = arith.cmpi ne, %convert_element_type3A_176, %cond3A_177 : i32
      scf.if %cond3A_178 {
        %mul3A_191 = arith.constant 128 : i32
        %mul3A_192 = arith.muli %add3A_173, %mul3A_191 : i32
        %dma_start3A = tpu.memref_slice %arg5[%mul3A_192] : memref<500096xi32, #tpu.memory_space<hbm>> -> memref<128xi32, #tpu.memory_space<hbm>>
        %dma_start3A_193 = tpu.memref_slice %arg5[%mul3A_192] : memref<500096xi32, #tpu.memory_space<hbm>> -> memref<128xi32, #tpu.memory_space<hbm>>
        tpu.enqueue_dma source(%dma_start3A_193 : memref<128xi32, #tpu.memory_space<hbm>>) target(%arg14 : memref<128xi32, #tpu.memory_space<vmem>>) target_semaphore(%arg29 : memref<!tpu.dma_semaphore, #tpu.memory_space<semaphore_mem>>)
        %dma_start3A_194 = tpu.memref_slice %arg6[%mul3A_192] : memref<500096xi32, #tpu.memory_space<hbm>> -> memref<128xi32, #tpu.memory_space<hbm>>
        %dma_start3A_195 = tpu.memref_slice %arg6[%mul3A_192] : memref<500096xi32, #tpu.memory_space<hbm>> -> memref<128xi32, #tpu.memory_space<hbm>>
        tpu.enqueue_dma source(%dma_start3A_195 : memref<128xi32, #tpu.memory_space<hbm>>) target(%arg15 : memref<128xi32, #tpu.memory_space<vmem>>) target_semaphore(%arg29 : memref<!tpu.dma_semaphore, #tpu.memory_space<semaphore_mem>>)
      } else {
      }
      %add3A_179 = arith.constant 3 : i32
      %add3A_180 = arith.addi %mul3A_54, %add3A_179 : i32
      %add3A_181 = arith.constant 3 : i32
      %add3A_182 = arith.addi %add3A_180, %add3A_181 : i32
      %mul3A_183 = arith.constant 32 : i32
      %mul3A_184 = arith.muli %add3A_182, %mul3A_183 : i32
      %add3A_185 = arith.addi %add3A, %mul3A_184 : i32
      %lt3A_186 = arith.constant 3907 : i32
      %lt3A_187 = arith.cmpi slt, %add3A_185, %lt3A_186 : i32
      %convert_element_type3A_188 = arith.extui %lt3A_187 : i1 to i32
      %cond3A_189 = arith.constant 0 : i32
      %cond3A_190 = arith.cmpi ne, %convert_element_type3A_188, %cond3A_189 : i32
      scf.if %cond3A_190 {
        %dma_wait3A = arith.constant 0 : i32
        %dma_wait3A_191 = tpu.memref_slice %arg5[%dma_wait3A] : memref<500096xi32, #tpu.memory_space<hbm>> -> memref<128xi32, #tpu.memory_space<hbm>>
        %dma_wait3A_192 = arith.constant 0 : i32
        %dma_wait3A_193 = tpu.memref_slice %arg5[%dma_wait3A_192] : memref<500096xi32, #tpu.memory_space<hbm>> -> memref<128xi32, #tpu.memory_space<hbm>>
        tpu.wait_dma2 semaphore(%arg29 : memref<!tpu.dma_semaphore, #tpu.memory_space<semaphore_mem>>) src(%dma_wait3A_193 : memref<128xi32, #tpu.memory_space<hbm>>) dst(%arg12 : memref<128xi32, #tpu.memory_space<vmem>>)
        %dma_wait3A_194 = arith.constant 0 : i32
        %dma_wait3A_195 = tpu.memref_slice %arg6[%dma_wait3A_194] : memref<500096xi32, #tpu.memory_space<hbm>> -> memref<128xi32, #tpu.memory_space<hbm>>
        %dma_wait3A_196 = arith.constant 0 : i32
        %dma_wait3A_197 = tpu.memref_slice %arg6[%dma_wait3A_196] : memref<500096xi32, #tpu.memory_space<hbm>> -> memref<128xi32, #tpu.memory_space<hbm>>
        tpu.wait_dma2 semaphore(%arg29 : memref<!tpu.dma_semaphore, #tpu.memory_space<semaphore_mem>>) src(%dma_wait3A_197 : memref<128xi32, #tpu.memory_space<hbm>>) dst(%arg13 : memref<128xi32, #tpu.memory_space<vmem>>)
        %dma_start3A = arith.constant 0 : i32
        %dma_start3A_198 = arith.constant 0 : i32
        %dma_start3A_199 = tpu.memref_slice %arg2[%dma_start3A, %dma_start3A_198] : memref<100000x16xf32, #tpu.memory_space<hbm>> -> memref<100000x16xf32, #tpu.memory_space<hbm>>
        tpu.enqueue_indirect_dma source(%dma_start3A_199 : memref<100000x16xf32, #tpu.memory_space<hbm>>) target(%arg18 : memref<128x16xf32, #tpu.memory_space<vmem>>) offsets(%arg12 : memref<128xi32, #tpu.memory_space<vmem>>) semaphore(%arg30 : memref<!tpu.dma_semaphore, #tpu.memory_space<semaphore_mem>>)
        %dma_start3A_200 = arith.constant 0 : i32
        %dma_start3A_201 = arith.constant 0 : i32
        %dma_start3A_202 = tpu.memref_slice %arg3[%dma_start3A_200, %dma_start3A_201] : memref<10000x16xf32, #tpu.memory_space<hbm>> -> memref<10000x16xf32, #tpu.memory_space<hbm>>
        tpu.enqueue_indirect_dma source(%dma_start3A_202 : memref<10000x16xf32, #tpu.memory_space<hbm>>) target(%arg22 : memref<128x16xf32, #tpu.memory_space<vmem>>) offsets(%arg13 : memref<128xi32, #tpu.memory_space<vmem>>) semaphore(%arg30 : memref<!tpu.dma_semaphore, #tpu.memory_space<semaphore_mem>>)
        %dma_start3A_203 = arith.constant 0 : i32
        %dma_start3A_204 = arith.constant 0 : i32
        %dma_start3A_205 = tpu.memref_slice %arg4[%dma_start3A_203, %dma_start3A_204] : memref<10000x16xf32, #tpu.memory_space<hbm>> -> memref<10000x16xf32, #tpu.memory_space<hbm>>
        tpu.enqueue_indirect_dma source(%dma_start3A_205 : memref<10000x16xf32, #tpu.memory_space<hbm>>) target(%arg26 : memref<128x16xf32, #tpu.memory_space<vmem>>) offsets(%arg13 : memref<128xi32, #tpu.memory_space<vmem>>) semaphore(%arg30 : memref<!tpu.dma_semaphore, #tpu.memory_space<semaphore_mem>>)
      } else {
      }
    }
    %scan3A_51 = arith.constant 31 : i32
    return
  }
}

module attributes {stable_mosaic.version = 14 : i64} {
  func.func @_enc_body(%arg0: i32, %arg1: memref<2048x128xf32, #tpu.memory_space<vmem>>, %arg2: memref<128x256xf32, #tpu.memory_space<vmem>>, %arg3: memref<1x256xf32, #tpu.memory_space<vmem>>, %arg4: memref<256x32xf32, #tpu.memory_space<vmem>>, %arg5: memref<32x1xf32, #tpu.memory_space<vmem>>, %arg6: memref<16x2048xf32, #tpu.memory_space<vmem>>, %arg7: memref<10000x16xf32, #tpu.memory_space<vmem>>, %arg8: memref<2048x16xf32, #tpu.memory_space<vmem>>, %arg9: memref<10x2048xf32, #tpu.memory_space<vmem>>, %arg10: memref<10x2048xf32, #tpu.memory_space<vmem>>, %arg11: memref<10x2048xf32, #tpu.memory_space<vmem>>, %arg12: memref<10000x16xf32, #tpu.memory_space<vmem>>) attributes {dimension_semantics = [#tpu.dimension_semantics<arbitrary>], iteration_bounds = array<i64: 49>, scalar_prefetch = 0 : i64, scratch_operands = 0 : i64, tpu.core_type = #tpu.core_type<tc>, window_params = [{transform_indices = @transform_0, window_bounds = array<i64: 2048, 128>}, {pipeline_mode = #tpu.pipeline_mode<synchronous>, transform_indices = @transform_1, window_bounds = array<i64: 128, 256>}, {pipeline_mode = #tpu.pipeline_mode<synchronous>, transform_indices = @transform_2, window_bounds = array<i64: 1, 256>}, {pipeline_mode = #tpu.pipeline_mode<synchronous>, transform_indices = @transform_3, window_bounds = array<i64: 256, 32>}, {pipeline_mode = #tpu.pipeline_mode<synchronous>, transform_indices = @transform_4, window_bounds = array<i64: 32, 1>}, {transform_indices = @transform_5, window_bounds = array<i64: 16, 2048>}, {pipeline_mode = #tpu.pipeline_mode<synchronous>, transform_indices = @transform_6, window_bounds = array<i64: 10000, 16>}, {transform_indices = @transform_7, window_bounds = array<i64: 2048, 16>}, {transform_indices = @transform_8, window_bounds = array<i64: 10, 2048>}, {transform_indices = @transform_9, window_bounds = array<i64: 10, 2048>}, {transform_indices = @transform_10, window_bounds = array<i64: 10, 2048>}, {pipeline_mode = #tpu.pipeline_mode<synchronous>, transform_indices = @transform_11, window_bounds = array<i64: 10000, 16>}]} {
    %add3A = arith.constant 1.000000e+00 : f32
    %add3A_0 = arith.constant 1.000000e-03 : f32
    %add3A_1 = arith.addf %add3A, %add3A_0 : f32
    %sqrt3A = math.sqrt %add3A_1 : f32
    %div3A = arith.constant 1.000000e+00 : f32
    %div3A_2 = arith.divf %div3A, %sqrt3A : f32
    %get3A = arith.constant 0 : index
    %get3A_3 = arith.constant 0 : index
    %get3A_4 = vector.load %arg1[%get3A, %get3A_3] : memref<2048x128xf32, #tpu.memory_space<vmem>>, vector<2048x128xf32>
    %get3A_5 = arith.constant 0 : index
    %get3A_6 = arith.constant 0 : index
    %get3A_7 = vector.load %arg2[%get3A_5, %get3A_6] : memref<128x256xf32, #tpu.memory_space<vmem>>, vector<128x256xf32>
    %dot_general3A = arith.constant dense<0.000000e+00> : vector<2048x256xf32>
    %dot_general3A_8 = tpu.matmul %get3A_4, %get3A_7, %dot_general3A {dimension_numbers = #tpu.dot_dimension_numbers<[1], [0], [0], [1], [0, 0, 1, 1], [], []>, transpose_lhs_hint = false} : vector<2048x128xf32>, vector<128x256xf32>, vector<2048x256xf32> -> vector<2048x256xf32>
    %mul3A = vector.broadcast %div3A_2 : f32 to vector<2048x256xf32>
    %mul3A_9 = arith.mulf %dot_general3A_8, %mul3A : vector<2048x256xf32>
    %get3A_10 = arith.constant 0 : index
    %get3A_11 = arith.constant 0 : index
    %get3A_12 = vector.load %arg3[%get3A_10, %get3A_11] : memref<1x256xf32, #tpu.memory_space<vmem>>, vector<1x256xf32>
    %add3A_13 = vector.broadcast %get3A_12 : vector<1x256xf32> to vector<2048x256xf32>
    %add3A_14 = arith.addf %mul3A_9, %add3A_13 : vector<2048x256xf32>
    %max3A = arith.constant 0.000000e+00 : f32
    %max3A_15 = vector.broadcast %max3A : f32 to vector<2048x256xf32>
    %max3A_16 = arith.maximumf %add3A_14, %max3A_15 : vector<2048x256xf32>
    %get3A_17 = arith.constant 0 : index
    %get3A_18 = arith.constant 0 : index
    %get3A_19 = vector.load %arg4[%get3A_17, %get3A_18] : memref<256x32xf32, #tpu.memory_space<vmem>>, vector<256x32xf32>
    %dot_general3A_20 = arith.constant dense<0.000000e+00> : vector<32x2048xf32>
    %dot_general3A_21 = tpu.matmul %get3A_19, %max3A_16, %dot_general3A_20 {dimension_numbers = #tpu.dot_dimension_numbers<[0], [1], [1], [0], [0, 1, 1, 0], [], []>, transpose_lhs_hint = false} : vector<256x32xf32>, vector<2048x256xf32>, vector<32x2048xf32> -> vector<32x2048xf32>
    %get3A_22 = arith.constant 0 : index
    %get3A_23 = arith.constant 0 : index
    %get3A_24 = vector.load %arg5[%get3A_22, %get3A_23] : memref<32x1xf32, #tpu.memory_space<vmem>>, vector<32x1xf32>
    %add3A_25 = vector.broadcast %get3A_24 : vector<32x1xf32> to vector<32x2048xf32>
    %add3A_26 = arith.addf %dot_general3A_21, %add3A_25 : vector<32x2048xf32>
    %slice3A = vector.extract_strided_slice %add3A_26 {offsets = [0, 0], sizes = [16, 2048], strides = [1, 1]} : vector<32x2048xf32> to vector<16x2048xf32>
    %slice3A_27 = vector.extract_strided_slice %add3A_26 {offsets = [16, 0], sizes = [16, 2048], strides = [1, 1]} : vector<32x2048xf32> to vector<16x2048xf32>
    %get3A_28 = arith.constant 0 : index
    %get3A_29 = arith.constant 0 : index
    %get3A_30 = vector.load %arg6[%get3A_28, %get3A_29] : memref<16x2048xf32, #tpu.memory_space<vmem>>, vector<16x2048xf32>
    %exp3A = math.exp %slice3A_27 : vector<16x2048xf32>
    %mul3A_31 = arith.mulf %get3A_30, %exp3A : vector<16x2048xf32>
    %add3A_32 = arith.addf %slice3A, %mul3A_31 : vector<16x2048xf32>
    %transpose3A = tpu.transpose %add3A_32, [1, 0] : vector<16x2048xf32> -> vector<2048x16xf32>
    %swap3A = arith.constant 0 : index
    %swap3A_33 = arith.constant 0 : index
    %swap3A_34 = vector.load %arg8[%swap3A, %swap3A_33] : memref<2048x16xf32, #tpu.memory_space<vmem>>, vector<2048x16xf32>
    tpu.vector_store %arg8[%swap3A, %swap3A_33], %transpose3A {strides = array<i32>} : memref<2048x16xf32, #tpu.memory_space<vmem>>, vector<2048x16xf32>,
    %slice3A_35 = vector.extract_strided_slice %add3A_32 {offsets = [0, 0], sizes = [10, 2048], strides = [1, 1]} : vector<16x2048xf32> to vector<10x2048xf32>
    %swap3A_36 = arith.constant 0 : index
    %swap3A_37 = arith.constant 0 : index
    %swap3A_38 = vector.load %arg9[%swap3A_36, %swap3A_37] : memref<10x2048xf32, #tpu.memory_space<vmem>>, vector<10x2048xf32>
    tpu.vector_store %arg9[%swap3A_36, %swap3A_37], %slice3A_35 {strides = array<i32>} : memref<10x2048xf32, #tpu.memory_space<vmem>>, vector<10x2048xf32>,
    %slice3A_39 = vector.extract_strided_slice %slice3A {offsets = [0, 0], sizes = [10, 2048], strides = [1, 1]} : vector<16x2048xf32> to vector<10x2048xf32>
    %swap3A_40 = arith.constant 0 : index
    %swap3A_41 = arith.constant 0 : index
    %swap3A_42 = vector.load %arg10[%swap3A_40, %swap3A_41] : memref<10x2048xf32, #tpu.memory_space<vmem>>, vector<10x2048xf32>
    tpu.vector_store %arg10[%swap3A_40, %swap3A_41], %slice3A_39 {strides = array<i32>} : memref<10x2048xf32, #tpu.memory_space<vmem>>, vector<10x2048xf32>,
    %slice3A_43 = vector.extract_strided_slice %slice3A_27 {offsets = [0, 0], sizes = [10, 2048], strides = [1, 1]} : vector<16x2048xf32> to vector<10x2048xf32>
    %swap3A_44 = arith.constant 0 : index
    %swap3A_45 = arith.constant 0 : index
    %swap3A_46 = vector.load %arg11[%swap3A_44, %swap3A_45] : memref<10x2048xf32, #tpu.memory_space<vmem>>, vector<10x2048xf32>
    tpu.vector_store %arg11[%swap3A_44, %swap3A_45], %slice3A_43 {strides = array<i32>} : memref<10x2048xf32, #tpu.memory_space<vmem>>, vector<10x2048xf32>,
    %eq3A = arith.constant 0 : i32
    %eq3A_47 = arith.cmpi eq, %arg0, %eq3A : i32
    %convert_element_type3A = arith.extui %eq3A_47 : i1 to i32
    %cond3A = arith.constant 0 : i32
    %cond3A_48 = arith.cmpi ne, %convert_element_type3A, %cond3A : i32
    scf.if %cond3A_48 {
      %get3A_49 = arith.constant 0 : index
      %get3A_50 = arith.constant 0 : index
      %get3A_51 = vector.load %arg7[%get3A_49, %get3A_50] : memref<10000x16xf32, #tpu.memory_space<vmem>>, vector<10000x16xf32>
      %max3A_52 = arith.constant 0.000000e+00 : f32
      %max3A_53 = vector.broadcast %max3A_52 : f32 to vector<10000x16xf32>
      %max3A_54 = arith.maximumf %get3A_51, %max3A_53 : vector<10000x16xf32>
      %abs3A = math.absf %get3A_51 : vector<10000x16xf32>
      %neg3A = arith.constant 0.000000e+00 : f32
      %neg3A_55 = vector.broadcast %neg3A : f32 to vector<10000x16xf32>
      %neg3A_56 = arith.subf %neg3A_55, %abs3A : vector<10000x16xf32>
      %exp3A_57 = math.exp %neg3A_56 : vector<10000x16xf32>
      %log1p3A = math.log1p %exp3A_57 : vector<10000x16xf32>
      %add3A_58 = arith.addf %max3A_54, %log1p3A : vector<10000x16xf32>
      %swap3A_59 = arith.constant 0 : index
      %swap3A_60 = arith.constant 0 : index
      %swap3A_61 = vector.load %arg12[%swap3A_59, %swap3A_60] : memref<10000x16xf32, #tpu.memory_space<vmem>>, vector<10000x16xf32>
      tpu.vector_store %arg12[%swap3A_59, %swap3A_60], %add3A_58 {strides = array<i32>} : memref<10000x16xf32, #tpu.memory_space<vmem>>, vector<10000x16xf32>,
    } else {
    }
    return
  }
  func.func @transform_0(%arg0: i32) -> (i32, i32) {
    %c0_i32 = arith.constant 0 : i32
    %c0_i32_0 = arith.constant 0 : i32
    return %arg0, %c0_i32 : i32, i32
  }
  func.func @transform_1(%arg0: i32) -> (i32, i32) {
    %c0_i32 = arith.constant 0 : i32
    %c0_i32_0 = arith.constant 0 : i32
    %c0_i32_1 = arith.constant 0 : i32
    return %c0_i32, %c0_i32_0 : i32, i32
  }
  func.func @transform_2(%arg0: i32) -> (i32, i32) {
    %c0_i32 = arith.constant 0 : i32
    %c0_i32_0 = arith.constant 0 : i32
    %c0_i32_1 = arith.constant 0 : i32
    return %c0_i32, %c0_i32_0 : i32, i32
  }
  func.func @transform_3(%arg0: i32) -> (i32, i32) {
    %c0_i32 = arith.constant 0 : i32
    %c0_i32_0 = arith.constant 0 : i32
    %c0_i32_1 = arith.constant 0 : i32
    return %c0_i32, %c0_i32_0 : i32, i32
  }
  func.func @transform_4(%arg0: i32) -> (i32, i32) {
    %c0_i32 = arith.constant 0 : i32
    %c0_i32_0 = arith.constant 0 : i32
    %c0_i32_1 = arith.constant 0 : i32
    return %c0_i32, %c0_i32_0 : i32, i32
  }
  func.func @transform_5(%arg0: i32) -> (i32, i32) {
    %c0_i32 = arith.constant 0 : i32
    %c0_i32_0 = arith.constant 0 : i32
    return %c0_i32, %arg0 : i32, i32
  }
  func.func @transform_6(%arg0: i32) -> (i32, i32) {
    %c0_i32 = arith.constant 0 : i32
    %c0_i32_0 = arith.constant 0 : i32
    %c0_i32_1 = arith.constant 0 : i32
    return %c0_i32, %c0_i32_0 : i32, i32
  }
  func.func @transform_7(%arg0: i32) -> (i32, i32) {
    %c0_i32 = arith.constant 0 : i32
    %c0_i32_0 = arith.constant 0 : i32
    return %arg0, %c0_i32 : i32, i32
  }
  func.func @transform_8(%arg0: i32) -> (i32, i32) {
    %c0_i32 = arith.constant 0 : i32
    %c0_i32_0 = arith.constant 0 : i32
    return %c0_i32, %arg0 : i32, i32
  }
  func.func @transform_9(%arg0: i32) -> (i32, i32) {
    %c0_i32 = arith.constant 0 : i32
    %c0_i32_0 = arith.constant 0 : i32
    return %c0_i32, %arg0 : i32, i32
  }
  func.func @transform_10(%arg0: i32) -> (i32, i32) {
    %c0_i32 = arith.constant 0 : i32
    %c0_i32_0 = arith.constant 0 : i32
    return %c0_i32, %arg0 : i32, i32
  }
  func.func @transform_11(%arg0: i32) -> (i32, i32) {
    %c0_i32 = arith.constant 0 : i32
    %c0_i32_0 = arith.constant 0 : i32
    %c0_i32_1 = arith.constant 0 : i32
    return %c0_i32, %c0_i32_0 : i32, i32
  }
}

module attributes {stable_mosaic.version = 14 : i64} {
  func.func @_dec_body(%arg0: i32, %arg1: memref<2048x16xf32, #tpu.memory_space<vmem>>, %arg2: memref<16x256xf32, #tpu.memory_space<vmem>>, %arg3: memref<1x256xf32, #tpu.memory_space<vmem>>, %arg4: memref<256x128xf32, #tpu.memory_space<vmem>>, %arg5: memref<1x128xf32, #tpu.memory_space<vmem>>, %arg6: memref<2048x128xf32, #tpu.memory_space<vmem>>) attributes {dimension_semantics = [#tpu.dimension_semantics<arbitrary>], iteration_bounds = array<i64: 49>, scalar_prefetch = 0 : i64, scratch_operands = 0 : i64, tpu.core_type = #tpu.core_type<tc>, window_params = [{transform_indices = @transform_0, window_bounds = array<i64: 2048, 16>}, {pipeline_mode = #tpu.pipeline_mode<synchronous>, transform_indices = @transform_1, window_bounds = array<i64: 16, 256>}, {pipeline_mode = #tpu.pipeline_mode<synchronous>, transform_indices = @transform_2, window_bounds = array<i64: 1, 256>}, {pipeline_mode = #tpu.pipeline_mode<synchronous>, transform_indices = @transform_3, window_bounds = array<i64: 256, 128>}, {pipeline_mode = #tpu.pipeline_mode<synchronous>, transform_indices = @transform_4, window_bounds = array<i64: 1, 128>}, {transform_indices = @transform_5, window_bounds = array<i64: 2048, 128>}]} {
    %add3A = arith.constant 1.000000e+00 : f32
    %add3A_0 = arith.constant 1.000000e-03 : f32
    %add3A_1 = arith.addf %add3A, %add3A_0 : f32
    %sqrt3A = math.sqrt %add3A_1 : f32
    %div3A = arith.constant 1.000000e+00 : f32
    %div3A_2 = arith.divf %div3A, %sqrt3A : f32
    %get3A = arith.constant 0 : index
    %get3A_3 = arith.constant 0 : index
    %get3A_4 = vector.load %arg1[%get3A, %get3A_3] : memref<2048x16xf32, #tpu.memory_space<vmem>>, vector<2048x16xf32>
    %get3A_5 = arith.constant 0 : index
    %get3A_6 = arith.constant 0 : index
    %get3A_7 = vector.load %arg2[%get3A_5, %get3A_6] : memref<16x256xf32, #tpu.memory_space<vmem>>, vector<16x256xf32>
    %dot_general3A = arith.constant dense<0.000000e+00> : vector<2048x256xf32>
    %dot_general3A_8 = tpu.matmul %get3A_4, %get3A_7, %dot_general3A {dimension_numbers = #tpu.dot_dimension_numbers<[1], [0], [0], [1], [0, 0, 1, 1], [], []>, transpose_lhs_hint = false} : vector<2048x16xf32>, vector<16x256xf32>, vector<2048x256xf32> -> vector<2048x256xf32>
    %get3A_9 = arith.constant 0 : index
    %get3A_10 = arith.constant 0 : index
    %get3A_11 = vector.load %arg3[%get3A_9, %get3A_10] : memref<1x256xf32, #tpu.memory_space<vmem>>, vector<1x256xf32>
    %add3A_12 = vector.broadcast %get3A_11 : vector<1x256xf32> to vector<2048x256xf32>
    %add3A_13 = arith.addf %dot_general3A_8, %add3A_12 : vector<2048x256xf32>
    %max3A = arith.constant 0.000000e+00 : f32
    %max3A_14 = vector.broadcast %max3A : f32 to vector<2048x256xf32>
    %max3A_15 = arith.maximumf %add3A_13, %max3A_14 : vector<2048x256xf32>
    %mul3A = vector.broadcast %div3A_2 : f32 to vector<2048x256xf32>
    %mul3A_16 = arith.mulf %max3A_15, %mul3A : vector<2048x256xf32>
    %get3A_17 = arith.constant 0 : index
    %get3A_18 = arith.constant 0 : index
    %get3A_19 = vector.load %arg4[%get3A_17, %get3A_18] : memref<256x128xf32, #tpu.memory_space<vmem>>, vector<256x128xf32>
    %dot_general3A_20 = arith.constant dense<0.000000e+00> : vector<2048x128xf32>
    %dot_general3A_21 = tpu.matmul %mul3A_16, %get3A_19, %dot_general3A_20 {dimension_numbers = #tpu.dot_dimension_numbers<[1], [0], [0], [1], [0, 0, 1, 1], [], []>, transpose_lhs_hint = false} : vector<2048x256xf32>, vector<256x128xf32>, vector<2048x128xf32> -> vector<2048x128xf32>
    %get3A_22 = arith.constant 0 : index
    %get3A_23 = arith.constant 0 : index
    %get3A_24 = vector.load %arg5[%get3A_22, %get3A_23] : memref<1x128xf32, #tpu.memory_space<vmem>>, vector<1x128xf32>
    %add3A_25 = vector.broadcast %get3A_24 : vector<1x128xf32> to vector<2048x128xf32>
    %add3A_26 = arith.addf %dot_general3A_21, %add3A_25 : vector<2048x128xf32>
    %swap3A = arith.constant 0 : index
    %swap3A_27 = arith.constant 0 : index
    %swap3A_28 = vector.load %arg6[%swap3A, %swap3A_27] : memref<2048x128xf32, #tpu.memory_space<vmem>>, vector<2048x128xf32>
    tpu.vector_store %arg6[%swap3A, %swap3A_27], %add3A_26 {strides = array<i32>} : memref<2048x128xf32, #tpu.memory_space<vmem>>, vector<2048x128xf32>,
    return
  }
  func.func @transform_0(%arg0: i32) -> (i32, i32) {
    %c0_i32 = arith.constant 0 : i32
    %c0_i32_0 = arith.constant 0 : i32
    return %arg0, %c0_i32 : i32, i32
  }
  func.func @transform_1(%arg0: i32) -> (i32, i32) {
    %c0_i32 = arith.constant 0 : i32
    %c0_i32_0 = arith.constant 0 : i32
    %c0_i32_1 = arith.constant 0 : i32
    return %c0_i32, %c0_i32_0 : i32, i32
  }
  func.func @transform_2(%arg0: i32) -> (i32, i32) {
    %c0_i32 = arith.constant 0 : i32
    %c0_i32_0 = arith.constant 0 : i32
    %c0_i32_1 = arith.constant 0 : i32
    return %c0_i32, %c0_i32_0 : i32, i32
  }
  func.func @transform_3(%arg0: i32) -> (i32, i32) {
    %c0_i32 = arith.constant 0 : i32
    %c0_i32_0 = arith.constant 0 : i32
    %c0_i32_1 = arith.constant 0 : i32
    return %c0_i32, %c0_i32_0 : i32, i32
  }
  func.func @transform_4(%arg0: i32) -> (i32, i32) {
    %c0_i32 = arith.constant 0 : i32
    %c0_i32_0 = arith.constant 0 : i32
    %c0_i32_1 = arith.constant 0 : i32
    return %c0_i32, %c0_i32_0 : i32, i32
  }
  func.func @transform_5(%arg0: i32) -> (i32, i32) {
    %c0_i32 = arith.constant 0 : i32
    %c0_i32_0 = arith.constant 0 : i32
    return %arg0, %c0_i32 : i32, i32
  }
}

</mosaic_0001>

<sc_bundles>
// kernel: kernel.5.cloned.1.call-start
scs
__scs_entry_jumppad:
0x0: {  	(pc) =	sbr.rel $0x88, $3  }
0x1: {  	(tag) =	ssettag $0x0;
	lr =	simm.s32 $0x1  }
0x2: {  	[smem:$0x3F93] =	sst lr;
	_ =	strace $0xD0000000  }
0x3: {  	_ = 	snop  }
0x4: {  	_ = 	snop  }
0x5: {  	_ = 	snop  }
0x6: {  	_ = 	snop  }
0x7: {  	_ = 	snop  }
__scs_overlays_trampoline_lowered:
0x8: {  	[smem:$0x3FA2] =	sst s0  }
0x9: {  	[smem:$0x3FA3] =	sst s1  }
0xa: {  	[smem:$0x3FA4] =	sst s2  }
0xb: {  	[smem:$0x3FA5] =	sst s3  }
0xc: {  	[smem:$0x3FA6] =	sst s4  }
0xd: {  	[smem:$0x3FA7] =	sst s5  }
0xe: {  	[smem:$0x3FA8] =	sst s6  }
0xf: {  	[smem:$0x3FA9] =	sst s7  }
0x10: {  	[smem:$0x3FAA] =	sst s8  }
0x11: {  	[smem:$0x3FAB] =	sst s9;
	s0 =	simm.s32 @!p0 $0x0  }
0x12: {  	s1 =	sld [smem:$0x3F91];
	s0 =	simm.s32 @p0 $0x1  }
0x13: {  	[smem:$0x3FAC] =	sst s0;
	s0 =	simm.s32 @!p1 $0x0  }
0x14: {  	s2 =	sld [smem:$0x3F90];
	s0 =	simm.s32 @p1 $0x1  }
0x15: {  	[smem:$0x3FAD] =	sst s0;
	s0 =	simm.s32 @!p2 $0x0  }
0x16: {  	s3 =	sld [smem:$0x3FDB];
	s0 =	simm.s32 @p2 $0x1  }
0x17: {  	s4 =	simm.s32 $0x1BF5;
	[smem:$0x3FAF] =	sst s0  }
0x18: {  	s0 =	sld [smem:$0x3F92];
	_ =	swait.ge [sflag:s4], $0x0  }
0x19: {  	s7 =	sld [smem:$0x3F93]  }
0x1a: {  	s8 =	sadd.s32 $0xFFFFE003, lr  }
0x1b: {  	s9 =	sadd.s32 $0xFFFFFEF7, lr;
	s5 =	simm.s32 $0xFFFFFFFF;
	p2 =	slt.u32 s8, $0xFFFFF086  }
0x1c: {  	p1 =	slt.u32 s9, $0xF7A;
	s5 =	simm.s32 @!p2 $0x0  }
0x1d: {  	s5 =	simm.s32 @p1 $0x1;
	p0 =	seq.s32 s7, s2  }
0x1e: {  	s7 =	smul.u32 @!p0 $0xF7A, s2;
	p2 =	seq.s32 @!p0 s5, $0x0  }
0x1f: {  	s9 =	smul.u32 $0xF7A, s1;
	s8 =	simm.s32 @!p0 $0x1BF5;
	p2 =	por !p2, p0  }
0x20: {  	[sflag:s8] =	ssyncset.s32 @!p0 $0xFFFFF086;
	s6 =	sadd.s32 @!p0 s3, s7;
	s7 =	simm.s32 @!p0 $0x108  }
0x21: {  	s3 =	sadd.s32 s3, s9;
	s6 =	sadd.s32 @!p0 $0x88, s6;
	s7 =	simm.s32 @p2 $0x1082  }
0x22: {  	[simem:s7], [sflag:s8] =	dma.local @!p0 [hbm:s6], $0xF7A  }
0x23: {  	s9 =	sor.u32 $0xD0000000, s2;
	s6 =	simm.s32 $0x108;
	_ =	swait.ge @!p0 [sflag:s8], $0x0  }
0x24: {  	s3 =	sadd.s32 $0x88, s3;
	s6 =	simm.s32 @!p1 $0x1082;
	[sflag:s4] =	ssyncset.s32 $0xFFFFF086  }
0x25: {  	[simem:s6], [sflag:s4] =	dma.local [hbm:s3], $0xF7A  }
0x26: {  	[smem:$0x3F93] =	sst s1;
	(tag) =	ssettag s2;
	_ =	strace s9  }
0x27: {  	s1 =	sld [smem:$0x3FA3]  }
0x28: {  	s2 =	sld [smem:$0x3FA4]  }
0x29: {  	s4 =	sld [smem:$0x3FA6]  }
0x2a: {  	p0 =	seq.s32 s5, $0x0;
	s5 =	sld [smem:$0x3FA7]  }
0x2b: {  	s6 =	sld [smem:$0x3FA8]  }
0x2c: {  	s7 =	sld [smem:$0x3FA9]  }
0x2d: {  	s3 =	simm.s32 $0x108;
	s8 =	sld [smem:$0x3FAA]  }
0x2e: {  	s3 =	simm.s32 @!p0 $0x1082;
	s9 =	sld [smem:$0x3FAB]  }
0x2f: {  	lr =	sadd.s32 s0, s3;
	s0 =	sld [smem:$0x3FA2]  }
0x30: {  	s3 =	sld [smem:$0x3FA5]  }
0x31: {  	[smem:$0x3FAE] =	sst s10  }
0x32: {  	s10 =	sld [smem:$0x3FAC];
	_ =	sdelay $0x3  }
0x33: {  	p0 =	seq.s32 s10, $0x1;
	s10 =	sld [smem:$0x3FAE];
	_ =	sdelay $0x3  }
0x34: {  	[smem:$0x3FAE] =	sst s10  }
0x35: {  	s10 =	sld [smem:$0x3FAD];
	_ =	sdelay $0x3  }
0x36: {  	p1 =	seq.s32 s10, $0x1;
	s10 =	sld [smem:$0x3FAE];
	_ =	sdelay $0x3  }
0x37: {  	[smem:$0x3FAE] =	sst s10  }
0x38: {  	s10 =	sld [smem:$0x3FAF]  }
0x39: {  	_ = 	snop;
	(pc) =	sbr.ind lr, $3  }
0x3a: {  	_ = 	snop  }
0x3b: {  	_ = 	snop  }
0x3c: {  	p2 =	seq.s32 s10, $0x1;
	s10 =	sld [smem:$0x3FAE]  }
0x3d: {  	_ =	shalt  }
0x3e: {  	_ =	shalt  }
0x3f: {  	_ =	shalt  }
0x40: {  	_ =	shalt  }
0x41: {  	_ =	shalt  }
0x42: {  	_ =	shalt  }
0x43: {  	_ =	shalt  }
0x44: {  	_ =	shalt  }
0x45: {  	_ =	shalt  }
0x46: {  	_ =	shalt  }
0x47: {  	_ =	shalt  }
0x48: {  	_ =	shalt  }
0x49: {  	_ =	shalt  }
0x4a: {  	_ =	shalt  }
0x4b: {  	_ =	shalt  }
0x4c: {  	_ =	shalt  }
0x4d: {  	_ =	shalt  }
0x4e: {  	_ =	shalt  }
0x4f: {  	_ =	shalt  }
0x50: {  	_ =	shalt  }
0x51: {  	_ =	shalt  }
0x52: {  	_ =	shalt  }
0x53: {  	_ =	shalt  }
0x54: {  	_ =	shalt  }
0x55: {  	_ =	shalt  }
0x56: {  	_ =	shalt  }
0x57: {  	_ =	shalt  }
0x58: {  	_ =	shalt  }
0x59: {  	_ =	shalt  }
0x5a: {  	_ =	shalt  }
0x5b: {  	_ =	shalt  }
0x5c: {  	_ =	shalt  }
0x5d: {  	_ =	shalt  }
0x5e: {  	_ =	shalt  }
0x5f: {  	_ =	shalt  }
0x60: {  	_ =	shalt  }
0x61: {  	_ =	shalt  }
0x62: {  	_ =	shalt  }
0x63: {  	_ =	shalt  }
0x64: {  	_ =	shalt  }
0x65: {  	_ =	shalt  }
0x66: {  	_ =	shalt  }
0x67: {  	_ =	shalt  }
0x68: {  	_ =	shalt  }
0x69: {  	_ =	shalt  }
0x6a: {  	_ =	shalt  }
0x6b: {  	_ =	shalt  }
0x6c: {  	_ =	shalt  }
0x6d: {  	_ =	shalt  }
0x6e: {  	_ =	shalt  }
0x6f: {  	_ =	shalt  }
0x70: {  	_ =	shalt  }
0x71: {  	_ =	shalt  }
0x72: {  	_ =	shalt  }
0x73: {  	_ =	shalt  }
0x74: {  	_ =	shalt  }
0x75: {  	_ =	shalt  }
0x76: {  	_ =	shalt  }
0x77: {  	_ =	shalt  }
0x78: {  	_ =	shalt  }
0x79: {  	_ =	shalt  }
0x7a: {  	_ =	shalt  }
0x7b: {  	_ =	shalt  }
0x7c: {  	_ =	shalt  }
0x7d: {  	_ =	shalt  }
0x7e: {  	_ =	shalt  }
0x7f: {  	_ =	shalt  }
0x80: {  	_ =	shalt  }
0x81: {  	_ =	shalt  }
0x82: {  	_ =	shalt  }
0x83: {  	_ =	shalt  }
0x84: {  	_ =	shalt  }
0x85: {  	_ =	shalt  }
0x86: {  	_ =	shalt  }
0x87: {  	_ =	shalt  }
.Lfunc_end0:
.L_simem_size_0:
called_computation_lowered:
.L_overlay_start_0:
0x88: {  	s2 =	sld [smem:$0x3FD9]  }
0x89: {  	s3 =	sld [smem:$0x3FFE];
	_ =	sdelay $0x1  }
0x8a: {  	s1 =	srdreg.scid  }
0x8b: {  	s0 =	sand.u32 $0x1, s1  }
0x8c: {  	s14 =	sshll.u32 s0, $0xA;
	s2 =	sadd.s32 s3, s2  }
0x8d: {  	s2 =	sadd.s32 s2, s14  }
0x8e: {  	[smem:$0x3FBA] =	sst s2  }
0x8f: {  	_ = 	snop  }
0x90: {  	s2 =	sld [smem:$0x3FD0];
	_ =	sdelay $0x2  }
0x91: {  	s15 =	simm.s32 $0xA;
	s4 =	simm.s32 $0x10  }
0x92: {  	[smem:s4], [sflag:s15] =	dma.local [hbm:s2], $0x1  }
0x93: {  	_ =	swait.eq [sflag:s15], $0x1  }
0x94: {  	[sflag:s15] =	ssyncset.done $0x0  }
0x95: {  	[sflag:s15] =	ssyncadd.s32 $0xFFFFFFFF  }
0x96: {  	s16 =	sld [smem:$0x10];
	(tm) =	ssettm $0x1  }
0x97: {  	s17 =	sld [smem:$0x3FFB];
	_ =	sdelay $0x3  }
0x98: {  	_ =	strace s17  }
0x99: {  	s3 =	sld [smem:$0x3FFC];
	_ =	sdelay $0x3  }
0x9a: {  	_ =	strace s3  }
0x9b: {  	s3 =	sld [smem:$0x3FFD];
	_ =	sdelay $0x3  }
0x9c: {  	_ =	strace s3  }
0x9d: {  	_ =	strace $0x8FFFFFFF  }
0x9e: {  	s18 =	sld [smem:$0x3FDB];
	_ =	sdelay $0x1  }
0x9f: {  	s19 =	simm.s32 $_scs_section_size  }
0xa0: {  	s5 =	simm.s32 $_size__tile_overlayer_lowered;
	s6 =	simm.s32 $_tile_overlayer_lowered  }
0xa1: {  	s22 =	simm.s32 $0x1BFF;
	s21 =	sshll.u32 s6, $0x1;
	s3 =	sadd.s32 s19, s18  }
0xa2: {  	s7 =	simm.s32 $0x0;
	s20 =	sshll.u32 s5, $0x1;
	s5 =	sadd.s32 s21, s3  }
0xa3: {  	[timem:s7], [sflag:s22] =	dma.local [hbm:s5], s20  }
0xa4: {  	_ =	swait.ge [sflag:s22], s20  }
0xa5: {  	s4 =	ssub.s32 $0x0, s20;
	[sflag:s22] =	ssyncset.done $0x0  }
0xa6: {  	[sflag:s22] =	ssyncadd.s32 s4;
	_ =	sdelay $0x1  }
0xa7: {  	s23 =	simm.s32 $0x1B8B  }
0xa8: {  	_ =	swait.ge [sflag:s23], $0x1  }
0xa9: {  	[sflag:s23] =	ssyncset.done $0x0  }
0xaa: {  	s25 =	simm.s32 $0x1B8E;
	s24 =	sld [smem:$0x3FFE];
	[sflag:s23] =	ssyncadd.s32 $0xFFFFFFFF  }
0xab: {  	s26 =	simm.s32 $execute0_lowered;
	[smem:$0x3FD2] =	sst s25  }
0xac: {  	s5 =	sshll.u32 s26, $0x1;
	_ =	strace $0x80000046;
	[dreg:$0x1] =	wrdreg $0xFFFFFFFF  }
0xad: {  	s28 =	simm.s32 $_size_execute0_lowered;
	s3 =	sadd.s32 s3, s5;
	[dreg:$0x0] =	wrdreg $0x0  }
0xae: {  	s5 =	sshll.u32 s28, $0x1;
	[dreg:$0x2] =	wrdreg s3  }
0xaf: {  	[dreg:$0x3] =	wrdreg s5  }
0xb0: {  	[dreg:$0x4] =	wrdreg $0xC0  }
0xb1: {  	_ =	task [dreg:s7], $0x5FFFF  }
0xb2: {  	[dreg:$0x1] =	wrdreg $0xFFFFFFFF  }
0xb3: {  	[dreg:$0x0] =	wrdreg $0x60  }
0xb4: {  	[dreg:$0x2] =	wrdreg s24  }
0xb5: {  	[dreg:$0x3] =	wrdreg s16  }
0xb6: {  	[dreg:$0x4] =	wrdreg $0x9  }
0xb7: {  	_ =	task.clear_ibuf [dreg:s7], $0x5FFFF;
	_ =	strace $0x90000046  }
0xb8: {  	s29 =	simm.s32 $0x9;
	_ =	strace $0x80000048  }
0xb9: {  	_ =	swait.ge [sflag:s29], $0x1  }
0xba: {  	[sflag:s29] =	ssyncadd.s32 $0xFFFFFFFF  }
0xbb: {  	_ =	strace $0x90000048  }
0xbc: {  	_ =	sfence  }
0xbd: {  	s30 =	sld [smem:$0x0];
	_ =	sdelay $0x2  }
0xbe: {  	s31 =	sshll.u32 s1, $0xD;
	s1 =	sshrl.u32 s1, $0x2  }
0xbf: {  	s3 =	sand.u32 $0x4000, s31;
	s1 =	sadd.s32 s1, s30  }
0xc0: {  	s0 =	sor.u32 s3, s0;
	s1 =	sshll.u32 s1, $0x11  }
0xc1: {  	s0 =	sor.u32 s1, s0  }
0xc2: {  	s0 =	sadd.s32 $0x8F2B, s0  }
0xc3: {  	[sflag:s0] =	ssyncadd.remote.s32 $0x1  }
0xc4: {  	_ =	sfence.sel $0xFFFF  }
0xc5: {  	[dreg:$0x0] =	wrdreg $0xFFFFFFFF;
	(pc) =	sbr.abs _section_cstart, $3  }
0xc6: {  	[dreg:$0x1] =	wrdreg $0xFFFFFFFF  }
0xc7: {  	_ =	task.clear_ibuf [dreg:s7], $0x2FFFF;
	_ =	strace $0x9FFFFFFF  }
0xc8: {  	(tm) =	ssettm $0x7FFFFFFF  }
0xc9: {  	_ =	shalt  }
tec
execute0_lowered:
.L_overlay_start_1:
0x0: {  	(tag) =	ssettag $0x1  }
0x1: {  	s0 =	rddreg [dreg:$0x0]  }
0x2: {  	s11 =	rddreg [dreg:$0x1];
	s2 =	simm.s32 $0x0  }
0x3: {  	s1 =	srdreg.scid;
	s7 =	stileid.u32;
	s30 =	simm.s32 $0x2400  }
0x4: {  	s31 =	simm.s32 $0x4400;
	s28 =	simm.s32 $0x2C00;
	s12 =	simm.s32 $0x3400  }
0x5: {  	s13 =	simm.s32 $0x5400;
	s29 =	simm.s32 $0x5C00;
	[smem:$0x7FF] =	sst s2  }
0x6: {  	s14 =	simm.s32 $0x2;
	s4 =	sadd.s32 $0x1B0C00, s0;
	s5 =	sadd.s32 $0x1ABC00, s0  }
0x7: {  	s1 =	sand.u32 $0x1, s1;
	s6 =	sadd.s32 $0x20200, s0;
	s8 =	sshll.u32 s7, $0x1  }
0x8: {  	s7 =	sadd.s32 $0x10C00, s0;
	s9 =	sadd.s32 $0x1600, s0;
	s3 =	ssub.s32 $0x2, s1  }
0x9: {  	_ =	strace $0x80000047;
	s8 =	sor.u32 s1, s8;
	s10 =	sshrl.u32 s3, $0x1  }
0xa: {  	s1 =	sshll.u32 s8, $0x4;
	s23 =	sor.u32 $0x80, s8;
	[dreg:$0x3] =	wrdreg s8  }
0xb: {  	s24 =	sor.u32 $0xA0, s8;
	s25 =	sor.u32 $0xC0, s8;
	[dreg:$0xc] =	wrdreg s23  }
0xc: {  	s26 =	sor.u32 $0xE0, s8;
	s15 =	ssub.s32 s3, s10;
	[dreg:$0xd] =	wrdreg s24  }
0xd: {  	s16 =	sadd.s32 s7, s1;
	s17 =	sadd.s32 s9, s1;
	[dreg:$0xe] =	wrdreg s25  }
0xe: {  	s18 =	sor.u32 $0x200, s1;
	s20 =	sor.u32 $0x400, s1;
	[dreg:$0xf] =	wrdreg s26  }
0xf: {  	s1 =	sor.u32 $0x600, s1;
	s25 =	simm.s32 $0xC00;
	[dreg:$0x4] =	wrdreg s16  }
0x10: {  	s10 =	simm.s32 $0x4C00;
	[dreg:$0x5] =	wrdreg s17;
	s19 =	sadd.s32 s7, s18  }
0x11: {  	s23 =	simm.s32 $0x1C00;
	s3 =	sadd.s32 s9, s18;
	[dreg:$0x6] =	wrdreg s19  }
0x12: {  	s26 =	simm.s32 $0x3C00;
	s21 =	sadd.s32 s7, s20;
	[dreg:$0x7] =	wrdreg s3  }
.Ltmp0:
0x13: {  	s22 =	sadd.s32 s7, s1;
	[dreg:$0x8] =	wrdreg s21;
	(pc) =	sbr.rel .LBB2_1-.Ltmp0, $4  }
0x14: {  	s1 =	sadd.s32 s9, s1;
	s0 =	smax.u32 s15, $0x1;
	[dreg:$0xa] =	wrdreg s22  }
0x15: {  	s16 =	simm.s32 $0x3;
	s3 =	sadd.s32 s9, s20;
	[dreg:$0xb] =	wrdreg s1  }
0x16: {  	v0 =	vlaneseq.u32;
	s22 =	sadd.s32 $0x7A180, s11;
	[dreg:$0x10] =	wrdreg s0;
	s11 =	simm.s32 $0x1400  }
0x17: {  	v0 =	vmul.u32 $0x10, v0;
	s1 =	simm.s32 $0x0;
	[dreg:$0x9] =	wrdreg s3;
	s3 =	simm.s32 $0x400  }
.LBB2_15:
0x18: {  	s1 =	rddreg [dreg:$0x11]  }
0x19: {  	s0 =	rddreg [dreg:$0x10];
	s1 =	sadd.s32 $0x1, s1  }
0x1a: {  	p0 =	sne.s32 s1, s0  }
.Ltmp1:
0x1b: {  	_ = 	snop;
	(pc) =	sbr.rel @!p0 .LBB2_16-.Ltmp1, $1  }
0x1c: {  	_ =	sdelay $0x3  }
.LBB2_1:
0x1d: {  	[dreg:$0x11] =	wrdreg s1  }
0x1e: {  	s0 =	rddreg [dreg:$0x4]  }
0x1f: {  	[tilespmem:s2], [sflag:$0x1] =	stream.linear.gather [hbm4b:s0+s2], $0x80, $0x38;
	[tilespmem:$0x6C00] =	vst v63  }
0x20: {  	s17 =	rddreg [dreg:$0x5];
	s1 =	simm.s32 $0x80  }
0x21: {  	[tilespmem:s1], [sflag:$0x1] =	stream.linear.gather [hbm4b:s17+s2], $0x80, $0x38;
	[tilespmem:$0x6C00] =	vst v63  }
0x22: {  	s18 =	rddreg [dreg:$0x6];
	s8 =	simm.s32 $0x100  }
0x23: {  	[tilespmem:s8], [sflag:$0x1] =	stream.linear.gather [hbm4b:s18+s2], $0x80, $0x38;
	[tilespmem:$0x6C00] =	vst v63  }
0x24: {  	s19 =	rddreg [dreg:$0x7];
	s15 =	simm.s32 $0x180  }
0x25: {  	[tilespmem:s15], [sflag:$0x1] =	stream.linear.gather [hbm4b:s19+s2], $0x80, $0x38;
	[tilespmem:$0x6C00] =	vst v63  }
0x26: {  	s20 =	rddreg [dreg:$0x8];
	s17 =	simm.s32 $0x200  }
0x27: {  	[tilespmem:s17], [sflag:$0x1] =	stream.linear.gather [hbm4b:s20+s2], $0x80, $0x38;
	[tilespmem:$0x6C00] =	vst v63  }
0x28: {  	s21 =	rddreg [dreg:$0x9];
	s18 =	simm.s32 $0x280  }
0x29: {  	[tilespmem:s18], [sflag:$0x1] =	stream.linear.gather [hbm4b:s21+s2], $0x80, $0x38;
	[tilespmem:$0x6C00] =	vst v63  }
0x2a: {  	s24 =	rddreg [dreg:$0xa];
	s19 =	simm.s32 $0x300  }
0x2b: {  	[tilespmem:s19], [sflag:$0x1] =	stream.linear.gather [hbm4b:s24+s2], $0x80, $0x38;
	[tilespmem:$0x6C00] =	vst v63  }
0x2c: {  	s20 =	rddreg [dreg:$0xb];
	s21 =	simm.s32 $0x380;
	s24 =	simm.s32 $0x1  }
0x2d: {  	[tilespmem:s21], [sflag:$0x1] =	stream.linear.gather [hbm4b:s20+s2], $0x80, $0x38;
	[tilespmem:$0x6C00] =	vst v63  }
0x2e: {  	_ =	swait.ge [sflag:s24], $0x80  }
0x2f: {  	[sflag:s24] =	ssyncset.done $0x0  }
0x30: {  	[sflag:s24] =	ssyncadd.s32 $0xFFFFFF80  }
0x31: {  	_ =	swait.ge [sflag:s24], $0x80  }
0x32: {  	[sflag:s24] =	ssyncset.done $0x0  }
0x33: {  	[sflag:s24] =	ssyncadd.s32 $0xFFFFFF80  }
0x34: {  	[tilespmem:s3], [sflag:$0x2] =	stream.indirect.gather [hbm4b:s4+s1], $0x10, s2, s1, $0xb8;
	[tilespmem:$0x6C00] =	vst v63  }
0x35: {  	_ = 	snop  }
0x36: {  	[tilespmem:s30], [sflag:$0x2] =	stream.indirect.gather [hbm4b:s5+s1], $0x10, s1, s1, $0xb8;
	[tilespmem:$0x6C00] =	vst v63  }
0x37: {  	_ = 	snop  }
0x38: {  	[tilespmem:s31], [sflag:$0x2] =	stream.indirect.gather [hbm4b:s6+s1], $0x10, s1, s1, $0xb8;
	[tilespmem:$0x6C00] =	vst v63  }
0x39: {  	_ =	swait.ge [sflag:s24], $0x80  }
0x3a: {  	[sflag:s24] =	ssyncset.done $0x0  }
0x3b: {  	[sflag:s24] =	ssyncadd.s32 $0xFFFFFF80  }
0x3c: {  	_ =	swait.ge [sflag:s24], $0x80  }
0x3d: {  	[sflag:s24] =	ssyncset.done $0x0  }
0x3e: {  	[sflag:s24] =	ssyncadd.s32 $0xFFFFFF80  }
0x3f: {  	[tilespmem:s25], [sflag:$0x2] =	stream.indirect.gather [hbm4b:s4+s1], $0x10, s8, s1, $0xb8;
	[tilespmem:$0x6C00] =	vst v63  }
0x40: {  	_ = 	snop  }
0x41: {  	[tilespmem:s28], [sflag:$0x2] =	stream.indirect.gather [hbm4b:s5+s1], $0x10, s15, s1, $0xb8;
	[tilespmem:$0x6C00] =	vst v63  }
0x42: {  	_ = 	snop  }
0x43: {  	[tilespmem:s10], [sflag:$0x2] =	stream.indirect.gather [hbm4b:s6+s1], $0x10, s15, s1, $0xb8;
	[tilespmem:$0x6C00] =	vst v63  }
0x44: {  	_ =	swait.ge [sflag:s24], $0x80  }
0x45: {  	[sflag:s24] =	ssyncset.done $0x0  }
0x46: {  	[sflag:s24] =	ssyncadd.s32 $0xFFFFFF80  }
0x47: {  	_ =	swait.ge [sflag:s24], $0x80  }
0x48: {  	[sflag:s24] =	ssyncset.done $0x0  }
0x49: {  	[sflag:s24] =	ssyncadd.s32 $0xFFFFFF80  }
0x4a: {  	[tilespmem:s11], [sflag:$0x2] =	stream.indirect.gather [hbm4b:s4+s1], $0x10, s17, s1, $0xb8;
	[tilespmem:$0x6C00] =	vst v63  }
.Ltmp2:
0x4b: {  	_ = 	snop;
	(pc) =	sbr.rel .LBB2_2-.Ltmp2, $4  }
0x4c: {  	_ = 	snop  }
0x4d: {  	[tilespmem:s12], [sflag:$0x2] =	stream.indirect.gather [hbm4b:s5+s1], $0x10, s18, s1, $0xb8;
	[tilespmem:$0x6C00] =	vst v63  }
0x4e: {  	s24 =	simm.s32 $0x0  }
0x4f: {  	[tilespmem:s13], [sflag:$0x2] =	stream.indirect.gather [hbm4b:s6+s1], $0x10, s18, s1, $0xb8;
	[tilespmem:$0x6C00] =	vst v63  }
.LBB2_14:
0x50: {  	s1 =	rddreg [dreg:$0xf]  }
0x51: {  	s0 =	sadd.s32 s1, s0  }
0x52: {  	p0 =	sgt.u32 s0, $0xF42  }
0x53: {  	s0 =	sshll.u32 @!p0 s0, $0x4  }
0x54: {  	s8 =	simm.s32 @!p0 $0x0;
	s15 =	simm.s32 @!p0 $0x300;
	s1 =	sadd.s32 @!p0 s7, s0  }
0x55: {  	[tilespmem:s15], [sflag:$0x1] =	stream.linear.gather @!p0 [hbm4b:s1+s8], $0x80, $0x38;
	[tilespmem:$0x6C00] =	vst v63  }
0x56: {  	s0 =	sadd.s32 @!p0 s9, s0;
	s1 =	simm.s32 @!p0 $0x380  }
0x57: {  	[tilespmem:s1], [sflag:$0x1] =	stream.linear.gather @!p0 [hbm4b:s0+s8], $0x80, $0x38;
	[tilespmem:$0x6C00] =	vst v63  }
0x58: {  	s0 =	simm.s32 @!p2 $0x1  }
0x59: {  	_ =	swait.ge @!p2 [sflag:s0], $0x80  }
0x5a: {  	[sflag:s0] =	ssyncset.done @!p2 $0x0  }
0x5b: {  	[sflag:s0] =	ssyncadd.s32 @!p2 $0xFFFFFF80  }
0x5c: {  	_ =	swait.ge @!p2 [sflag:s0], $0x80  }
0x5d: {  	s24 =	sadd.s32 $0x1, s24;
	s1 =	simm.s32 @!p2 $0x1400;
	[sflag:s0] =	ssyncset.done @!p2 $0x0  }
0x5e: {  	p0 =	sne.s32 s24, $0x1F;
	[sflag:s0] =	ssyncadd.s32 @!p2 $0xFFFFFF80;
	s0 =	simm.s32 @!p2 $0x80  }
0x5f: {  	[tilespmem:s1], [sflag:$0x2] =	stream.indirect.gather @!p2 [hbm4b:s4+s0], $0x10, s21, s0, $0xb8;
	[tilespmem:$0x6C00] =	vst v63  }
.Ltmp3:
0x60: {  	_ = 	snop;
	(pc) =	sbr.rel @!p0 .LBB2_15-.Ltmp3, $4  }
0x61: {  	s1 =	simm.s32 @!p2 $0x3400  }
0x62: {  	[tilespmem:s1], [sflag:$0x2] =	stream.indirect.gather @!p2 [hbm4b:s5+s0], $0x10, s18, s0, $0xb8;
	[tilespmem:$0x6C00] =	vst v63  }
0x63: {  	s1 =	simm.s32 @!p2 $0x5400  }
0x64: {  	[tilespmem:s1], [sflag:$0x2] =	stream.indirect.gather @!p2 [hbm4b:s6+s0], $0x10, s18, s0, $0xb8;
	[tilespmem:$0x6C00] =	vst v63  }
.LBB2_2:
0x65: {  	_ =	swait.ge [sflag:s14], $0x800  }
0x66: {  	s0 =	simm.s32 $0x0;
	[sflag:s14] =	ssyncset.done $0x0  }
0x67: {  	v1 =	vmov s0;
	[sflag:s14] =	ssyncadd.s32 $0xFFFFF800  }
0x68: {  	v1 =	vshll.u32 v1, $0x4;
	_ =	swait.ge [sflag:s14], $0x800  }
0x69: {  	v1 =	vor.u32 v0, v1;
	[sflag:s14] =	ssyncset.done $0x0  }
0x6a: {  	[sflag:s14] =	ssyncadd.s32 $0xFFFFF800  }
0x6b: {  	_ =	swait.ge [sflag:s14], $0x800  }
0x6c: {  	[sflag:s14] =	ssyncset.done $0x0  }
0x6d: {  	[sflag:s14] =	ssyncadd.s32 $0xFFFFF800  }
0x6e: {  	v2 =	vld.idx.msk [tilespmem:v1+s3+$0x0], $0xffff  }
0x6f: {  	v3 =	vld.idx.msk [tilespmem:v1+s30+$0x0], $0xffff;
	_ =	sdelay $0x1  }
0x70: {  	v4 =	vld.idx.msk [tilespmem:v1+s31+$0x0], $0xffff;
	_ =	sdelay $0x2  }
0x71: {  	v2 =	vmul.f32 v3, v2;
	v3 =	vor.u32 $0x1, v1;
	_ =	sdelay $0x1  }
0x72: {  	v2 =	vadd.f32 v4, v2  }
0x73: {  	s8 =	simm.s32 $0x6680  }
0x74: {  	[tilespmem:s8+$0xFFFFFD80] =	vst v2  }
0x75: {  	v2 =	vld.idx.msk [tilespmem:v3+s3+$0x0], $0xffff  }
0x76: {  	v56 =	vld.idx.msk [tilespmem:v3+s30+$0x0], $0xffff;
	_ =	sdelay $0x1  }
0x77: {  	v3 =	vld.idx.msk [tilespmem:v3+s31+$0x0], $0xffff;
	_ =	sdelay $0x2  }
0x78: {  	v57 =	vor.u32 $0x2, v1;
	v2 =	vmul.f32 v56, v2;
	_ =	sdelay $0x1  }
0x79: {  	v2 =	vadd.f32 v3, v2;
	_ =	sdelay $0x1  }
0x7a: {  	[tilespmem:s8+$0xFFFFFE00] =	vst v2  }
0x7b: {  	v2 =	vld.idx.msk [tilespmem:v57+s3+$0x0], $0xffff  }
0x7c: {  	v3 =	vld.idx.msk [tilespmem:v57+s30+$0x0], $0xffff;
	_ =	sdelay $0x1  }
0x7d: {  	v4 =	vld.idx.msk [tilespmem:v57+s31+$0x0], $0xffff;
	_ =	sdelay $0x2  }
0x7e: {  	v2 =	vmul.f32 v3, v2;
	v3 =	vor.u32 $0x3, v1;
	_ =	sdelay $0x1  }
0x7f: {  	v2 =	vadd.f32 v4, v2;
	_ =	sdelay $0x1  }
0x80: {  	[tilespmem:s8+$0xFFFFFE80] =	vst v2  }
0x81: {  	v2 =	vld.idx.msk [tilespmem:v3+s3+$0x0], $0xffff  }
0x82: {  	v58 =	vld.idx.msk [tilespmem:v3+s30+$0x0], $0xffff;
	_ =	sdelay $0x1  }
0x83: {  	v3 =	vld.idx.msk [tilespmem:v3+s31+$0x0], $0xffff;
	_ =	sdelay $0x2  }
0x84: {  	v59 =	vor.u32 $0x4, v1;
	v2 =	vmul.f32 v58, v2;
	_ =	sdelay $0x1  }
0x85: {  	v2 =	vadd.f32 v3, v2;
	_ =	sdelay $0x1  }
0x86: {  	[tilespmem:s8+$0xFFFFFF00] =	vst v2  }
0x87: {  	v2 =	vld.idx.msk [tilespmem:v59+s3+$0x0], $0xffff  }
0x88: {  	v3 =	vld.idx.msk [tilespmem:v59+s30+$0x0], $0xffff;
	_ =	sdelay $0x1  }
0x89: {  	v4 =	vld.idx.msk [tilespmem:v59+s31+$0x0], $0xffff;
	_ =	sdelay $0x2  }
0x8a: {  	v2 =	vmul.f32 v3, v2;
	v3 =	vor.u32 $0x5, v1;
	_ =	sdelay $0x1  }
0x8b: {  	v2 =	vadd.f32 v4, v2;
	_ =	sdelay $0x1  }
0x8c: {  	[tilespmem:s8+$0xFFFFFF80] =	vst v2  }
0x8d: {  	v2 =	vld.idx.msk [tilespmem:v3+s3+$0x0], $0xffff  }
0x8e: {  	v60 =	vld.idx.msk [tilespmem:v3+s30+$0x0], $0xffff;
	_ =	sdelay $0x1  }
0x8f: {  	v3 =	vld.idx.msk [tilespmem:v3+s31+$0x0], $0xffff;
	_ =	sdelay $0x2  }
0x90: {  	v61 =	vor.u32 $0x6, v1;
	v2 =	vmul.f32 v60, v2;
	_ =	sdelay $0x1  }
0x91: {  	v2 =	vadd.f32 v3, v2;
	_ =	sdelay $0x1  }
0x92: {  	[tilespmem:s8+$0x0] =	vst v2  }
0x93: {  	v2 =	vld.idx.msk [tilespmem:v61+s3+$0x0], $0xffff  }
0x94: {  	v3 =	vld.idx.msk [tilespmem:v61+s30+$0x0], $0xffff;
	_ =	sdelay $0x1  }
0x95: {  	v4 =	vld.idx.msk [tilespmem:v61+s31+$0x0], $0xffff;
	_ =	sdelay $0x2  }
0x96: {  	v2 =	vmul.f32 v3, v2;
	v3 =	vor.u32 $0x7, v1;
	_ =	sdelay $0x1  }
0x97: {  	v2 =	vadd.f32 v4, v2;
	_ =	sdelay $0x1  }
0x98: {  	[tilespmem:s8+$0x80] =	vst v2  }
0x99: {  	v2 =	vld.idx.msk [tilespmem:v3+s3+$0x0], $0xffff  }
0x9a: {  	v62 =	vld.idx.msk [tilespmem:v3+s30+$0x0], $0xffff;
	_ =	sdelay $0x1  }
0x9b: {  	v3 =	vld.idx.msk [tilespmem:v3+s31+$0x0], $0xffff;
	_ =	sdelay $0x2  }
0x9c: {  	v63 =	vor.u32 $0x8, v1;
	v2 =	vmul.f32 v62, v2;
	_ =	sdelay $0x1  }
0x9d: {  	v2 =	vadd.f32 v3, v2;
	_ =	sdelay $0x1  }
0x9e: {  	[tilespmem:s8+$0x100] =	vst v2  }
0x9f: {  	v2 =	vld.idx.msk [tilespmem:v63+s3+$0x0], $0xffff  }
0xa0: {  	v3 =	vld.idx.msk [tilespmem:v63+s30+$0x0], $0xffff;
	_ =	sdelay $0x1  }
0xa1: {  	v4 =	vld.idx.msk [tilespmem:v63+s31+$0x0], $0xffff;
	_ =	sdelay $0x2  }
0xa2: {  	v2 =	vmul.f32 v3, v2  }
0xa3: {  	v1 =	vor.u32 $0x9, v1  }
0xa4: {  	v2 =	vadd.f32 v4, v2  }
0xa5: {  	s0 =	sshll.u32 s24, $0x7;
	s1 =	rddreg [dreg:$0x3]  }
0xa6: {  	s20 =	simm.s32 $0x6680;
	s18 =	sor.u32 s1, s0;
	s1 =	simm.s32 $0x10;
	[tilespmem:s8+$0x180] =	vst v2  }
.LBB2_3:
0xa7: {  	p0 =	sne.s32 s1, $0x70  }
0xa8: {  	v2 =	vld.idx.msk [tilespmem:v1+s30+$0x0], $0xffff;
	s8 =	sadd.s32 $0x10, s8;
	s15 =	smov.u32 s1;
	s1 =	sadd.s32 $0x10, s1  }
0xa9: {  	v3 =	vld.idx.msk [tilespmem:v1+s3+$0x0], $0xffff  }
0xaa: {  	v4 =	vld.idx.msk [tilespmem:v1+s31+$0x0], $0xffff;
	_ =	sdelay $0x1  }
0xab: {  	v1 =	vmov s15  }
0xac: {  	v1 =	vshll.u32 v1, $0x4  }
0xad: {  	v1 =	vor.u32 v0, v1  }
0xae: {  	v2 =	vmul.f32 v2, v3;
	_ =	sdelay $0x1  }
0xaf: {  	v2 =	vadd.f32 v4, v2;
	_ =	sdelay $0x1  }
0xb0: {  	[tilespmem:s20+$0x200] =	vst v2;
	s20 =	smov.u32 s8  }
0xb1: {  	v2 =	vld.idx.msk [tilespmem:v1+s3+$0x0], $0xffff  }
0xb2: {  	v3 =	vld.idx.msk [tilespmem:v1+s30+$0x0], $0xffff  }
0xb3: {  	v4 =	vld.idx.msk [tilespmem:v1+s31+$0x0], $0xffff;
	_ =	sdelay $0x4  }
0xb4: {  	v2 =	vmul.f32 v3, v2;
	v3 =	vor.u32 $0x1, v1;
	_ =	sdelay $0x1  }
0xb5: {  	v2 =	vadd.f32 v4, v2;
	_ =	sdelay $0x1  }
0xb6: {  	[tilespmem:s8+$0xFFFFFD80] =	vst v2  }
0xb7: {  	v2 =	vld.idx.msk [tilespmem:v3+s3+$0x0], $0xffff  }
0xb8: {  	v4 =	vld.idx.msk [tilespmem:v3+s30+$0x0], $0xffff;
	_ =	sdelay $0x1  }
0xb9: {  	v3 =	vld.idx.msk [tilespmem:v3+s31+$0x0], $0xffff;
	_ =	sdelay $0x3  }
0xba: {  	v2 =	vmul.f32 v4, v2;
	v4 =	vor.u32 $0x2, v1;
	_ =	sdelay $0x1  }
0xbb: {  	v2 =	vadd.f32 v3, v2;
	_ =	sdelay $0x1  }
0xbc: {  	[tilespmem:s8+$0xFFFFFE00] =	vst v2  }
0xbd: {  	v2 =	vld.idx.msk [tilespmem:v4+s3+$0x0], $0xffff  }
0xbe: {  	v3 =	vld.idx.msk [tilespmem:v4+s30+$0x0], $0xffff;
	_ =	sdelay $0x1  }
0xbf: {  	v4 =	vld.idx.msk [tilespmem:v4+s31+$0x0], $0xffff;
	_ =	sdelay $0x3  }
0xc0: {  	v2 =	vmul.f32 v3, v2;
	v3 =	vor.u32 $0x3, v1;
	_ =	sdelay $0x1  }
0xc1: {  	v2 =	vadd.f32 v4, v2;
	_ =	sdelay $0x1  }
0xc2: {  	[tilespmem:s8+$0xFFFFFE80] =	vst v2  }
0xc3: {  	v2 =	vld.idx.msk [tilespmem:v3+s3+$0x0], $0xffff  }
0xc4: {  	v4 =	vld.idx.msk [tilespmem:v3+s30+$0x0], $0xffff;
	_ =	sdelay $0x1  }
0xc5: {  	v3 =	vld.idx.msk [tilespmem:v3+s31+$0x0], $0xffff;
	_ =	sdelay $0x3  }
0xc6: {  	v2 =	vmul.f32 v4, v2;
	v4 =	vor.u32 $0x4, v1;
	_ =	sdelay $0x1  }
0xc7: {  	v2 =	vadd.f32 v3, v2;
	_ =	sdelay $0x1  }
0xc8: {  	[tilespmem:s8+$0xFFFFFF00] =	vst v2  }
0xc9: {  	v2 =	vld.idx.msk [tilespmem:v4+s3+$0x0], $0xffff  }
0xca: {  	v3 =	vld.idx.msk [tilespmem:v4+s30+$0x0], $0xffff;
	_ =	sdelay $0x1  }
0xcb: {  	v4 =	vld.idx.msk [tilespmem:v4+s31+$0x0], $0xffff;
	_ =	sdelay $0x3  }
0xcc: {  	v2 =	vmul.f32 v3, v2;
	v3 =	vor.u32 $0x5, v1;
	_ =	sdelay $0x1  }
0xcd: {  	v2 =	vadd.f32 v4, v2;
	_ =	sdelay $0x1  }
0xce: {  	[tilespmem:s8+$0xFFFFFF80] =	vst v2  }
0xcf: {  	v2 =	vld.idx.msk [tilespmem:v3+s3+$0x0], $0xffff  }
0xd0: {  	v4 =	vld.idx.msk [tilespmem:v3+s30+$0x0], $0xffff  }
0xd1: {  	v3 =	vld.idx.msk [tilespmem:v3+s31+$0x0], $0xffff;
	_ =	sdelay $0x4  }
0xd2: {  	v2 =	vmul.f32 v4, v2;
	v4 =	vor.u32 $0x6, v1;
	_ =	sdelay $0x1  }
0xd3: {  	v2 =	vadd.f32 v3, v2;
	_ =	sdelay $0x1  }
0xd4: {  	[tilespmem:s8+$0x0] =	vst v2  }
0xd5: {  	v2 =	vld.idx.msk [tilespmem:v4+s3+$0x0], $0xffff  }
0xd6: {  	v3 =	vld.idx.msk [tilespmem:v4+s30+$0x0], $0xffff  }
0xd7: {  	v4 =	vld.idx.msk [tilespmem:v4+s31+$0x0], $0xffff;
	_ =	sdelay $0x4  }
0xd8: {  	v2 =	vmul.f32 v3, v2;
	v3 =	vor.u32 $0x7, v1;
	_ =	sdelay $0x1  }
0xd9: {  	v2 =	vadd.f32 v4, v2;
	_ =	sdelay $0x1  }
0xda: {  	[tilespmem:s8+$0x80] =	vst v2  }
0xdb: {  	v2 =	vld.idx.msk [tilespmem:v3+s3+$0x0], $0xffff  }
0xdc: {  	v4 =	vld.idx.msk [tilespmem:v3+s30+$0x0], $0xffff  }
0xdd: {  	v3 =	vld.idx.msk [tilespmem:v3+s31+$0x0], $0xffff;
	_ =	sdelay $0x4  }
0xde: {  	v2 =	vmul.f32 v4, v2;
	v4 =	vor.u32 $0x8, v1;
	_ =	sdelay $0x1  }
0xdf: {  	v2 =	vadd.f32 v3, v2;
	_ =	sdelay $0x1  }
0xe0: {  	[tilespmem:s8+$0x100] =	vst v2  }
0xe1: {  	v2 =	vld.idx.msk [tilespmem:v4+s3+$0x0], $0xffff  }
0xe2: {  	v3 =	vld.idx.msk [tilespmem:v4+s30+$0x0], $0xffff  }
0xe3: {  	v4 =	vld.idx.msk [tilespmem:v4+s31+$0x0], $0xffff;
	_ =	sdelay $0x4  }
.Ltmp4:
0xe4: {  	v1 =	vor.u32 $0x9, v1;
	v2 =	vmul.f32 v3, v2;
	(pc) =	sbr.rel @p0 .LBB2_3-.Ltmp4, $3  }
0xe5: {  	_ = 	snop  }
0xe6: {  	v2 =	vadd.f32 v4, v2;
	_ =	sdelay $0x1  }
0xe7: {  	[tilespmem:s8+$0x180] =	vst v2  }
0xe8: {  	_ =	sdelay $0x3  }
0xe9: {  	v2 =	vld.idx.msk [tilespmem:v1+s30+$0x0], $0xffff  }
0xea: {  	v3 =	vld.idx.msk [tilespmem:v1+s3+$0x0], $0xffff;
	_ =	sdelay $0x1  }
0xeb: {  	v1 =	vld.idx.msk [tilespmem:v1+s31+$0x0], $0xffff;
	_ =	sdelay $0x2  }
0xec: {  	v2 =	vmul.f32 v2, v3;
	_ =	sdelay $0x1  }
0xed: {  	v1 =	vadd.f32 v1, v2  }
0xee: {  	s19 =	sshll.u32 s18, $0x7;
	s1 =	rddreg [dreg:$0x1]  }
0xef: {  	s8 =	simm.s32 $0x6400;
	s1 =	sadd.s32 s1, s19;
	[tilespmem:s20+$0x200] =	vst v1  }
0xf0: {  	[hbm4b:s1+s2] =	stream.linear.scatter [tilespmem:s8], [sflag:$0x3], $0x400, $0x38;
	[tilespmem:$0x6C00] =	vst v63  }
0xf1: {  	_ =	swait.ge [sflag:s16], $0x400  }
0xf2: {  	s17 =	simm.s32 $0x6800;
	[sflag:s16] =	ssyncset.done $0x0;
	s20 =	rddreg [dreg:$0xc]  }
0xf3: {  	s15 =	sadd.s32 s19, s22;
	[sflag:s16] =	ssyncadd.s32 $0xFFFFFC00;
	s1 =	sadd.s32 s20, s0  }
0xf4: {  	[hbm4b:s15+s2] =	stream.linear.scatter [tilespmem:s17], [sflag:$0x3], $0x400, $0x38;
	[tilespmem:$0x6C00] =	vst v63  }
0xf5: {  	p2 =	sgt.u32 s1, $0xF42;
	_ =	swait.ge [sflag:s16], $0x400  }
0xf6: {  	s1 =	sshll.u32 @!p2 s1, $0x4;
	[sflag:s16] =	ssyncset.done $0x0  }
0xf7: {  	s15 =	simm.s32 @!p2 $0x0;
	s8 =	sadd.s32 @!p2 s7, s1;
	[sflag:s16] =	ssyncadd.s32 $0xFFFFFC00  }
0xf8: {  	[tilespmem:s15], [sflag:$0x1] =	stream.linear.gather @!p2 [hbm4b:s8+s15], $0x80, $0x38;
	[tilespmem:$0x6C00] =	vst v63  }
0xf9: {  	s1 =	sadd.s32 @!p2 s9, s1;
	s8 =	simm.s32 @!p2 $0x80  }
0xfa: {  	[tilespmem:s8], [sflag:$0x1] =	stream.linear.gather @!p2 [hbm4b:s1+s15], $0x80, $0x38;
	[tilespmem:$0x6C00] =	vst v63  }
0xfb: {  	s8 =	sor.u32 $0x60, s18  }
0xfc: {  	p0 =	sgt.u32 s8, $0xF42  }
0xfd: {  	s1 =	simm.s32 @!p0 $0x1  }
0xfe: {  	_ =	swait.ge @!p0 [sflag:s1], $0x80  }
0xff: {  	[sflag:s1] =	ssyncset.done @!p0 $0x0  }
0x100: {  	[sflag:s1] =	ssyncadd.s32 @!p0 $0xFFFFFF80  }
0x101: {  	_ =	swait.ge @!p0 [sflag:s1], $0x80  }
0x102: {  	s15 =	simm.s32 @!p0 $0x300;
	[sflag:s1] =	ssyncset.done @!p0 $0x0  }
0x103: {  	s20 =	simm.s32 @!p0 $0x1C00;
	[sflag:s1] =	ssyncadd.s32 @!p0 $0xFFFFFF80;
	s1 =	simm.s32 @!p0 $0x80  }
0x104: {  	[tilespmem:s20], [sflag:$0x2] =	stream.indirect.gather @!p0 [hbm4b:s4+s1], $0x10, s15, s1, $0xb8;
	[tilespmem:$0x6C00] =	vst v63  }
0x105: {  	s15 =	simm.s32 @!p0 $0x380;
	s20 =	simm.s32 @!p0 $0x3C00  }
0x106: {  	[tilespmem:s20], [sflag:$0x2] =	stream.indirect.gather @!p0 [hbm4b:s5+s1], $0x10, s15, s1, $0xb8;
	[tilespmem:$0x6C00] =	vst v63  }
0x107: {  	s20 =	simm.s32 @!p0 $0x5C00  }
0x108: {  	[tilespmem:s20], [sflag:$0x2] =	stream.indirect.gather @!p0 [hbm4b:s6+s1], $0x10, s15, s1, $0xb8;
	[tilespmem:$0x6C00] =	vst v63  }
0x109: {  	_ =	swait.ge [sflag:s14], $0x800  }
0x10a: {  	s21 =	simm.s32 $0x0;
	[sflag:s14] =	ssyncset.done $0x0  }
0x10b: {  	v1 =	vmov s21;
	[sflag:s14] =	ssyncadd.s32 $0xFFFFF800  }
0x10c: {  	v1 =	vshll.u32 v1, $0x4;
	_ =	swait.ge [sflag:s14], $0x800  }
0x10d: {  	v1 =	vor.u32 v0, v1;
	[sflag:s14] =	ssyncset.done $0x0  }
0x10e: {  	[sflag:s14] =	ssyncadd.s32 $0xFFFFF800  }
0x10f: {  	_ =	swait.ge [sflag:s14], $0x800  }
0x110: {  	[sflag:s14] =	ssyncset.done $0x0  }
0x111: {  	[sflag:s14] =	ssyncadd.s32 $0xFFFFF800  }
0x112: {  	v2 =	vld.idx.msk [tilespmem:v1+s25+$0x0], $0xffff  }
0x113: {  	v3 =	vld.idx.msk [tilespmem:v1+s28+$0x0], $0xffff;
	_ =	sdelay $0x1  }
0x114: {  	v4 =	vld.idx.msk [tilespmem:v1+s10+$0x0], $0xffff;
	_ =	sdelay $0x2  }
0x115: {  	v2 =	vmul.f32 v3, v2;
	v3 =	vor.u32 $0x1, v1;
	_ =	sdelay $0x1  }
0x116: {  	v2 =	vadd.f32 v4, v2  }
0x117: {  	s20 =	simm.s32 $0x6680  }
0x118: {  	[tilespmem:s20+$0xFFFFFD80] =	vst v2  }
0x119: {  	v2 =	vld.idx.msk [tilespmem:v3+s25+$0x0], $0xffff  }
0x11a: {  	v56 =	vld.idx.msk [tilespmem:v3+s28+$0x0], $0xffff;
	_ =	sdelay $0x1  }
0x11b: {  	v3 =	vld.idx.msk [tilespmem:v3+s10+$0x0], $0xffff;
	_ =	sdelay $0x2  }
0x11c: {  	v57 =	vor.u32 $0x2, v1;
	v2 =	vmul.f32 v56, v2;
	_ =	sdelay $0x1  }
0x11d: {  	v2 =	vadd.f32 v3, v2;
	_ =	sdelay $0x1  }
0x11e: {  	[tilespmem:s20+$0xFFFFFE00] =	vst v2  }
0x11f: {  	v2 =	vld.idx.msk [tilespmem:v57+s25+$0x0], $0xffff  }
0x120: {  	v3 =	vld.idx.msk [tilespmem:v57+s28+$0x0], $0xffff;
	_ =	sdelay $0x1  }
0x121: {  	v4 =	vld.idx.msk [tilespmem:v57+s10+$0x0], $0xffff;
	_ =	sdelay $0x2  }
0x122: {  	v2 =	vmul.f32 v3, v2;
	v3 =	vor.u32 $0x3, v1;
	_ =	sdelay $0x1  }
0x123: {  	v2 =	vadd.f32 v4, v2;
	_ =	sdelay $0x1  }
0x124: {  	[tilespmem:s20+$0xFFFFFE80] =	vst v2  }
0x125: {  	v2 =	vld.idx.msk [tilespmem:v3+s25+$0x0], $0xffff  }
0x126: {  	v58 =	vld.idx.msk [tilespmem:v3+s28+$0x0], $0xffff;
	_ =	sdelay $0x1  }
0x127: {  	v3 =	vld.idx.msk [tilespmem:v3+s10+$0x0], $0xffff;
	_ =	sdelay $0x2  }
0x128: {  	v59 =	vor.u32 $0x4, v1;
	v2 =	vmul.f32 v58, v2;
	_ =	sdelay $0x1  }
0x129: {  	v2 =	vadd.f32 v3, v2;
	_ =	sdelay $0x1  }
0x12a: {  	[tilespmem:s20+$0xFFFFFF00] =	vst v2  }
0x12b: {  	v2 =	vld.idx.msk [tilespmem:v59+s25+$0x0], $0xffff  }
0x12c: {  	v3 =	vld.idx.msk [tilespmem:v59+s28+$0x0], $0xffff;
	_ =	sdelay $0x1  }
0x12d: {  	v4 =	vld.idx.msk [tilespmem:v59+s10+$0x0], $0xffff;
	_ =	sdelay $0x2  }
0x12e: {  	v2 =	vmul.f32 v3, v2;
	v3 =	vor.u32 $0x5, v1;
	_ =	sdelay $0x1  }
0x12f: {  	v2 =	vadd.f32 v4, v2;
	_ =	sdelay $0x1  }
0x130: {  	[tilespmem:s20+$0xFFFFFF80] =	vst v2  }
0x131: {  	v2 =	vld.idx.msk [tilespmem:v3+s25+$0x0], $0xffff  }
0x132: {  	v60 =	vld.idx.msk [tilespmem:v3+s28+$0x0], $0xffff;
	_ =	sdelay $0x1  }
0x133: {  	v3 =	vld.idx.msk [tilespmem:v3+s10+$0x0], $0xffff;
	_ =	sdelay $0x2  }
0x134: {  	v61 =	vor.u32 $0x6, v1;
	v2 =	vmul.f32 v60, v2;
	_ =	sdelay $0x1  }
0x135: {  	v2 =	vadd.f32 v3, v2;
	_ =	sdelay $0x1  }
0x136: {  	[tilespmem:s20+$0x0] =	vst v2  }
0x137: {  	v2 =	vld.idx.msk [tilespmem:v61+s25+$0x0], $0xffff  }
0x138: {  	v3 =	vld.idx.msk [tilespmem:v61+s28+$0x0], $0xffff;
	_ =	sdelay $0x1  }
0x139: {  	v4 =	vld.idx.msk [tilespmem:v61+s10+$0x0], $0xffff;
	_ =	sdelay $0x2  }
0x13a: {  	v2 =	vmul.f32 v3, v2;
	v3 =	vor.u32 $0x7, v1;
	_ =	sdelay $0x1  }
0x13b: {  	v2 =	vadd.f32 v4, v2;
	_ =	sdelay $0x1  }
0x13c: {  	[tilespmem:s20+$0x80] =	vst v2  }
0x13d: {  	v2 =	vld.idx.msk [tilespmem:v3+s25+$0x0], $0xffff  }
0x13e: {  	v62 =	vld.idx.msk [tilespmem:v3+s28+$0x0], $0xffff;
	_ =	sdelay $0x1  }
0x13f: {  	v3 =	vld.idx.msk [tilespmem:v3+s10+$0x0], $0xffff;
	_ =	sdelay $0x2  }
0x140: {  	v63 =	vor.u32 $0x8, v1;
	v2 =	vmul.f32 v62, v2;
	_ =	sdelay $0x1  }
0x141: {  	v2 =	vadd.f32 v3, v2;
	_ =	sdelay $0x1  }
0x142: {  	[tilespmem:s20+$0x100] =	vst v2  }
0x143: {  	v2 =	vld.idx.msk [tilespmem:v63+s25+$0x0], $0xffff  }
0x144: {  	v3 =	vld.idx.msk [tilespmem:v63+s28+$0x0], $0xffff;
	_ =	sdelay $0x1  }
0x145: {  	v4 =	vld.idx.msk [tilespmem:v63+s10+$0x0], $0xffff;
	_ =	sdelay $0x2  }
0x146: {  	v2 =	vmul.f32 v3, v2  }
0x147: {  	v1 =	vor.u32 $0x9, v1  }
0x148: {  	v2 =	vadd.f32 v4, v2;
	_ =	sdelay $0x1  }
0x149: {  	s21 =	simm.s32 $0x6680;
	s1 =	simm.s32 $0x10;
	[tilespmem:s20+$0x180] =	vst v2  }
.LBB2_5:
0x14a: {  	p1 =	sne.s32 s1, $0x70  }
0x14b: {  	v2 =	vld.idx.msk [tilespmem:v1+s28+$0x0], $0xffff;
	s20 =	sadd.s32 $0x10, s20;
	s15 =	smov.u32 s1;
	s1 =	sadd.s32 $0x10, s1  }
0x14c: {  	v3 =	vld.idx.msk [tilespmem:v1+s25+$0x0], $0xffff  }
0x14d: {  	v4 =	vld.idx.msk [tilespmem:v1+s10+$0x0], $0xffff;
	_ =	sdelay $0x1  }
0x14e: {  	v1 =	vmov s15  }
0x14f: {  	v1 =	vshll.u32 v1, $0x4  }
0x150: {  	v1 =	vor.u32 v0, v1  }
0x151: {  	v2 =	vmul.f32 v2, v3;
	_ =	sdelay $0x1  }
0x152: {  	v2 =	vadd.f32 v4, v2;
	_ =	sdelay $0x1  }
0x153: {  	[tilespmem:s21+$0x200] =	vst v2;
	s21 =	smov.u32 s20  }
0x154: {  	v2 =	vld.idx.msk [tilespmem:v1+s25+$0x0], $0xffff  }
0x155: {  	v3 =	vld.idx.msk [tilespmem:v1+s28+$0x0], $0xffff  }
0x156: {  	v4 =	vld.idx.msk [tilespmem:v1+s10+$0x0], $0xffff;
	_ =	sdelay $0x4  }
0x157: {  	v2 =	vmul.f32 v3, v2;
	v3 =	vor.u32 $0x1, v1;
	_ =	sdelay $0x1  }
0x158: {  	v2 =	vadd.f32 v4, v2;
	_ =	sdelay $0x1  }
0x159: {  	[tilespmem:s20+$0xFFFFFD80] =	vst v2  }
0x15a: {  	v2 =	vld.idx.msk [tilespmem:v3+s25+$0x0], $0xffff  }
0x15b: {  	v4 =	vld.idx.msk [tilespmem:v3+s28+$0x0], $0xffff;
	_ =	sdelay $0x1  }
0x15c: {  	v3 =	vld.idx.msk [tilespmem:v3+s10+$0x0], $0xffff;
	_ =	sdelay $0x3  }
0x15d: {  	v2 =	vmul.f32 v4, v2;
	v4 =	vor.u32 $0x2, v1;
	_ =	sdelay $0x1  }
0x15e: {  	v2 =	vadd.f32 v3, v2;
	_ =	sdelay $0x1  }
0x15f: {  	[tilespmem:s20+$0xFFFFFE00] =	vst v2  }
0x160: {  	v2 =	vld.idx.msk [tilespmem:v4+s25+$0x0], $0xffff  }
0x161: {  	v3 =	vld.idx.msk [tilespmem:v4+s28+$0x0], $0xffff;
	_ =	sdelay $0x1  }
0x162: {  	v4 =	vld.idx.msk [tilespmem:v4+s10+$0x0], $0xffff;
	_ =	sdelay $0x3  }
0x163: {  	v2 =	vmul.f32 v3, v2;
	v3 =	vor.u32 $0x3, v1;
	_ =	sdelay $0x1  }
0x164: {  	v2 =	vadd.f32 v4, v2;
	_ =	sdelay $0x1  }
0x165: {  	[tilespmem:s20+$0xFFFFFE80] =	vst v2  }
0x166: {  	v2 =	vld.idx.msk [tilespmem:v3+s25+$0x0], $0xffff  }
0x167: {  	v4 =	vld.idx.msk [tilespmem:v3+s28+$0x0], $0xffff;
	_ =	sdelay $0x1  }
0x168: {  	v3 =	vld.idx.msk [tilespmem:v3+s10+$0x0], $0xffff;
	_ =	sdelay $0x3  }
0x169: {  	v2 =	vmul.f32 v4, v2;
	v4 =	vor.u32 $0x4, v1;
	_ =	sdelay $0x1  }
0x16a: {  	v2 =	vadd.f32 v3, v2;
	_ =	sdelay $0x1  }
0x16b: {  	[tilespmem:s20+$0xFFFFFF00] =	vst v2  }
0x16c: {  	v2 =	vld.idx.msk [tilespmem:v4+s25+$0x0], $0xffff  }
0x16d: {  	v3 =	vld.idx.msk [tilespmem:v4+s28+$0x0], $0xffff;
	_ =	sdelay $0x1  }
0x16e: {  	v4 =	vld.idx.msk [tilespmem:v4+s10+$0x0], $0xffff;
	_ =	sdelay $0x3  }
0x16f: {  	v2 =	vmul.f32 v3, v2;
	v3 =	vor.u32 $0x5, v1;
	_ =	sdelay $0x1  }
0x170: {  	v2 =	vadd.f32 v4, v2;
	_ =	sdelay $0x1  }
0x171: {  	[tilespmem:s20+$0xFFFFFF80] =	vst v2  }
0x172: {  	v2 =	vld.idx.msk [tilespmem:v3+s25+$0x0], $0xffff  }
0x173: {  	v4 =	vld.idx.msk [tilespmem:v3+s28+$0x0], $0xffff  }
0x174: {  	v3 =	vld.idx.msk [tilespmem:v3+s10+$0x0], $0xffff;
	_ =	sdelay $0x4  }
0x175: {  	v2 =	vmul.f32 v4, v2;
	v4 =	vor.u32 $0x6, v1;
	_ =	sdelay $0x1  }
0x176: {  	v2 =	vadd.f32 v3, v2;
	_ =	sdelay $0x1  }
0x177: {  	[tilespmem:s20+$0x0] =	vst v2  }
0x178: {  	v2 =	vld.idx.msk [tilespmem:v4+s25+$0x0], $0xffff  }
0x179: {  	v3 =	vld.idx.msk [tilespmem:v4+s28+$0x0], $0xffff  }
0x17a: {  	v4 =	vld.idx.msk [tilespmem:v4+s10+$0x0], $0xffff;
	_ =	sdelay $0x4  }
0x17b: {  	v2 =	vmul.f32 v3, v2;
	v3 =	vor.u32 $0x7, v1;
	_ =	sdelay $0x1  }
0x17c: {  	v2 =	vadd.f32 v4, v2;
	_ =	sdelay $0x1  }
0x17d: {  	[tilespmem:s20+$0x80] =	vst v2  }
0x17e: {  	v2 =	vld.idx.msk [tilespmem:v3+s25+$0x0], $0xffff  }
0x17f: {  	v4 =	vld.idx.msk [tilespmem:v3+s28+$0x0], $0xffff  }
0x180: {  	v3 =	vld.idx.msk [tilespmem:v3+s10+$0x0], $0xffff;
	_ =	sdelay $0x4  }
0x181: {  	v2 =	vmul.f32 v4, v2;
	v4 =	vor.u32 $0x8, v1;
	_ =	sdelay $0x1  }
0x182: {  	v2 =	vadd.f32 v3, v2;
	_ =	sdelay $0x1  }
0x183: {  	[tilespmem:s20+$0x100] =	vst v2  }
0x184: {  	v2 =	vld.idx.msk [tilespmem:v4+s25+$0x0], $0xffff  }
0x185: {  	v3 =	vld.idx.msk [tilespmem:v4+s28+$0x0], $0xffff  }
0x186: {  	v4 =	vld.idx.msk [tilespmem:v4+s10+$0x0], $0xffff;
	_ =	sdelay $0x4  }
.Ltmp5:
0x187: {  	v1 =	vor.u32 $0x9, v1;
	v2 =	vmul.f32 v3, v2;
	(pc) =	sbr.rel @p1 .LBB2_5-.Ltmp5, $3  }
0x188: {  	_ = 	snop  }
0x189: {  	v2 =	vadd.f32 v4, v2;
	_ =	sdelay $0x1  }
0x18a: {  	[tilespmem:s20+$0x180] =	vst v2  }
0x18b: {  	_ =	sdelay $0x3  }
0x18c: {  	v2 =	vld.idx.msk [tilespmem:v1+s28+$0x0], $0xffff  }
0x18d: {  	v3 =	vld.idx.msk [tilespmem:v1+s25+$0x0], $0xffff;
	_ =	sdelay $0x1  }
0x18e: {  	v1 =	vld.idx.msk [tilespmem:v1+s10+$0x0], $0xffff;
	_ =	sdelay $0x2  }
0x18f: {  	v2 =	vmul.f32 v2, v3;
	_ =	sdelay $0x1  }
0x190: {  	v1 =	vadd.f32 v1, v2  }
0x191: {  	s1 =	sor.u32 $0x1000, s19;
	s15 =	rddreg [dreg:$0x1]  }
0x192: {  	s17 =	simm.s32 $0x6400;
	s15 =	sadd.s32 s15, s1;
	[tilespmem:s21+$0x200] =	vst v1  }
0x193: {  	[hbm4b:s15+s2] =	stream.linear.scatter [tilespmem:s17], [sflag:$0x3], $0x400, $0x38;
	[tilespmem:$0x6C00] =	vst v63  }
0x194: {  	_ =	swait.ge [sflag:s16], $0x400  }
0x195: {  	[sflag:s16] =	ssyncset.done $0x0  }
0x196: {  	s20 =	simm.s32 $0x6800;
	s1 =	sadd.s32 s1, s22;
	[sflag:s16] =	ssyncadd.s32 $0xFFFFFC00  }
0x197: {  	[hbm4b:s1+s2] =	stream.linear.scatter [tilespmem:s20], [sflag:$0x3], $0x400, $0x38;
	[tilespmem:$0x6C00] =	vst v63  }
0x198: {  	_ =	swait.ge [sflag:s16], $0x400  }
0x199: {  	s21 =	rddreg [dreg:$0xd]  }
0x19a: {  	s1 =	sadd.s32 s21, s0  }
0x19b: {  	[sflag:s16] =	ssyncset.done $0x0;
	p1 =	sgt.u32 s1, $0xF42  }
0x19c: {  	[sflag:s16] =	ssyncadd.s32 $0xFFFFFC00;
	s1 =	sshll.u32 @!p1 s1, $0x4  }
0x19d: {  	s21 =	simm.s32 @!p1 $0x0;
	s20 =	simm.s32 @!p1 $0x100;
	s15 =	sadd.s32 @!p1 s7, s1  }
0x19e: {  	[tilespmem:s20], [sflag:$0x1] =	stream.linear.gather @!p1 [hbm4b:s15+s21], $0x80, $0x38;
	[tilespmem:$0x6C00] =	vst v63  }
0x19f: {  	s19 =	simm.s32 @!p1 $0x180;
	s1 =	sadd.s32 @!p1 s9, s1  }
0x1a0: {  	[tilespmem:s19], [sflag:$0x1] =	stream.linear.gather @!p1 [hbm4b:s1+s21], $0x80, $0x38;
	[tilespmem:$0x6C00] =	vst v63  }
0x1a1: {  	s1 =	simm.s32 @!p2 $0x1  }
0x1a2: {  	_ =	swait.ge @!p2 [sflag:s1], $0x80  }
0x1a3: {  	[sflag:s1] =	ssyncset.done @!p2 $0x0  }
0x1a4: {  	[sflag:s1] =	ssyncadd.s32 @!p2 $0xFFFFFF80  }
0x1a5: {  	_ =	swait.ge @!p2 [sflag:s1], $0x80  }
0x1a6: {  	s15 =	simm.s32 @!p2 $0x0;
	[sflag:s1] =	ssyncset.done @!p2 $0x0  }
0x1a7: {  	s21 =	simm.s32 @!p2 $0x400;
	[sflag:s1] =	ssyncadd.s32 @!p2 $0xFFFFFF80;
	s1 =	simm.s32 @!p2 $0x80  }
0x1a8: {  	[tilespmem:s21], [sflag:$0x2] =	stream.indirect.gather @!p2 [hbm4b:s4+s1], $0x10, s15, s1, $0xb8;
	[tilespmem:$0x6C00] =	vst v63  }
0x1a9: {  	s15 =	simm.s32 @!p2 $0x2400  }
0x1aa: {  	[tilespmem:s15], [sflag:$0x2] =	stream.indirect.gather @!p2 [hbm4b:s5+s1], $0x10, s1, s1, $0xb8;
	[tilespmem:$0x6C00] =	vst v63  }
0x1ab: {  	s18 =	sor.u32 $0x40, s18;
	s15 =	simm.s32 @!p2 $0x4400  }
0x1ac: {  	[tilespmem:s15], [sflag:$0x2] =	stream.indirect.gather @!p2 [hbm4b:s6+s1], $0x10, s1, s1, $0xb8;
	[tilespmem:$0x6C00] =	vst v63  }
0x1ad: {  	p2 =	sgt.u32 s18, $0xF42  }
.Ltmp6:
0x1ae: {  	_ = 	snop;
	(pc) =	sbr.rel @p2 .LBB2_10-.Ltmp6, $1  }
0x1af: {  	_ =	sdelay $0x3  }
0x1b0: {  	_ =	swait.ge [sflag:s14], $0x800  }
0x1b1: {  	s1 =	simm.s32 $0x0;
	[sflag:s14] =	ssyncset.done $0x0  }
0x1b2: {  	v1 =	vmov s1;
	[sflag:s14] =	ssyncadd.s32 $0xFFFFF800  }
0x1b3: {  	v1 =	vshll.u32 v1, $0x4;
	_ =	swait.ge [sflag:s14], $0x800  }
0x1b4: {  	v1 =	vor.u32 v0, v1;
	[sflag:s14] =	ssyncset.done $0x0  }
0x1b5: {  	[sflag:s14] =	ssyncadd.s32 $0xFFFFF800  }
0x1b6: {  	_ =	swait.ge [sflag:s14], $0x800  }
0x1b7: {  	[sflag:s14] =	ssyncset.done $0x0  }
0x1b8: {  	[sflag:s14] =	ssyncadd.s32 $0xFFFFF800  }
0x1b9: {  	v2 =	vld.idx.msk [tilespmem:v1+s11+$0x0], $0xffff  }
0x1ba: {  	v3 =	vld.idx.msk [tilespmem:v1+s12+$0x0], $0xffff;
	_ =	sdelay $0x1  }
0x1bb: {  	v4 =	vld.idx.msk [tilespmem:v1+s13+$0x0], $0xffff;
	_ =	sdelay $0x2  }
0x1bc: {  	v2 =	vmul.f32 v3, v2;
	v3 =	vor.u32 $0x1, v1;
	_ =	sdelay $0x1  }
0x1bd: {  	v2 =	vadd.f32 v4, v2  }
0x1be: {  	s21 =	simm.s32 $0x6680  }
0x1bf: {  	[tilespmem:s21+$0xFFFFFD80] =	vst v2  }
0x1c0: {  	v2 =	vld.idx.msk [tilespmem:v3+s11+$0x0], $0xffff  }
0x1c1: {  	v56 =	vld.idx.msk [tilespmem:v3+s12+$0x0], $0xffff;
	_ =	sdelay $0x1  }
0x1c2: {  	v3 =	vld.idx.msk [tilespmem:v3+s13+$0x0], $0xffff;
	_ =	sdelay $0x2  }
0x1c3: {  	v57 =	vor.u32 $0x2, v1;
	v2 =	vmul.f32 v56, v2;
	_ =	sdelay $0x1  }
0x1c4: {  	v2 =	vadd.f32 v3, v2;
	_ =	sdelay $0x1  }
0x1c5: {  	[tilespmem:s21+$0xFFFFFE00] =	vst v2  }
0x1c6: {  	v2 =	vld.idx.msk [tilespmem:v57+s11+$0x0], $0xffff  }
0x1c7: {  	v3 =	vld.idx.msk [tilespmem:v57+s12+$0x0], $0xffff;
	_ =	sdelay $0x1  }
0x1c8: {  	v4 =	vld.idx.msk [tilespmem:v57+s13+$0x0], $0xffff;
	_ =	sdelay $0x2  }
0x1c9: {  	v2 =	vmul.f32 v3, v2;
	v3 =	vor.u32 $0x3, v1;
	_ =	sdelay $0x1  }
0x1ca: {  	v2 =	vadd.f32 v4, v2;
	_ =	sdelay $0x1  }
0x1cb: {  	[tilespmem:s21+$0xFFFFFE80] =	vst v2  }
0x1cc: {  	v2 =	vld.idx.msk [tilespmem:v3+s11+$0x0], $0xffff  }
0x1cd: {  	v58 =	vld.idx.msk [tilespmem:v3+s12+$0x0], $0xffff;
	_ =	sdelay $0x1  }
0x1ce: {  	v3 =	vld.idx.msk [tilespmem:v3+s13+$0x0], $0xffff;
	_ =	sdelay $0x2  }
0x1cf: {  	v59 =	vor.u32 $0x4, v1;
	v2 =	vmul.f32 v58, v2;
	_ =	sdelay $0x1  }
0x1d0: {  	v2 =	vadd.f32 v3, v2;
	_ =	sdelay $0x1  }
0x1d1: {  	[tilespmem:s21+$0xFFFFFF00] =	vst v2  }
0x1d2: {  	v2 =	vld.idx.msk [tilespmem:v59+s11+$0x0], $0xffff  }
0x1d3: {  	v3 =	vld.idx.msk [tilespmem:v59+s12+$0x0], $0xffff;
	_ =	sdelay $0x1  }
0x1d4: {  	v4 =	vld.idx.msk [tilespmem:v59+s13+$0x0], $0xffff;
	_ =	sdelay $0x2  }
0x1d5: {  	v2 =	vmul.f32 v3, v2;
	v3 =	vor.u32 $0x5, v1;
	_ =	sdelay $0x1  }
0x1d6: {  	v2 =	vadd.f32 v4, v2;
	_ =	sdelay $0x1  }
0x1d7: {  	[tilespmem:s21+$0xFFFFFF80] =	vst v2  }
0x1d8: {  	v2 =	vld.idx.msk [tilespmem:v3+s11+$0x0], $0xffff  }
0x1d9: {  	v60 =	vld.idx.msk [tilespmem:v3+s12+$0x0], $0xffff;
	_ =	sdelay $0x1  }
0x1da: {  	v3 =	vld.idx.msk [tilespmem:v3+s13+$0x0], $0xffff;
	_ =	sdelay $0x2  }
0x1db: {  	v61 =	vor.u32 $0x6, v1;
	v2 =	vmul.f32 v60, v2;
	_ =	sdelay $0x1  }
0x1dc: {  	v2 =	vadd.f32 v3, v2;
	_ =	sdelay $0x1  }
0x1dd: {  	[tilespmem:s21+$0x0] =	vst v2  }
0x1de: {  	v2 =	vld.idx.msk [tilespmem:v61+s11+$0x0], $0xffff  }
0x1df: {  	v3 =	vld.idx.msk [tilespmem:v61+s12+$0x0], $0xffff;
	_ =	sdelay $0x1  }
0x1e0: {  	v4 =	vld.idx.msk [tilespmem:v61+s13+$0x0], $0xffff;
	_ =	sdelay $0x2  }
0x1e1: {  	v2 =	vmul.f32 v3, v2;
	v3 =	vor.u32 $0x7, v1;
	_ =	sdelay $0x1  }
0x1e2: {  	v2 =	vadd.f32 v4, v2;
	_ =	sdelay $0x1  }
0x1e3: {  	[tilespmem:s21+$0x80] =	vst v2  }
0x1e4: {  	v2 =	vld.idx.msk [tilespmem:v3+s11+$0x0], $0xffff  }
0x1e5: {  	v62 =	vld.idx.msk [tilespmem:v3+s12+$0x0], $0xffff;
	_ =	sdelay $0x1  }
0x1e6: {  	v3 =	vld.idx.msk [tilespmem:v3+s13+$0x0], $0xffff;
	_ =	sdelay $0x2  }
0x1e7: {  	v63 =	vor.u32 $0x8, v1;
	v2 =	vmul.f32 v62, v2;
	_ =	sdelay $0x1  }
0x1e8: {  	v2 =	vadd.f32 v3, v2;
	_ =	sdelay $0x1  }
0x1e9: {  	[tilespmem:s21+$0x100] =	vst v2  }
0x1ea: {  	v2 =	vld.idx.msk [tilespmem:v63+s11+$0x0], $0xffff  }
0x1eb: {  	v3 =	vld.idx.msk [tilespmem:v63+s12+$0x0], $0xffff;
	_ =	sdelay $0x1  }
0x1ec: {  	v4 =	vld.idx.msk [tilespmem:v63+s13+$0x0], $0xffff;
	_ =	sdelay $0x2  }
0x1ed: {  	v2 =	vmul.f32 v3, v2  }
0x1ee: {  	v1 =	vor.u32 $0x9, v1  }
0x1ef: {  	v2 =	vadd.f32 v4, v2;
	_ =	sdelay $0x1  }
0x1f0: {  	s15 =	simm.s32 $0x10;
	s1 =	simm.s32 $0x6680;
	[tilespmem:s21+$0x180] =	vst v2  }
.LBB2_8:
0x1f1: {  	p2 =	sne.s32 s15, $0x70  }
0x1f2: {  	v2 =	vld.idx.msk [tilespmem:v1+s12+$0x0], $0xffff;
	s21 =	sadd.s32 $0x10, s21;
	s17 =	smov.u32 s15;
	s15 =	sadd.s32 $0x10, s15  }
0x1f3: {  	v3 =	vld.idx.msk [tilespmem:v1+s11+$0x0], $0xffff  }
0x1f4: {  	v4 =	vld.idx.msk [tilespmem:v1+s13+$0x0], $0xffff;
	_ =	sdelay $0x1  }
0x1f5: {  	v1 =	vmov s17  }
0x1f6: {  	v1 =	vshll.u32 v1, $0x4  }
0x1f7: {  	v1 =	vor.u32 v0, v1  }
0x1f8: {  	v2 =	vmul.f32 v2, v3;
	_ =	sdelay $0x1  }
0x1f9: {  	v2 =	vadd.f32 v4, v2;
	_ =	sdelay $0x1  }
0x1fa: {  	[tilespmem:s1+$0x200] =	vst v2;
	s1 =	smov.u32 s21  }
0x1fb: {  	v2 =	vld.idx.msk [tilespmem:v1+s11+$0x0], $0xffff  }
0x1fc: {  	v3 =	vld.idx.msk [tilespmem:v1+s12+$0x0], $0xffff  }
0x1fd: {  	v4 =	vld.idx.msk [tilespmem:v1+s13+$0x0], $0xffff;
	_ =	sdelay $0x4  }
0x1fe: {  	v2 =	vmul.f32 v3, v2;
	v3 =	vor.u32 $0x1, v1;
	_ =	sdelay $0x1  }
0x1ff: {  	v2 =	vadd.f32 v4, v2;
	_ =	sdelay $0x1  }
0x200: {  	[tilespmem:s21+$0xFFFFFD80] =	vst v2  }
0x201: {  	v2 =	vld.idx.msk [tilespmem:v3+s11+$0x0], $0xffff  }
0x202: {  	v4 =	vld.idx.msk [tilespmem:v3+s12+$0x0], $0xffff;
	_ =	sdelay $0x1  }
0x203: {  	v3 =	vld.idx.msk [tilespmem:v3+s13+$0x0], $0xffff;
	_ =	sdelay $0x3  }
0x204: {  	v2 =	vmul.f32 v4, v2;
	v4 =	vor.u32 $0x2, v1;
	_ =	sdelay $0x1  }
0x205: {  	v2 =	vadd.f32 v3, v2;
	_ =	sdelay $0x1  }
0x206: {  	[tilespmem:s21+$0xFFFFFE00] =	vst v2  }
0x207: {  	v2 =	vld.idx.msk [tilespmem:v4+s11+$0x0], $0xffff  }
0x208: {  	v3 =	vld.idx.msk [tilespmem:v4+s12+$0x0], $0xffff;
	_ =	sdelay $0x1  }
0x209: {  	v4 =	vld.idx.msk [tilespmem:v4+s13+$0x0], $0xffff;
	_ =	sdelay $0x3  }
0x20a: {  	v2 =	vmul.f32 v3, v2;
	v3 =	vor.u32 $0x3, v1;
	_ =	sdelay $0x1  }
0x20b: {  	v2 =	vadd.f32 v4, v2;
	_ =	sdelay $0x1  }
0x20c: {  	[tilespmem:s21+$0xFFFFFE80] =	vst v2  }
0x20d: {  	v2 =	vld.idx.msk [tilespmem:v3+s11+$0x0], $0xffff  }
0x20e: {  	v4 =	vld.idx.msk [tilespmem:v3+s12+$0x0], $0xffff;
	_ =	sdelay $0x1  }
0x20f: {  	v3 =	vld.idx.msk [tilespmem:v3+s13+$0x0], $0xffff;
	_ =	sdelay $0x3  }
0x210: {  	v2 =	vmul.f32 v4, v2;
	v4 =	vor.u32 $0x4, v1;
	_ =	sdelay $0x1  }
0x211: {  	v2 =	vadd.f32 v3, v2;
	_ =	sdelay $0x1  }
0x212: {  	[tilespmem:s21+$0xFFFFFF00] =	vst v2  }
0x213: {  	v2 =	vld.idx.msk [tilespmem:v4+s11+$0x0], $0xffff  }
0x214: {  	v3 =	vld.idx.msk [tilespmem:v4+s12+$0x0], $0xffff;
	_ =	sdelay $0x1  }
0x215: {  	v4 =	vld.idx.msk [tilespmem:v4+s13+$0x0], $0xffff;
	_ =	sdelay $0x3  }
0x216: {  	v2 =	vmul.f32 v3, v2;
	v3 =	vor.u32 $0x5, v1;
	_ =	sdelay $0x1  }
0x217: {  	v2 =	vadd.f32 v4, v2;
	_ =	sdelay $0x1  }
0x218: {  	[tilespmem:s21+$0xFFFFFF80] =	vst v2  }
0x219: {  	v2 =	vld.idx.msk [tilespmem:v3+s11+$0x0], $0xffff  }
0x21a: {  	v4 =	vld.idx.msk [tilespmem:v3+s12+$0x0], $0xffff  }
0x21b: {  	v3 =	vld.idx.msk [tilespmem:v3+s13+$0x0], $0xffff;
	_ =	sdelay $0x4  }
0x21c: {  	v2 =	vmul.f32 v4, v2;
	v4 =	vor.u32 $0x6, v1;
	_ =	sdelay $0x1  }
0x21d: {  	v2 =	vadd.f32 v3, v2;
	_ =	sdelay $0x1  }
0x21e: {  	[tilespmem:s21+$0x0] =	vst v2  }
0x21f: {  	v2 =	vld.idx.msk [tilespmem:v4+s11+$0x0], $0xffff  }
0x220: {  	v3 =	vld.idx.msk [tilespmem:v4+s12+$0x0], $0xffff  }
0x221: {  	v4 =	vld.idx.msk [tilespmem:v4+s13+$0x0], $0xffff;
	_ =	sdelay $0x4  }
0x222: {  	v2 =	vmul.f32 v3, v2;
	v3 =	vor.u32 $0x7, v1;
	_ =	sdelay $0x1  }
0x223: {  	v2 =	vadd.f32 v4, v2;
	_ =	sdelay $0x1  }
0x224: {  	[tilespmem:s21+$0x80] =	vst v2  }
0x225: {  	v2 =	vld.idx.msk [tilespmem:v3+s11+$0x0], $0xffff  }
0x226: {  	v4 =	vld.idx.msk [tilespmem:v3+s12+$0x0], $0xffff  }
0x227: {  	v3 =	vld.idx.msk [tilespmem:v3+s13+$0x0], $0xffff;
	_ =	sdelay $0x4  }
0x228: {  	v2 =	vmul.f32 v4, v2;
	v4 =	vor.u32 $0x8, v1;
	_ =	sdelay $0x1  }
0x229: {  	v2 =	vadd.f32 v3, v2;
	_ =	sdelay $0x1  }
0x22a: {  	[tilespmem:s21+$0x100] =	vst v2  }
0x22b: {  	v2 =	vld.idx.msk [tilespmem:v4+s11+$0x0], $0xffff  }
0x22c: {  	v3 =	vld.idx.msk [tilespmem:v4+s12+$0x0], $0xffff  }
0x22d: {  	v4 =	vld.idx.msk [tilespmem:v4+s13+$0x0], $0xffff;
	_ =	sdelay $0x4  }
.Ltmp7:
0x22e: {  	v1 =	vor.u32 $0x9, v1;
	v2 =	vmul.f32 v3, v2;
	(pc) =	sbr.rel @p2 .LBB2_8-.Ltmp7, $3  }
0x22f: {  	_ = 	snop  }
0x230: {  	v2 =	vadd.f32 v4, v2;
	_ =	sdelay $0x1  }
0x231: {  	[tilespmem:s21+$0x180] =	vst v2  }
0x232: {  	_ =	sdelay $0x3  }
0x233: {  	v2 =	vld.idx.msk [tilespmem:v1+s12+$0x0], $0xffff  }
0x234: {  	v3 =	vld.idx.msk [tilespmem:v1+s11+$0x0], $0xffff;
	_ =	sdelay $0x1  }
0x235: {  	v1 =	vld.idx.msk [tilespmem:v1+s13+$0x0], $0xffff;
	_ =	sdelay $0x2  }
0x236: {  	v2 =	vmul.f32 v2, v3;
	_ =	sdelay $0x1  }
0x237: {  	v1 =	vadd.f32 v1, v2  }
0x238: {  	s15 =	sshll.u32 s18, $0x7;
	s17 =	rddreg [dreg:$0x1]  }
0x239: {  	[tilespmem:s1+$0x200] =	vst v1;
	s1 =	sadd.s32 s17, s15;
	s17 =	simm.s32 $0x6400  }
0x23a: {  	[hbm4b:s1+s2] =	stream.linear.scatter [tilespmem:s17], [sflag:$0x3], $0x400, $0x38;
	[tilespmem:$0x6C00] =	vst v63  }
0x23b: {  	_ =	swait.ge [sflag:s16], $0x400  }
0x23c: {  	[sflag:s16] =	ssyncset.done $0x0  }
0x23d: {  	s21 =	simm.s32 $0x6800;
	s18 =	sadd.s32 s15, s22;
	[sflag:s16] =	ssyncadd.s32 $0xFFFFFC00  }
0x23e: {  	[hbm4b:s18+s2] =	stream.linear.scatter [tilespmem:s21], [sflag:$0x3], $0x400, $0x38;
	[tilespmem:$0x6C00] =	vst v63  }
0x23f: {  	_ =	swait.ge [sflag:s16], $0x400  }
0x240: {  	[sflag:s16] =	ssyncset.done $0x0  }
0x241: {  	[sflag:s16] =	ssyncadd.s32 $0xFFFFFC00  }
.LBB2_10:
0x242: {  	s1 =	rddreg [dreg:$0xe]  }
0x243: {  	s1 =	sadd.s32 s1, s0  }
0x244: {  	p2 =	sgt.u32 s1, $0xF42  }
0x245: {  	s1 =	sshll.u32 @!p2 s1, $0x4  }
0x246: {  	s17 =	simm.s32 @!p2 $0x0;
	s21 =	simm.s32 @!p2 $0x200;
	s15 =	sadd.s32 @!p2 s7, s1  }
0x247: {  	[tilespmem:s21], [sflag:$0x1] =	stream.linear.gather @!p2 [hbm4b:s15+s17], $0x80, $0x38;
	[tilespmem:$0x6C00] =	vst v63  }
0x248: {  	s18 =	simm.s32 @!p2 $0x280;
	s1 =	sadd.s32 @!p2 s9, s1  }
0x249: {  	[tilespmem:s18], [sflag:$0x1] =	stream.linear.gather @!p2 [hbm4b:s1+s17], $0x80, $0x38;
	[tilespmem:$0x6C00] =	vst v63  }
0x24a: {  	s1 =	simm.s32 @!p1 $0x1  }
0x24b: {  	_ =	swait.ge @!p1 [sflag:s1], $0x80  }
0x24c: {  	[sflag:s1] =	ssyncset.done @!p1 $0x0  }
0x24d: {  	[sflag:s1] =	ssyncadd.s32 @!p1 $0xFFFFFF80  }
0x24e: {  	_ =	swait.ge @!p1 [sflag:s1], $0x80  }
0x24f: {  	[sflag:s1] =	ssyncset.done @!p1 $0x0  }
0x250: {  	s15 =	simm.s32 @!p1 $0xC00;
	[sflag:s1] =	ssyncadd.s32 @!p1 $0xFFFFFF80;
	s1 =	simm.s32 @!p1 $0x80  }
0x251: {  	[tilespmem:s15], [sflag:$0x2] =	stream.indirect.gather @!p1 [hbm4b:s4+s1], $0x10, s20, s1, $0xb8;
	[tilespmem:$0x6C00] =	vst v63  }
.Ltmp8:
0x252: {  	_ = 	snop;
	(pc) =	sbr.rel @p0 .LBB2_14-.Ltmp8, $4  }
0x253: {  	s15 =	simm.s32 @!p1 $0x2C00  }
0x254: {  	[tilespmem:s15], [sflag:$0x2] =	stream.indirect.gather @!p1 [hbm4b:s5+s1], $0x10, s19, s1, $0xb8;
	[tilespmem:$0x6C00] =	vst v63  }
0x255: {  	s15 =	simm.s32 @!p1 $0x4C00  }
0x256: {  	[tilespmem:s15], [sflag:$0x2] =	stream.indirect.gather @!p1 [hbm4b:s6+s1], $0x10, s19, s1, $0xb8;
	[tilespmem:$0x6C00] =	vst v63  }
0x257: {  	_ =	swait.ge [sflag:s14], $0x800  }
0x258: {  	s1 =	simm.s32 $0x0;
	[sflag:s14] =	ssyncset.done $0x0  }
0x259: {  	v1 =	vmov s1;
	[sflag:s14] =	ssyncadd.s32 $0xFFFFF800  }
0x25a: {  	v1 =	vshll.u32 v1, $0x4;
	_ =	swait.ge [sflag:s14], $0x800  }
0x25b: {  	v1 =	vor.u32 v0, v1;
	[sflag:s14] =	ssyncset.done $0x0  }
0x25c: {  	[sflag:s14] =	ssyncadd.s32 $0xFFFFF800  }
0x25d: {  	_ =	swait.ge [sflag:s14], $0x800  }
0x25e: {  	[sflag:s14] =	ssyncset.done $0x0  }
0x25f: {  	[sflag:s14] =	ssyncadd.s32 $0xFFFFF800  }
0x260: {  	v2 =	vld.idx.msk [tilespmem:v1+s23+$0x0], $0xffff  }
0x261: {  	v3 =	vld.idx.msk [tilespmem:v1+s26+$0x0], $0xffff;
	_ =	sdelay $0x1  }
0x262: {  	v4 =	vld.idx.msk [tilespmem:v1+s29+$0x0], $0xffff;
	_ =	sdelay $0x2  }
0x263: {  	v2 =	vmul.f32 v3, v2;
	v3 =	vor.u32 $0x1, v1;
	_ =	sdelay $0x1  }
0x264: {  	v2 =	vadd.f32 v4, v2  }
0x265: {  	s19 =	simm.s32 $0x6680  }
0x266: {  	[tilespmem:s19+$0xFFFFFD80] =	vst v2  }
0x267: {  	v2 =	vld.idx.msk [tilespmem:v3+s23+$0x0], $0xffff  }
0x268: {  	v56 =	vld.idx.msk [tilespmem:v3+s26+$0x0], $0xffff;
	_ =	sdelay $0x1  }
0x269: {  	v3 =	vld.idx.msk [tilespmem:v3+s29+$0x0], $0xffff;
	_ =	sdelay $0x2  }
0x26a: {  	v57 =	vor.u32 $0x2, v1;
	v2 =	vmul.f32 v56, v2;
	_ =	sdelay $0x1  }
0x26b: {  	v2 =	vadd.f32 v3, v2;
	_ =	sdelay $0x1  }
0x26c: {  	[tilespmem:s19+$0xFFFFFE00] =	vst v2  }
0x26d: {  	v2 =	vld.idx.msk [tilespmem:v57+s23+$0x0], $0xffff  }
0x26e: {  	v3 =	vld.idx.msk [tilespmem:v57+s26+$0x0], $0xffff;
	_ =	sdelay $0x1  }
0x26f: {  	v4 =	vld.idx.msk [tilespmem:v57+s29+$0x0], $0xffff;
	_ =	sdelay $0x2  }
0x270: {  	v2 =	vmul.f32 v3, v2;
	v3 =	vor.u32 $0x3, v1;
	_ =	sdelay $0x1  }
0x271: {  	v2 =	vadd.f32 v4, v2;
	_ =	sdelay $0x1  }
0x272: {  	[tilespmem:s19+$0xFFFFFE80] =	vst v2  }
0x273: {  	v2 =	vld.idx.msk [tilespmem:v3+s23+$0x0], $0xffff  }
0x274: {  	v58 =	vld.idx.msk [tilespmem:v3+s26+$0x0], $0xffff;
	_ =	sdelay $0x1  }
0x275: {  	v3 =	vld.idx.msk [tilespmem:v3+s29+$0x0], $0xffff;
	_ =	sdelay $0x2  }
0x276: {  	v59 =	vor.u32 $0x4, v1;
	v2 =	vmul.f32 v58, v2;
	_ =	sdelay $0x1  }
0x277: {  	v2 =	vadd.f32 v3, v2;
	_ =	sdelay $0x1  }
0x278: {  	[tilespmem:s19+$0xFFFFFF00] =	vst v2  }
0x279: {  	v2 =	vld.idx.msk [tilespmem:v59+s23+$0x0], $0xffff  }
0x27a: {  	v3 =	vld.idx.msk [tilespmem:v59+s26+$0x0], $0xffff;
	_ =	sdelay $0x1  }
0x27b: {  	v4 =	vld.idx.msk [tilespmem:v59+s29+$0x0], $0xffff;
	_ =	sdelay $0x2  }
0x27c: {  	v2 =	vmul.f32 v3, v2;
	v3 =	vor.u32 $0x5, v1;
	_ =	sdelay $0x1  }
0x27d: {  	v2 =	vadd.f32 v4, v2;
	_ =	sdelay $0x1  }
0x27e: {  	[tilespmem:s19+$0xFFFFFF80] =	vst v2  }
0x27f: {  	v2 =	vld.idx.msk [tilespmem:v3+s23+$0x0], $0xffff  }
0x280: {  	v60 =	vld.idx.msk [tilespmem:v3+s26+$0x0], $0xffff;
	_ =	sdelay $0x1  }
0x281: {  	v3 =	vld.idx.msk [tilespmem:v3+s29+$0x0], $0xffff;
	_ =	sdelay $0x2  }
0x282: {  	v61 =	vor.u32 $0x6, v1;
	v2 =	vmul.f32 v60, v2;
	_ =	sdelay $0x1  }
0x283: {  	v2 =	vadd.f32 v3, v2;
	_ =	sdelay $0x1  }
0x284: {  	[tilespmem:s19+$0x0] =	vst v2  }
0x285: {  	v2 =	vld.idx.msk [tilespmem:v61+s23+$0x0], $0xffff  }
0x286: {  	v3 =	vld.idx.msk [tilespmem:v61+s26+$0x0], $0xffff;
	_ =	sdelay $0x1  }
0x287: {  	v4 =	vld.idx.msk [tilespmem:v61+s29+$0x0], $0xffff;
	_ =	sdelay $0x2  }
0x288: {  	v2 =	vmul.f32 v3, v2;
	v3 =	vor.u32 $0x7, v1;
	_ =	sdelay $0x1  }
0x289: {  	v2 =	vadd.f32 v4, v2;
	_ =	sdelay $0x1  }
0x28a: {  	[tilespmem:s19+$0x80] =	vst v2  }
0x28b: {  	v2 =	vld.idx.msk [tilespmem:v3+s23+$0x0], $0xffff  }
0x28c: {  	v62 =	vld.idx.msk [tilespmem:v3+s26+$0x0], $0xffff;
	_ =	sdelay $0x1  }
0x28d: {  	v3 =	vld.idx.msk [tilespmem:v3+s29+$0x0], $0xffff;
	_ =	sdelay $0x2  }
0x28e: {  	v63 =	vor.u32 $0x8, v1;
	v2 =	vmul.f32 v62, v2;
	_ =	sdelay $0x1  }
0x28f: {  	v2 =	vadd.f32 v3, v2;
	_ =	sdelay $0x1  }
0x290: {  	[tilespmem:s19+$0x100] =	vst v2  }
0x291: {  	v2 =	vld.idx.msk [tilespmem:v63+s23+$0x0], $0xffff  }
0x292: {  	v3 =	vld.idx.msk [tilespmem:v63+s26+$0x0], $0xffff;
	_ =	sdelay $0x1  }
0x293: {  	v4 =	vld.idx.msk [tilespmem:v63+s29+$0x0], $0xffff;
	_ =	sdelay $0x2  }
0x294: {  	v2 =	vmul.f32 v3, v2  }
0x295: {  	v1 =	vor.u32 $0x9, v1  }
0x296: {  	v2 =	vadd.f32 v4, v2;
	_ =	sdelay $0x1  }
0x297: {  	s15 =	simm.s32 $0x10;
	s1 =	simm.s32 $0x6680;
	[tilespmem:s19+$0x180] =	vst v2  }
.LBB2_12:
0x298: {  	p0 =	sne.s32 s15, $0x70  }
0x299: {  	v2 =	vld.idx.msk [tilespmem:v1+s26+$0x0], $0xffff;
	s19 =	sadd.s32 $0x10, s19;
	s17 =	smov.u32 s15;
	s15 =	sadd.s32 $0x10, s15  }
0x29a: {  	v3 =	vld.idx.msk [tilespmem:v1+s23+$0x0], $0xffff  }
0x29b: {  	v4 =	vld.idx.msk [tilespmem:v1+s29+$0x0], $0xffff;
	_ =	sdelay $0x1  }
0x29c: {  	v1 =	vmov s17  }
0x29d: {  	v1 =	vshll.u32 v1, $0x4  }
0x29e: {  	v1 =	vor.u32 v0, v1  }
0x29f: {  	v2 =	vmul.f32 v2, v3;
	_ =	sdelay $0x1  }
0x2a0: {  	v2 =	vadd.f32 v4, v2;
	_ =	sdelay $0x1  }
0x2a1: {  	[tilespmem:s1+$0x200] =	vst v2;
	s1 =	smov.u32 s19  }
0x2a2: {  	v2 =	vld.idx.msk [tilespmem:v1+s23+$0x0], $0xffff  }
0x2a3: {  	v3 =	vld.idx.msk [tilespmem:v1+s26+$0x0], $0xffff  }
0x2a4: {  	v4 =	vld.idx.msk [tilespmem:v1+s29+$0x0], $0xffff;
	_ =	sdelay $0x4  }
0x2a5: {  	v2 =	vmul.f32 v3, v2;
	v3 =	vor.u32 $0x1, v1;
	_ =	sdelay $0x1  }
0x2a6: {  	v2 =	vadd.f32 v4, v2;
	_ =	sdelay $0x1  }
0x2a7: {  	[tilespmem:s19+$0xFFFFFD80] =	vst v2  }
0x2a8: {  	v2 =	vld.idx.msk [tilespmem:v3+s23+$0x0], $0xffff  }
0x2a9: {  	v4 =	vld.idx.msk [tilespmem:v3+s26+$0x0], $0xffff;
	_ =	sdelay $0x1  }
0x2aa: {  	v3 =	vld.idx.msk [tilespmem:v3+s29+$0x0], $0xffff;
	_ =	sdelay $0x3  }
0x2ab: {  	v2 =	vmul.f32 v4, v2;
	v4 =	vor.u32 $0x2, v1;
	_ =	sdelay $0x1  }
0x2ac: {  	v2 =	vadd.f32 v3, v2;
	_ =	sdelay $0x1  }
0x2ad: {  	[tilespmem:s19+$0xFFFFFE00] =	vst v2  }
0x2ae: {  	v2 =	vld.idx.msk [tilespmem:v4+s23+$0x0], $0xffff  }
0x2af: {  	v3 =	vld.idx.msk [tilespmem:v4+s26+$0x0], $0xffff;
	_ =	sdelay $0x1  }
0x2b0: {  	v4 =	vld.idx.msk [tilespmem:v4+s29+$0x0], $0xffff;
	_ =	sdelay $0x3  }
0x2b1: {  	v2 =	vmul.f32 v3, v2;
	v3 =	vor.u32 $0x3, v1;
	_ =	sdelay $0x1  }
0x2b2: {  	v2 =	vadd.f32 v4, v2;
	_ =	sdelay $0x1  }
0x2b3: {  	[tilespmem:s19+$0xFFFFFE80] =	vst v2  }
0x2b4: {  	v2 =	vld.idx.msk [tilespmem:v3+s23+$0x0], $0xffff  }
0x2b5: {  	v4 =	vld.idx.msk [tilespmem:v3+s26+$0x0], $0xffff;
	_ =	sdelay $0x1  }
0x2b6: {  	v3 =	vld.idx.msk [tilespmem:v3+s29+$0x0], $0xffff;
	_ =	sdelay $0x3  }
0x2b7: {  	v2 =	vmul.f32 v4, v2;
	v4 =	vor.u32 $0x4, v1;
	_ =	sdelay $0x1  }
0x2b8: {  	v2 =	vadd.f32 v3, v2;
	_ =	sdelay $0x1  }
0x2b9: {  	[tilespmem:s19+$0xFFFFFF00] =	vst v2  }
0x2ba: {  	v2 =	vld.idx.msk [tilespmem:v4+s23+$0x0], $0xffff  }
0x2bb: {  	v3 =	vld.idx.msk [tilespmem:v4+s26+$0x0], $0xffff;
	_ =	sdelay $0x1  }
0x2bc: {  	v4 =	vld.idx.msk [tilespmem:v4+s29+$0x0], $0xffff;
	_ =	sdelay $0x3  }
0x2bd: {  	v2 =	vmul.f32 v3, v2;
	v3 =	vor.u32 $0x5, v1;
	_ =	sdelay $0x1  }
0x2be: {  	v2 =	vadd.f32 v4, v2;
	_ =	sdelay $0x1  }
0x2bf: {  	[tilespmem:s19+$0xFFFFFF80] =	vst v2  }
0x2c0: {  	v2 =	vld.idx.msk [tilespmem:v3+s23+$0x0], $0xffff  }
0x2c1: {  	v4 =	vld.idx.msk [tilespmem:v3+s26+$0x0], $0xffff  }
0x2c2: {  	v3 =	vld.idx.msk [tilespmem:v3+s29+$0x0], $0xffff;
	_ =	sdelay $0x4  }
0x2c3: {  	v2 =	vmul.f32 v4, v2;
	v4 =	vor.u32 $0x6, v1;
	_ =	sdelay $0x1  }
0x2c4: {  	v2 =	vadd.f32 v3, v2;
	_ =	sdelay $0x1  }
0x2c5: {  	[tilespmem:s19+$0x0] =	vst v2  }
0x2c6: {  	v2 =	vld.idx.msk [tilespmem:v4+s23+$0x0], $0xffff  }
0x2c7: {  	v3 =	vld.idx.msk [tilespmem:v4+s26+$0x0], $0xffff  }
0x2c8: {  	v4 =	vld.idx.msk [tilespmem:v4+s29+$0x0], $0xffff;
	_ =	sdelay $0x4  }
0x2c9: {  	v2 =	vmul.f32 v3, v2;
	v3 =	vor.u32 $0x7, v1;
	_ =	sdelay $0x1  }
0x2ca: {  	v2 =	vadd.f32 v4, v2;
	_ =	sdelay $0x1  }
0x2cb: {  	[tilespmem:s19+$0x80] =	vst v2  }
0x2cc: {  	v2 =	vld.idx.msk [tilespmem:v3+s23+$0x0], $0xffff  }
0x2cd: {  	v4 =	vld.idx.msk [tilespmem:v3+s26+$0x0], $0xffff  }
0x2ce: {  	v3 =	vld.idx.msk [tilespmem:v3+s29+$0x0], $0xffff;
	_ =	sdelay $0x4  }
0x2cf: {  	v2 =	vmul.f32 v4, v2;
	v4 =	vor.u32 $0x8, v1;
	_ =	sdelay $0x1  }
0x2d0: {  	v2 =	vadd.f32 v3, v2;
	_ =	sdelay $0x1  }
0x2d1: {  	[tilespmem:s19+$0x100] =	vst v2  }
0x2d2: {  	v2 =	vld.idx.msk [tilespmem:v4+s23+$0x0], $0xffff  }
0x2d3: {  	v3 =	vld.idx.msk [tilespmem:v4+s26+$0x0], $0xffff  }
0x2d4: {  	v4 =	vld.idx.msk [tilespmem:v4+s29+$0x0], $0xffff;
	_ =	sdelay $0x4  }
.Ltmp9:
0x2d5: {  	v1 =	vor.u32 $0x9, v1;
	v2 =	vmul.f32 v3, v2;
	(pc) =	sbr.rel @p0 .LBB2_12-.Ltmp9, $3  }
0x2d6: {  	_ = 	snop  }
0x2d7: {  	v2 =	vadd.f32 v4, v2;
	_ =	sdelay $0x1  }
0x2d8: {  	[tilespmem:s19+$0x180] =	vst v2  }
0x2d9: {  	_ =	sdelay $0x3  }
0x2da: {  	v2 =	vld.idx.msk [tilespmem:v1+s26+$0x0], $0xffff  }
0x2db: {  	v3 =	vld.idx.msk [tilespmem:v1+s23+$0x0], $0xffff;
	_ =	sdelay $0x1  }
0x2dc: {  	v1 =	vld.idx.msk [tilespmem:v1+s29+$0x0], $0xffff;
	_ =	sdelay $0x2  }
0x2dd: {  	v2 =	vmul.f32 v2, v3;
	_ =	sdelay $0x1  }
0x2de: {  	v1 =	vadd.f32 v1, v2  }
0x2df: {  	s8 =	sshll.u32 s8, $0x7;
	s17 =	rddreg [dreg:$0x1]  }
0x2e0: {  	s15 =	simm.s32 $0x6400;
	[tilespmem:s1+$0x200] =	vst v1;
	s1 =	sadd.s32 s17, s8  }
0x2e1: {  	[hbm4b:s1+s2] =	stream.linear.scatter [tilespmem:s15], [sflag:$0x3], $0x400, $0x38;
	[tilespmem:$0x6C00] =	vst v63  }
0x2e2: {  	_ =	swait.ge [sflag:s16], $0x400  }
0x2e3: {  	s20 =	simm.s32 $0x6800;
	[sflag:s16] =	ssyncset.done $0x0  }
.Ltmp10:
0x2e4: {  	s19 =	sadd.s32 s8, s22;
	[sflag:s16] =	ssyncadd.s32 $0xFFFFFC00;
	(pc) =	sbr.rel .LBB2_14-.Ltmp10, $4  }
0x2e5: {  	[hbm4b:s19+s2] =	stream.linear.scatter [tilespmem:s20], [sflag:$0x3], $0x400, $0x38;
	[tilespmem:$0x6C00] =	vst v63  }
0x2e6: {  	_ =	swait.ge [sflag:s16], $0x400  }
0x2e7: {  	[sflag:s16] =	ssyncset.done $0x0  }
0x2e8: {  	[sflag:s16] =	ssyncadd.s32 $0xFFFFFC00  }
.LBB2_16:
0x2e9: {  	_ =	sfence.sel $0x180000  }
0x2ea: {  	[bflag:$0x0] =	sbarrier.arrive $0xFFFF  }
0x2eb: {  	_ =	strace $0x90000047  }
0x2ec: {  	s0 =	stileid.u32;
	[bflag:$0x2] =	sbarrier.arrive $0xFFFF  }
0x2ed: {  	p0 =	sne.s32 s0, $0x0;
	s0 =	rddreg [dreg:$0x2]  }
0x2ee: {  	s0 =	sadd.s32 @!p0 $0x100000, s0  }
0x2ef: {  	[sflag:s0] =	ssyncadd.tile.s32 @!p0 $0x1;
	_ =	shalt  }
.Lfunc_end2:
_tile_overlayer_lowered:
.L_overlay_start_2:
0x2f0: {  	(tag) =	ssettag $0x2  }
0x2f1: {  	s0 =	rddreg [dreg:$0x0];
	s2 =	stileid.u32  }
0x2f2: {  	s1 =	rddreg [dreg:$0x1];
	p0 =	sne.s32 s2, $0x0  }
0x2f3: {  	s3 =	rddreg [dreg:$0x2];
	[bflag:$0x3] =	sbarrier.arrive $0xFFFF;
	s2 =	simm.s32 @!p0 $0x1C03  }
0x2f4: {  	[timem:s3], [sflag:s2] =	dma.local @!p0 [hbm:s0], s1  }
0x2f5: {  	s0 =	simm.s32 @!p0 $0x3  }
0x2f6: {  	_ =	swait.ge @!p0 [sflag:s0], s1  }
0x2f7: {  	s1 =	ssub.s32 @!p0 $0x0, s1;
	[sflag:s0] =	ssyncset.done @!p0 $0x0  }
0x2f8: {  	[sflag:s0] =	ssyncadd.s32 @!p0 s1  }
0x2f9: {  	[bflag:$0x3] =	sbarrier.arrive $0xFFFF  }
0x2fa: {  	_ =	shalt  }

</sc_bundles>
